<compile_context>
chip_gen: v7x
topology: tpu7x:2x2x1
jax: 0.10.2.dev20260603
libtpu: 0.0.44.dev20260713+nightly
codegen_flags: <defaults>
</compile_context>

<pallas_src>
import functools

import jax
import jax.numpy as jnp
from jax import lax
from jax.experimental import pallas as pl
from jax.experimental.pallas import tpu as pltpu
from jax.experimental.pallas import tpu_sc as plsc

DIM = 32
NUM_WORKERS = 32
BT = 128
L = 50
NBT = 128
BT_PER_W = NBT // NUM_WORKERS
RPW = BT_PER_W * BT
PADI = RPW + 1


def _emb_kernel():
    mesh = plsc.VectorSubcoreMesh(core_axis_name="c", subcore_axis_name="s")

    @functools.partial(
        pl.kernel,
        mesh=mesh,
        out_type=jax.ShapeDtypeStruct((L, 4, NBT, 8, BT), jnp.float32),
        scratch_types=[
            pltpu.VMEM((L, RPW), jnp.int32),
            pltpu.VMEM((RPW, DIM), jnp.float32),
            pltpu.VMEM((RPW, DIM), jnp.float32),
            pltpu.VMEM((DIM, PADI), jnp.float32),
            pltpu.VMEM((DIM, PADI), jnp.float32),
            pltpu.SemaphoreType.DMA,
            pltpu.SemaphoreType.DMA,
        ],
        compiler_params=pltpu.CompilerParams(
            use_tc_tiling_on_sc=False, needs_layout_passes=False
        ),
    )
    def k(table, idxq, out5, idx_v, rows0, rows1, tp0, tp1, gsem, wsem):
        c = lax.axis_index("c")
        s = lax.axis_index("s")
        wid = s * 2 + c
        rows = [rows0, rows1]
        tps = [tp0, tp1]

        pltpu.sync_copy(idxq.at[wid], idx_v)

        iota16 = lax.iota(jnp.int32, 16)
        cvec0 = iota16
        cvec1 = iota16 + 16

        def issue_gather(li, buf):
            return pltpu.async_copy(table.at[idx_v.at[li]], rows[buf], gsem)

        def do_pos(si, par):
            li = si * 2 + par
            rowsb = rows[par]
            tpb = tps[par]
            pltpu.make_async_copy(table.at[idx_v.at[li]], rowsb, gsem).wait()
            if par == 0:
                issue_gather(li + 1, 1 - par)
            else:
                @pl.when(si < L // 2 - 1)
                def _():
                    issue_gather(li + 1, 1 - par)

            @pl.when(si >= 1)
            def _():
                for _i in range(4 * BT_PER_W):
                    pltpu.make_async_copy(
                        tpb.at[pl.ds(0, 8), pl.ds(0, BT)],
                        out5.at[0, 0, 0],
                        wsem,
                    ).wait()

            def abody(rr, carry):
                r0 = rr * 4
                for u in range(4):
                    r = r0 + u
                    bvec = jnp.broadcast_to(r, (16,)).astype(jnp.int32)
                    v0 = rowsb[r, pl.ds(0, 16)]
                    v1 = rowsb[r, pl.ds(16, 16)]
                    plsc.store_scatter(tpb, [cvec0, bvec], v0)
                    plsc.store_scatter(tpb, [cvec1, bvec], v1)
                return carry

            lax.fori_loop(0, RPW // 4, abody, 0)

            for dt in range(4):
                for btk in range(BT_PER_W):
                    pltpu.async_copy(
                        tpb.at[pl.ds(dt * 8, 8), pl.ds(btk * BT, BT)],
                        out5.at[li, dt, wid * BT_PER_W + btk],
                        wsem,
                    )

        issue_gather(0, 0)

        def loop_body(si, carry):
            do_pos(si, 0)
            do_pos(si, 1)
            return carry

        lax.fori_loop(0, L // 2, loop_body, 0)

        for _i in range(2 * 4 * BT_PER_W):
            pltpu.make_async_copy(
                tps[0].at[pl.ds(0, 8), pl.ds(0, BT)], out5.at[0, 0, 0], wsem
            ).wait()

    return k


def kernel(input_, table):
    B, _ = input_.shape
    idxq = (
        input_.astype(jnp.int32)
        .T.reshape(L, NUM_WORKERS, RPW)
        .transpose(1, 0, 2)
    )
    out5 = _emb_kernel()(table, idxq)
    return out5.transpose(2, 4, 0, 1, 3).reshape(B, L, DIM)

# --- scband reference (transcript-rebuilt; emitter-appended) ---
"""Pipeline reference for scband-embedding-56006373540226 (READ-ONLY COPY).

The authoritative reference and input builder live on the scoring server;
editing this copy changes nothing except your own understanding.
"""

import jax, jax.numpy as jnp
import numpy as np

VOCAB = 1000000
DIM = 32
B = 16384
L = 50

def setup_inputs(seed: int = 0) -> dict:
    key = jax.random.key(seed)
    k_idx, k_tab = jax.random.split(key)
    input_ = jax.random.randint(k_idx, (B, L), 0, VOCAB, dtype=jnp.int64)
    table = jax.random.normal(k_tab, (VOCAB, DIM), dtype=jnp.float32) * 0.02
    # padding_idx=0 row is initialized to zeros in nn.Embedding
    table = table.at[0].set(0.0)
    return {"input_": input_, "table": table}

def reference(input_, table):
    # nn.Embedding with padding_idx=0: forward is a plain gather; row 0 is the
    # (zero) padding row. Dropout is a no-op in eval mode (training=False).
    t = table.at[0].set(jnp.zeros((DIM,), dtype=table.dtype))
    emb_input = jnp.take(t, input_, axis=0)
    return emb_input

if __name__ == "__main__":
    import jax
    _d = setup_inputs()
    print(jax.jit(kernel)(*tuple(_d.values())))

</pallas_src>

<mosaic_0001>
#map = affine_map<(d0, d1) -> (0, 0)>
#map1 = affine_map<(d0, d1) -> (0, 0, 0)>
#map2 = affine_map<(d0, d1) -> (0, 0, 0, 0, 0)>
module attributes {stable_mosaic.version = 14 : i64} {
  func.func @k(%arg0: i32, %arg1: i32, %arg2: memref<1000000x32xf32, #tpu.memory_space<hbm>>, %arg3: memref<32x50x512xi32, #tpu.memory_space<hbm>>, %arg4: memref<50x4x128x8x128xf32, #tpu.memory_space<hbm>>, %arg5: memref<50x512xi32, #tpu.memory_space<vmem>>, %arg6: memref<512x32xf32, #tpu.memory_space<vmem>>, %arg7: memref<512x32xf32, #tpu.memory_space<vmem>>, %arg8: memref<32x513xf32, #tpu.memory_space<vmem>>, %arg9: memref<32x513xf32, #tpu.memory_space<vmem>>, %arg10: memref<!tpu.dma_semaphore, #tpu.memory_space<semaphore_mem>>, %arg11: memref<!tpu.dma_semaphore, #tpu.memory_space<semaphore_mem>>) attributes {dimension_semantics = [#tpu.dimension_semantics<core_parallel>, #tpu.dimension_semantics<subcore_parallel>], iteration_bounds = array<i64: 2, 16>, scalar_prefetch = 0 : i64, scratch_operands = 7 : i64, tpu.core_type = #tpu.core_type<sc_vector_subcore>, window_params = [{transform_indices = #map}, {transform_indices = #map1}, {transform_indices = #map2}]} {
    %mul3A = arith.constant 2 : i32
    %mul3A_0 = arith.muli %arg1, %mul3A : i32
    %add3A = arith.addi %mul3A_0, %arg0 : i32
    "tpu.region"() ({
      %run_scoped3A = tpu.sem_alloc : memref<!tpu.dma_semaphore, #tpu.memory_space<semaphore_mem>>
      %dma_start3A_558 = arith.constant 0 : i32
      %dma_start3A_559 = arith.constant 0 : i32
      %dma_start3A_560 = tpu.memref_slice %arg3[%add3A, %dma_start3A_558, %dma_start3A_559] : memref<32x50x512xi32, #tpu.memory_space<hbm>> -> memref<1x50x512xi32, #tpu.memory_space<hbm>>
      %dma_start3A_561 = tpu.memref_squeeze %dma_start3A_560 : memref<1x50x512xi32, #tpu.memory_space<hbm>> -> memref<50x512xi32, #tpu.memory_space<hbm>>
      %dma_start3A_562 = arith.constant 0 : i32
      %dma_start3A_563 = arith.constant 0 : i32
      %dma_start3A_564 = tpu.memref_slice %arg3[%add3A, %dma_start3A_562, %dma_start3A_563] : memref<32x50x512xi32, #tpu.memory_space<hbm>> -> memref<1x50x512xi32, #tpu.memory_space<hbm>>
      %dma_start3A_565 = tpu.memref_squeeze %dma_start3A_564 : memref<1x50x512xi32, #tpu.memory_space<hbm>> -> memref<50x512xi32, #tpu.memory_space<hbm>>
      tpu.enqueue_dma source(%dma_start3A_565 : memref<50x512xi32, #tpu.memory_space<hbm>>) target(%arg5 : memref<50x512xi32, #tpu.memory_space<vmem>>) target_semaphore(%run_scoped3A : memref<!tpu.dma_semaphore, #tpu.memory_space<semaphore_mem>>)
      %dma_wait3A_566 = arith.constant 0 : i32
      %dma_wait3A_567 = arith.constant 0 : i32
      %dma_wait3A_568 = tpu.memref_slice %arg3[%add3A, %dma_wait3A_566, %dma_wait3A_567] : memref<32x50x512xi32, #tpu.memory_space<hbm>> -> memref<1x50x512xi32, #tpu.memory_space<hbm>>
      %dma_wait3A_569 = tpu.memref_squeeze %dma_wait3A_568 : memref<1x50x512xi32, #tpu.memory_space<hbm>> -> memref<50x512xi32, #tpu.memory_space<hbm>>
      %dma_wait3A_570 = arith.constant 0 : i32
      %dma_wait3A_571 = arith.constant 0 : i32
      %dma_wait3A_572 = tpu.memref_slice %arg3[%add3A, %dma_wait3A_570, %dma_wait3A_571] : memref<32x50x512xi32, #tpu.memory_space<hbm>> -> memref<1x50x512xi32, #tpu.memory_space<hbm>>
      %dma_wait3A_573 = tpu.memref_squeeze %dma_wait3A_572 : memref<1x50x512xi32, #tpu.memory_space<hbm>> -> memref<50x512xi32, #tpu.memory_space<hbm>>
      tpu.wait_dma2 semaphore(%run_scoped3A : memref<!tpu.dma_semaphore, #tpu.memory_space<semaphore_mem>>) src(%dma_wait3A_573 : memref<50x512xi32, #tpu.memory_space<hbm>>) dst(%arg5 : memref<50x512xi32, #tpu.memory_space<vmem>>)
      tpu.yield
    }) : () -> ()
    %iota3A = tpu.iota {dimensions = array<i32: 0>} : vector<16xi32>
    %add3A_1 = arith.constant 16 : i32
    %add3A_2 = vector.broadcast %add3A_1 : i32 to vector<16xi32>
    %add3A_3 = arith.addi %iota3A, %add3A_2 : vector<16xi32>
    %dma_start3A = arith.constant 0 : i32
    %dma_start3A_4 = arith.constant 0 : i32
    %dma_start3A_5 = tpu.memref_slice %arg5[%dma_start3A, %dma_start3A_4] : memref<50x512xi32, #tpu.memory_space<vmem>> -> memref<1x512xi32, #tpu.memory_space<vmem>>
    %dma_start3A_6 = tpu.memref_squeeze %dma_start3A_5 : memref<1x512xi32, #tpu.memory_space<vmem>> -> memref<512xi32, #tpu.memory_space<vmem>>
    %dma_start3A_7 = arith.constant 0 : i32
    %dma_start3A_8 = arith.constant 0 : i32
    %dma_start3A_9 = tpu.memref_slice %arg2[%dma_start3A_7, %dma_start3A_8] : memref<1000000x32xf32, #tpu.memory_space<hbm>> -> memref<1000000x32xf32, #tpu.memory_space<hbm>>
    tpu.enqueue_indirect_dma source(%dma_start3A_9 : memref<1000000x32xf32, #tpu.memory_space<hbm>>) target(%arg6 : memref<512x32xf32, #tpu.memory_space<vmem>>) offsets(%dma_start3A_6 : memref<512xi32, #tpu.memory_space<vmem>>) semaphore(%arg10 : memref<!tpu.dma_semaphore, #tpu.memory_space<semaphore_mem>>)
    %scan3A = arith.constant 0 : i32
    %scan3A_10 = arith.constant 0 : i32
    %scan3A_11 = arith.constant 25 : i32
    %scan3A_12 = arith.addi %scan3A_10, %scan3A_11 : i32
    %scan3A_13 = arith.constant 1 : i32
    scf.for %scan3A_558 = %scan3A_10 to %scan3A_12 step %scan3A_13  : i32 {
      %mul3A_559 = arith.constant 2 : i32
      %mul3A_560 = arith.muli %scan3A_558, %mul3A_559 : i32
      %add3A_561 = arith.constant 0 : i32
      %add3A_562 = arith.addi %mul3A_560, %add3A_561 : i32
      %dma_wait3A_563 = arith.constant 0 : i32
      %dma_wait3A_564 = tpu.memref_slice %arg5[%add3A_562, %dma_wait3A_563] : memref<50x512xi32, #tpu.memory_space<vmem>> -> memref<1x512xi32, #tpu.memory_space<vmem>>
      %dma_wait3A_565 = tpu.memref_squeeze %dma_wait3A_564 : memref<1x512xi32, #tpu.memory_space<vmem>> -> memref<512xi32, #tpu.memory_space<vmem>>
      %dma_wait3A_566 = arith.constant 0 : i32
      %dma_wait3A_567 = arith.constant 0 : i32
      %dma_wait3A_568 = tpu.memref_slice %arg2[%dma_wait3A_566, %dma_wait3A_567] : memref<1000000x32xf32, #tpu.memory_space<hbm>> -> memref<1000000x32xf32, #tpu.memory_space<hbm>>
      tpu.wait_indirect_dma semaphore(%arg10 : memref<!tpu.dma_semaphore, #tpu.memory_space<semaphore_mem>>) src(%dma_wait3A_568 : memref<1000000x32xf32, #tpu.memory_space<hbm>>) dst(%arg6 : memref<512x32xf32, #tpu.memory_space<vmem>>)
      %add3A_569 = arith.constant 1 : i32
      %add3A_570 = arith.addi %add3A_562, %add3A_569 : i32
      %dma_start3A_571 = arith.constant 0 : i32
      %dma_start3A_572 = tpu.memref_slice %arg5[%add3A_570, %dma_start3A_571] : memref<50x512xi32, #tpu.memory_space<vmem>> -> memref<1x512xi32, #tpu.memory_space<vmem>>
      %dma_start3A_573 = tpu.memref_squeeze %dma_start3A_572 : memref<1x512xi32, #tpu.memory_space<vmem>> -> memref<512xi32, #tpu.memory_space<vmem>>
      %dma_start3A_574 = arith.constant 0 : i32
      %dma_start3A_575 = arith.constant 0 : i32
      %dma_start3A_576 = tpu.memref_slice %arg2[%dma_start3A_574, %dma_start3A_575] : memref<1000000x32xf32, #tpu.memory_space<hbm>> -> memref<1000000x32xf32, #tpu.memory_space<hbm>>
      tpu.enqueue_indirect_dma source(%dma_start3A_576 : memref<1000000x32xf32, #tpu.memory_space<hbm>>) target(%arg7 : memref<512x32xf32, #tpu.memory_space<vmem>>) offsets(%dma_start3A_573 : memref<512xi32, #tpu.memory_space<vmem>>) semaphore(%arg10 : memref<!tpu.dma_semaphore, #tpu.memory_space<semaphore_mem>>)
      %ge3A = arith.constant 1 : i32
      %ge3A_577 = arith.cmpi sge, %scan3A_558, %ge3A : i32
      %convert_element_type3A = arith.extui %ge3A_577 : i1 to i32
      %cond3A = arith.constant 0 : i32
      %cond3A_578 = arith.cmpi ne, %convert_element_type3A, %cond3A : i32
      scf.if %cond3A_578 {
        %dma_wait3A_1218 = arith.constant 0 : i32
        %dma_wait3A_1219 = arith.constant 0 : i32
        %dma_wait3A_1220 = arith.constant 0 : i32
        %dma_wait3A_1221 = arith.constant 0 : i32
        %dma_wait3A_1222 = arith.constant 0 : i32
        %dma_wait3A_1223 = tpu.memref_slice %arg8[%dma_wait3A_1221, %dma_wait3A_1222] : memref<32x513xf32, #tpu.memory_space<vmem>> -> memref<8x128xf32, #tpu.memory_space<vmem>>
        %dma_wait3A_1224 = arith.constant 0 : i32
        %dma_wait3A_1225 = arith.constant 0 : i32
        %dma_wait3A_1226 = tpu.memref_slice %arg4[%dma_wait3A_1218, %dma_wait3A_1219, %dma_wait3A_1220, %dma_wait3A_1224, %dma_wait3A_1225] : memref<50x4x128x8x128xf32, #tpu.memory_space<hbm>> -> memref<1x1x1x8x128xf32, #tpu.memory_space<hbm>>
        %dma_wait3A_1227 = tpu.memref_squeeze %dma_wait3A_1226 : memref<1x1x1x8x128xf32, #tpu.memory_space<hbm>> -> memref<8x128xf32, #tpu.memory_space<hbm>>
        %dma_wait3A_1228 = arith.constant 0 : i32
        %dma_wait3A_1229 = arith.constant 0 : i32
        %dma_wait3A_1230 = tpu.memref_slice %arg4[%dma_wait3A_1218, %dma_wait3A_1219, %dma_wait3A_1220, %dma_wait3A_1228, %dma_wait3A_1229] : memref<50x4x128x8x128xf32, #tpu.memory_space<hbm>> -> memref<1x1x1x8x128xf32, #tpu.memory_space<hbm>>
        %dma_wait3A_1231 = tpu.memref_squeeze %dma_wait3A_1230 : memref<1x1x1x8x128xf32, #tpu.memory_space<hbm>> -> memref<8x128xf32, #tpu.memory_space<hbm>>
        %dma_wait3A_1232 = arith.constant 0 : i32
        %dma_wait3A_1233 = arith.constant 0 : i32
        %dma_wait3A_1234 = tpu.memref_slice %arg8[%dma_wait3A_1232, %dma_wait3A_1233] : memref<32x513xf32, #tpu.memory_space<vmem>> -> memref<8x128xf32, #tpu.memory_space<vmem>>
        tpu.wait_dma2 semaphore(%arg11 : memref<!tpu.dma_semaphore, #tpu.memory_space<semaphore_mem>>) src(%dma_wait3A_1234 : memref<8x128xf32, #tpu.memory_space<vmem>>) dst(%dma_wait3A_1231 : memref<8x128xf32, #tpu.memory_space<hbm>>)
        %dma_wait3A_1235 = arith.constant 0 : i32
        %dma_wait3A_1236 = arith.constant 0 : i32
        %dma_wait3A_1237 = arith.constant 0 : i32
        %dma_wait3A_1238 = arith.constant 0 : i32
        %dma_wait3A_1239 = arith.constant 0 : i32
        %dma_wait3A_1240 = tpu.memref_slice %arg8[%dma_wait3A_1238, %dma_wait3A_1239] : memref<32x513xf32, #tpu.memory_space<vmem>> -> memref<8x128xf32, #tpu.memory_space<vmem>>
        %dma_wait3A_1241 = arith.constant 0 : i32
        %dma_wait3A_1242 = arith.constant 0 : i32
        %dma_wait3A_1243 = tpu.memref_slice %arg4[%dma_wait3A_1235, %dma_wait3A_1236, %dma_wait3A_1237, %dma_wait3A_1241, %dma_wait3A_1242] : memref<50x4x128x8x128xf32, #tpu.memory_space<hbm>> -> memref<1x1x1x8x128xf32, #tpu.memory_space<hbm>>
        %dma_wait3A_1244 = tpu.memref_squeeze %dma_wait3A_1243 : memref<1x1x1x8x128xf32, #tpu.memory_space<hbm>> -> memref<8x128xf32, #tpu.memory_space<hbm>>
        %dma_wait3A_1245 = arith.constant 0 : i32
        %dma_wait3A_1246 = arith.constant 0 : i32
        %dma_wait3A_1247 = tpu.memref_slice %arg4[%dma_wait3A_1235, %dma_wait3A_1236, %dma_wait3A_1237, %dma_wait3A_1245, %dma_wait3A_1246] : memref<50x4x128x8x128xf32, #tpu.memory_space<hbm>> -> memref<1x1x1x8x128xf32, #tpu.memory_space<hbm>>
        %dma_wait3A_1248 = tpu.memref_squeeze %dma_wait3A_1247 : memref<1x1x1x8x128xf32, #tpu.memory_space<hbm>> -> memref<8x128xf32, #tpu.memory_space<hbm>>
        %dma_wait3A_1249 = arith.constant 0 : i32
        %dma_wait3A_1250 = arith.constant 0 : i32
        %dma_wait3A_1251 = tpu.memref_slice %arg8[%dma_wait3A_1249, %dma_wait3A_1250] : memref<32x513xf32, #tpu.memory_space<vmem>> -> memref<8x128xf32, #tpu.memory_space<vmem>>
        tpu.wait_dma2 semaphore(%arg11 : memref<!tpu.dma_semaphore, #tpu.memory_space<semaphore_mem>>) src(%dma_wait3A_1251 : memref<8x128xf32, #tpu.memory_space<vmem>>) dst(%dma_wait3A_1248 : memref<8x128xf32, #tpu.memory_space<hbm>>)
        %dma_wait3A_1252 = arith.constant 0 : i32
        %dma_wait3A_1253 = arith.constant 0 : i32
        %dma_wait3A_1254 = arith.constant 0 : i32
        %dma_wait3A_1255 = arith.constant 0 : i32
        %dma_wait3A_1256 = arith.constant 0 : i32
        %dma_wait3A_1257 = tpu.memref_slice %arg8[%dma_wait3A_1255, %dma_wait3A_1256] : memref<32x513xf32, #tpu.memory_space<vmem>> -> memref<8x128xf32, #tpu.memory_space<vmem>>
        %dma_wait3A_1258 = arith.constant 0 : i32
        %dma_wait3A_1259 = arith.constant 0 : i32
        %dma_wait3A_1260 = tpu.memref_slice %arg4[%dma_wait3A_1252, %dma_wait3A_1253, %dma_wait3A_1254, %dma_wait3A_1258, %dma_wait3A_1259] : memref<50x4x128x8x128xf32, #tpu.memory_space<hbm>> -> memref<1x1x1x8x128xf32, #tpu.memory_space<hbm>>
        %dma_wait3A_1261 = tpu.memref_squeeze %dma_wait3A_1260 : memref<1x1x1x8x128xf32, #tpu.memory_space<hbm>> -> memref<8x128xf32, #tpu.memory_space<hbm>>
        %dma_wait3A_1262 = arith.constant 0 : i32
        %dma_wait3A_1263 = arith.constant 0 : i32
        %dma_wait3A_1264 = tpu.memref_slice %arg4[%dma_wait3A_1252, %dma_wait3A_1253, %dma_wait3A_1254, %dma_wait3A_1262, %dma_wait3A_1263] : memref<50x4x128x8x128xf32, #tpu.memory_space<hbm>> -> memref<1x1x1x8x128xf32, #tpu.memory_space<hbm>>
        %dma_wait3A_1265 = tpu.memref_squeeze %dma_wait3A_1264 : memref<1x1x1x8x128xf32, #tpu.memory_space<hbm>> -> memref<8x128xf32, #tpu.memory_space<hbm>>
        %dma_wait3A_1266 = arith.constant 0 : i32
        %dma_wait3A_1267 = arith.constant 0 : i32
        %dma_wait3A_1268 = tpu.memref_slice %arg8[%dma_wait3A_1266, %dma_wait3A_1267] : memref<32x513xf32, #tpu.memory_space<vmem>> -> memref<8x128xf32, #tpu.memory_space<vmem>>
        tpu.wait_dma2 semaphore(%arg11 : memref<!tpu.dma_semaphore, #tpu.memory_space<semaphore_mem>>) src(%dma_wait3A_1268 : memref<8x128xf32, #tpu.memory_space<vmem>>) dst(%dma_wait3A_1265 : memref<8x128xf32, #tpu.memory_space<hbm>>)
        %dma_wait3A_1269 = arith.constant 0 : i32
        %dma_wait3A_1270 = arith.constant 0 : i32
        %dma_wait3A_1271 = arith.constant 0 : i32
        %dma_wait3A_1272 = arith.constant 0 : i32
        %dma_wait3A_1273 = arith.constant 0 : i32
        %dma_wait3A_1274 = tpu.memref_slice %arg8[%dma_wait3A_1272, %dma_wait3A_1273] : memref<32x513xf32, #tpu.memory_space<vmem>> -> memref<8x128xf32, #tpu.memory_space<vmem>>
        %dma_wait3A_1275 = arith.constant 0 : i32
        %dma_wait3A_1276 = arith.constant 0 : i32
        %dma_wait3A_1277 = tpu.memref_slice %arg4[%dma_wait3A_1269, %dma_wait3A_1270, %dma_wait3A_1271, %dma_wait3A_1275, %dma_wait3A_1276] : memref<50x4x128x8x128xf32, #tpu.memory_space<hbm>> -> memref<1x1x1x8x128xf32, #tpu.memory_space<hbm>>
        %dma_wait3A_1278 = tpu.memref_squeeze %dma_wait3A_1277 : memref<1x1x1x8x128xf32, #tpu.memory_space<hbm>> -> memref<8x128xf32, #tpu.memory_space<hbm>>
        %dma_wait3A_1279 = arith.constant 0 : i32
        %dma_wait3A_1280 = arith.constant 0 : i32
        %dma_wait3A_1281 = tpu.memref_slice %arg4[%dma_wait3A_1269, %dma_wait3A_1270, %dma_wait3A_1271, %dma_wait3A_1279, %dma_wait3A_1280] : memref<50x4x128x8x128xf32, #tpu.memory_space<hbm>> -> memref<1x1x1x8x128xf32, #tpu.memory_space<hbm>>
        %dma_wait3A_1282 = tpu.memref_squeeze %dma_wait3A_1281 : memref<1x1x1x8x128xf32, #tpu.memory_space<hbm>> -> memref<8x128xf32, #tpu.memory_space<hbm>>
        %dma_wait3A_1283 = arith.constant 0 : i32
        %dma_wait3A_1284 = arith.constant 0 : i32
        %dma_wait3A_1285 = tpu.memref_slice %arg8[%dma_wait3A_1283, %dma_wait3A_1284] : memref<32x513xf32, #tpu.memory_space<vmem>> -> memref<8x128xf32, #tpu.memory_space<vmem>>
        tpu.wait_dma2 semaphore(%arg11 : memref<!tpu.dma_semaphore, #tpu.memory_space<semaphore_mem>>) src(%dma_wait3A_1285 : memref<8x128xf32, #tpu.memory_space<vmem>>) dst(%dma_wait3A_1282 : memref<8x128xf32, #tpu.memory_space<hbm>>)
        %dma_wait3A_1286 = arith.constant 0 : i32
        %dma_wait3A_1287 = arith.constant 0 : i32
        %dma_wait3A_1288 = arith.constant 0 : i32
        %dma_wait3A_1289 = arith.constant 0 : i32
        %dma_wait3A_1290 = arith.constant 0 : i32
        %dma_wait3A_1291 = tpu.memref_slice %arg8[%dma_wait3A_1289, %dma_wait3A_1290] : memref<32x513xf32, #tpu.memory_space<vmem>> -> memref<8x128xf32, #tpu.memory_space<vmem>>
        %dma_wait3A_1292 = arith.constant 0 : i32
        %dma_wait3A_1293 = arith.constant 0 : i32
        %dma_wait3A_1294 = tpu.memref_slice %arg4[%dma_wait3A_1286, %dma_wait3A_1287, %dma_wait3A_1288, %dma_wait3A_1292, %dma_wait3A_1293] : memref<50x4x128x8x128xf32, #tpu.memory_space<hbm>> -> memref<1x1x1x8x128xf32, #tpu.memory_space<hbm>>
        %dma_wait3A_1295 = tpu.memref_squeeze %dma_wait3A_1294 : memref<1x1x1x8x128xf32, #tpu.memory_space<hbm>> -> memref<8x128xf32, #tpu.memory_space<hbm>>
        %dma_wait3A_1296 = arith.constant 0 : i32
        %dma_wait3A_1297 = arith.constant 0 : i32
        %dma_wait3A_1298 = tpu.memref_slice %arg4[%dma_wait3A_1286, %dma_wait3A_1287, %dma_wait3A_1288, %dma_wait3A_1296, %dma_wait3A_1297] : memref<50x4x128x8x128xf32, #tpu.memory_space<hbm>> -> memref<1x1x1x8x128xf32, #tpu.memory_space<hbm>>
        %dma_wait3A_1299 = tpu.memref_squeeze %dma_wait3A_1298 : memref<1x1x1x8x128xf32, #tpu.memory_space<hbm>> -> memref<8x128xf32, #tpu.memory_space<hbm>>
        %dma_wait3A_1300 = arith.constant 0 : i32
        %dma_wait3A_1301 = arith.constant 0 : i32
        %dma_wait3A_1302 = tpu.memref_slice %arg8[%dma_wait3A_1300, %dma_wait3A_1301] : memref<32x513xf32, #tpu.memory_space<vmem>> -> memref<8x128xf32, #tpu.memory_space<vmem>>
        tpu.wait_dma2 semaphore(%arg11 : memref<!tpu.dma_semaphore, #tpu.memory_space<semaphore_mem>>) src(%dma_wait3A_1302 : memref<8x128xf32, #tpu.memory_space<vmem>>) dst(%dma_wait3A_1299 : memref<8x128xf32, #tpu.memory_space<hbm>>)
        %dma_wait3A_1303 = arith.constant 0 : i32
        %dma_wait3A_1304 = arith.constant 0 : i32
        %dma_wait3A_1305 = arith.constant 0 : i32
        %dma_wait3A_1306 = arith.constant 0 : i32
        %dma_wait3A_1307 = arith.constant 0 : i32
        %dma_wait3A_1308 = tpu.memref_slice %arg8[%dma_wait3A_1306, %dma_wait3A_1307] : memref<32x513xf32, #tpu.memory_space<vmem>> -> memref<8x128xf32, #tpu.memory_space<vmem>>
        %dma_wait3A_1309 = arith.constant 0 : i32
        %dma_wait3A_1310 = arith.constant 0 : i32
        %dma_wait3A_1311 = tpu.memref_slice %arg4[%dma_wait3A_1303, %dma_wait3A_1304, %dma_wait3A_1305, %dma_wait3A_1309, %dma_wait3A_1310] : memref<50x4x128x8x128xf32, #tpu.memory_space<hbm>> -> memref<1x1x1x8x128xf32, #tpu.memory_space<hbm>>
        %dma_wait3A_1312 = tpu.memref_squeeze %dma_wait3A_1311 : memref<1x1x1x8x128xf32, #tpu.memory_space<hbm>> -> memref<8x128xf32, #tpu.memory_space<hbm>>
        %dma_wait3A_1313 = arith.constant 0 : i32
        %dma_wait3A_1314 = arith.constant 0 : i32
        %dma_wait3A_1315 = tpu.memref_slice %arg4[%dma_wait3A_1303, %dma_wait3A_1304, %dma_wait3A_1305, %dma_wait3A_1313, %dma_wait3A_1314] : memref<50x4x128x8x128xf32, #tpu.memory_space<hbm>> -> memref<1x1x1x8x128xf32, #tpu.memory_space<hbm>>
        %dma_wait3A_1316 = tpu.memref_squeeze %dma_wait3A_1315 : memref<1x1x1x8x128xf32, #tpu.memory_space<hbm>> -> memref<8x128xf32, #tpu.memory_space<hbm>>
        %dma_wait3A_1317 = arith.constant 0 : i32
        %dma_wait3A_1318 = arith.constant 0 : i32
        %dma_wait3A_1319 = tpu.memref_slice %arg8[%dma_wait3A_1317, %dma_wait3A_1318] : memref<32x513xf32, #tpu.memory_space<vmem>> -> memref<8x128xf32, #tpu.memory_space<vmem>>
        tpu.wait_dma2 semaphore(%arg11 : memref<!tpu.dma_semaphore, #tpu.memory_space<semaphore_mem>>) src(%dma_wait3A_1319 : memref<8x128xf32, #tpu.memory_space<vmem>>) dst(%dma_wait3A_1316 : memref<8x128xf32, #tpu.memory_space<hbm>>)
        %dma_wait3A_1320 = arith.constant 0 : i32
        %dma_wait3A_1321 = arith.constant 0 : i32
        %dma_wait3A_1322 = arith.constant 0 : i32
        %dma_wait3A_1323 = arith.constant 0 : i32
        %dma_wait3A_1324 = arith.constant 0 : i32
        %dma_wait3A_1325 = tpu.memref_slice %arg8[%dma_wait3A_1323, %dma_wait3A_1324] : memref<32x513xf32, #tpu.memory_space<vmem>> -> memref<8x128xf32, #tpu.memory_space<vmem>>
        %dma_wait3A_1326 = arith.constant 0 : i32
        %dma_wait3A_1327 = arith.constant 0 : i32
        %dma_wait3A_1328 = tpu.memref_slice %arg4[%dma_wait3A_1320, %dma_wait3A_1321, %dma_wait3A_1322, %dma_wait3A_1326, %dma_wait3A_1327] : memref<50x4x128x8x128xf32, #tpu.memory_space<hbm>> -> memref<1x1x1x8x128xf32, #tpu.memory_space<hbm>>
        %dma_wait3A_1329 = tpu.memref_squeeze %dma_wait3A_1328 : memref<1x1x1x8x128xf32, #tpu.memory_space<hbm>> -> memref<8x128xf32, #tpu.memory_space<hbm>>
        %dma_wait3A_1330 = arith.constant 0 : i32
        %dma_wait3A_1331 = arith.constant 0 : i32
        %dma_wait3A_1332 = tpu.memref_slice %arg4[%dma_wait3A_1320, %dma_wait3A_1321, %dma_wait3A_1322, %dma_wait3A_1330, %dma_wait3A_1331] : memref<50x4x128x8x128xf32, #tpu.memory_space<hbm>> -> memref<1x1x1x8x128xf32, #tpu.memory_space<hbm>>
        %dma_wait3A_1333 = tpu.memref_squeeze %dma_wait3A_1332 : memref<1x1x1x8x128xf32, #tpu.memory_space<hbm>> -> memref<8x128xf32, #tpu.memory_space<hbm>>
        %dma_wait3A_1334 = arith.constant 0 : i32
        %dma_wait3A_1335 = arith.constant 0 : i32
        %dma_wait3A_1336 = tpu.memref_slice %arg8[%dma_wait3A_1334, %dma_wait3A_1335] : memref<32x513xf32, #tpu.memory_space<vmem>> -> memref<8x128xf32, #tpu.memory_space<vmem>>
        tpu.wait_dma2 semaphore(%arg11 : memref<!tpu.dma_semaphore, #tpu.memory_space<semaphore_mem>>) src(%dma_wait3A_1336 : memref<8x128xf32, #tpu.memory_space<vmem>>) dst(%dma_wait3A_1333 : memref<8x128xf32, #tpu.memory_space<hbm>>)
        %dma_wait3A_1337 = arith.constant 0 : i32
        %dma_wait3A_1338 = arith.constant 0 : i32
        %dma_wait3A_1339 = arith.constant 0 : i32
        %dma_wait3A_1340 = arith.constant 0 : i32
        %dma_wait3A_1341 = arith.constant 0 : i32
        %dma_wait3A_1342 = tpu.memref_slice %arg8[%dma_wait3A_1340, %dma_wait3A_1341] : memref<32x513xf32, #tpu.memory_space<vmem>> -> memref<8x128xf32, #tpu.memory_space<vmem>>
        %dma_wait3A_1343 = arith.constant 0 : i32
        %dma_wait3A_1344 = arith.constant 0 : i32
        %dma_wait3A_1345 = tpu.memref_slice %arg4[%dma_wait3A_1337, %dma_wait3A_1338, %dma_wait3A_1339, %dma_wait3A_1343, %dma_wait3A_1344] : memref<50x4x128x8x128xf32, #tpu.memory_space<hbm>> -> memref<1x1x1x8x128xf32, #tpu.memory_space<hbm>>
        %dma_wait3A_1346 = tpu.memref_squeeze %dma_wait3A_1345 : memref<1x1x1x8x128xf32, #tpu.memory_space<hbm>> -> memref<8x128xf32, #tpu.memory_space<hbm>>
        %dma_wait3A_1347 = arith.constant 0 : i32
        %dma_wait3A_1348 = arith.constant 0 : i32
        %dma_wait3A_1349 = tpu.memref_slice %arg4[%dma_wait3A_1337, %dma_wait3A_1338, %dma_wait3A_1339, %dma_wait3A_1347, %dma_wait3A_1348] : memref<50x4x128x8x128xf32, #tpu.memory_space<hbm>> -> memref<1x1x1x8x128xf32, #tpu.memory_space<hbm>>
        %dma_wait3A_1350 = tpu.memref_squeeze %dma_wait3A_1349 : memref<1x1x1x8x128xf32, #tpu.memory_space<hbm>> -> memref<8x128xf32, #tpu.memory_space<hbm>>
        %dma_wait3A_1351 = arith.constant 0 : i32
        %dma_wait3A_1352 = arith.constant 0 : i32
        %dma_wait3A_1353 = tpu.memref_slice %arg8[%dma_wait3A_1351, %dma_wait3A_1352] : memref<32x513xf32, #tpu.memory_space<vmem>> -> memref<8x128xf32, #tpu.memory_space<vmem>>
        tpu.wait_dma2 semaphore(%arg11 : memref<!tpu.dma_semaphore, #tpu.memory_space<semaphore_mem>>) src(%dma_wait3A_1353 : memref<8x128xf32, #tpu.memory_space<vmem>>) dst(%dma_wait3A_1350 : memref<8x128xf32, #tpu.memory_space<hbm>>)
        %dma_wait3A_1354 = arith.constant 0 : i32
        %dma_wait3A_1355 = arith.constant 0 : i32
        %dma_wait3A_1356 = arith.constant 0 : i32
        %dma_wait3A_1357 = arith.constant 0 : i32
        %dma_wait3A_1358 = arith.constant 0 : i32
        %dma_wait3A_1359 = tpu.memref_slice %arg8[%dma_wait3A_1357, %dma_wait3A_1358] : memref<32x513xf32, #tpu.memory_space<vmem>> -> memref<8x128xf32, #tpu.memory_space<vmem>>
        %dma_wait3A_1360 = arith.constant 0 : i32
        %dma_wait3A_1361 = arith.constant 0 : i32
        %dma_wait3A_1362 = tpu.memref_slice %arg4[%dma_wait3A_1354, %dma_wait3A_1355, %dma_wait3A_1356, %dma_wait3A_1360, %dma_wait3A_1361] : memref<50x4x128x8x128xf32, #tpu.memory_space<hbm>> -> memref<1x1x1x8x128xf32, #tpu.memory_space<hbm>>
        %dma_wait3A_1363 = tpu.memref_squeeze %dma_wait3A_1362 : memref<1x1x1x8x128xf32, #tpu.memory_space<hbm>> -> memref<8x128xf32, #tpu.memory_space<hbm>>
        %dma_wait3A_1364 = arith.constant 0 : i32
        %dma_wait3A_1365 = arith.constant 0 : i32
        %dma_wait3A_1366 = tpu.memref_slice %arg4[%dma_wait3A_1354, %dma_wait3A_1355, %dma_wait3A_1356, %dma_wait3A_1364, %dma_wait3A_1365] : memref<50x4x128x8x128xf32, #tpu.memory_space<hbm>> -> memref<1x1x1x8x128xf32, #tpu.memory_space<hbm>>
        %dma_wait3A_1367 = tpu.memref_squeeze %dma_wait3A_1366 : memref<1x1x1x8x128xf32, #tpu.memory_space<hbm>> -> memref<8x128xf32, #tpu.memory_space<hbm>>
        %dma_wait3A_1368 = arith.constant 0 : i32
        %dma_wait3A_1369 = arith.constant 0 : i32
        %dma_wait3A_1370 = tpu.memref_slice %arg8[%dma_wait3A_1368, %dma_wait3A_1369] : memref<32x513xf32, #tpu.memory_space<vmem>> -> memref<8x128xf32, #tpu.memory_space<vmem>>
        tpu.wait_dma2 semaphore(%arg11 : memref<!tpu.dma_semaphore, #tpu.memory_space<semaphore_mem>>) src(%dma_wait3A_1370 : memref<8x128xf32, #tpu.memory_space<vmem>>) dst(%dma_wait3A_1367 : memref<8x128xf32, #tpu.memory_space<hbm>>)
        %dma_wait3A_1371 = arith.constant 0 : i32
        %dma_wait3A_1372 = arith.constant 0 : i32
        %dma_wait3A_1373 = arith.constant 0 : i32
        %dma_wait3A_1374 = arith.constant 0 : i32
        %dma_wait3A_1375 = arith.constant 0 : i32
        %dma_wait3A_1376 = tpu.memref_slice %arg8[%dma_wait3A_1374, %dma_wait3A_1375] : memref<32x513xf32, #tpu.memory_space<vmem>> -> memref<8x128xf32, #tpu.memory_space<vmem>>
        %dma_wait3A_1377 = arith.constant 0 : i32
        %dma_wait3A_1378 = arith.constant 0 : i32
        %dma_wait3A_1379 = tpu.memref_slice %arg4[%dma_wait3A_1371, %dma_wait3A_1372, %dma_wait3A_1373, %dma_wait3A_1377, %dma_wait3A_1378] : memref<50x4x128x8x128xf32, #tpu.memory_space<hbm>> -> memref<1x1x1x8x128xf32, #tpu.memory_space<hbm>>
        %dma_wait3A_1380 = tpu.memref_squeeze %dma_wait3A_1379 : memref<1x1x1x8x128xf32, #tpu.memory_space<hbm>> -> memref<8x128xf32, #tpu.memory_space<hbm>>
        %dma_wait3A_1381 = arith.constant 0 : i32
        %dma_wait3A_1382 = arith.constant 0 : i32
        %dma_wait3A_1383 = tpu.memref_slice %arg4[%dma_wait3A_1371, %dma_wait3A_1372, %dma_wait3A_1373, %dma_wait3A_1381, %dma_wait3A_1382] : memref<50x4x128x8x128xf32, #tpu.memory_space<hbm>> -> memref<1x1x1x8x128xf32, #tpu.memory_space<hbm>>
        %dma_wait3A_1384 = tpu.memref_squeeze %dma_wait3A_1383 : memref<1x1x1x8x128xf32, #tpu.memory_space<hbm>> -> memref<8x128xf32, #tpu.memory_space<hbm>>
        %dma_wait3A_1385 = arith.constant 0 : i32
        %dma_wait3A_1386 = arith.constant 0 : i32
        %dma_wait3A_1387 = tpu.memref_slice %arg8[%dma_wait3A_1385, %dma_wait3A_1386] : memref<32x513xf32, #tpu.memory_space<vmem>> -> memref<8x128xf32, #tpu.memory_space<vmem>>
        tpu.wait_dma2 semaphore(%arg11 : memref<!tpu.dma_semaphore, #tpu.memory_space<semaphore_mem>>) src(%dma_wait3A_1387 : memref<8x128xf32, #tpu.memory_space<vmem>>) dst(%dma_wait3A_1384 : memref<8x128xf32, #tpu.memory_space<hbm>>)
        %dma_wait3A_1388 = arith.constant 0 : i32
        %dma_wait3A_1389 = arith.constant 0 : i32
        %dma_wait3A_1390 = arith.constant 0 : i32
        %dma_wait3A_1391 = arith.constant 0 : i32
        %dma_wait3A_1392 = arith.constant 0 : i32
        %dma_wait3A_1393 = tpu.memref_slice %arg8[%dma_wait3A_1391, %dma_wait3A_1392] : memref<32x513xf32, #tpu.memory_space<vmem>> -> memref<8x128xf32, #tpu.memory_space<vmem>>
        %dma_wait3A_1394 = arith.constant 0 : i32
        %dma_wait3A_1395 = arith.constant 0 : i32
        %dma_wait3A_1396 = tpu.memref_slice %arg4[%dma_wait3A_1388, %dma_wait3A_1389, %dma_wait3A_1390, %dma_wait3A_1394, %dma_wait3A_1395] : memref<50x4x128x8x128xf32, #tpu.memory_space<hbm>> -> memref<1x1x1x8x128xf32, #tpu.memory_space<hbm>>
        %dma_wait3A_1397 = tpu.memref_squeeze %dma_wait3A_1396 : memref<1x1x1x8x128xf32, #tpu.memory_space<hbm>> -> memref<8x128xf32, #tpu.memory_space<hbm>>
        %dma_wait3A_1398 = arith.constant 0 : i32
        %dma_wait3A_1399 = arith.constant 0 : i32
        %dma_wait3A_1400 = tpu.memref_slice %arg4[%dma_wait3A_1388, %dma_wait3A_1389, %dma_wait3A_1390, %dma_wait3A_1398, %dma_wait3A_1399] : memref<50x4x128x8x128xf32, #tpu.memory_space<hbm>> -> memref<1x1x1x8x128xf32, #tpu.memory_space<hbm>>
        %dma_wait3A_1401 = tpu.memref_squeeze %dma_wait3A_1400 : memref<1x1x1x8x128xf32, #tpu.memory_space<hbm>> -> memref<8x128xf32, #tpu.memory_space<hbm>>
        %dma_wait3A_1402 = arith.constant 0 : i32
        %dma_wait3A_1403 = arith.constant 0 : i32
        %dma_wait3A_1404 = tpu.memref_slice %arg8[%dma_wait3A_1402, %dma_wait3A_1403] : memref<32x513xf32, #tpu.memory_space<vmem>> -> memref<8x128xf32, #tpu.memory_space<vmem>>
        tpu.wait_dma2 semaphore(%arg11 : memref<!tpu.dma_semaphore, #tpu.memory_space<semaphore_mem>>) src(%dma_wait3A_1404 : memref<8x128xf32, #tpu.memory_space<vmem>>) dst(%dma_wait3A_1401 : memref<8x128xf32, #tpu.memory_space<hbm>>)
        %dma_wait3A_1405 = arith.constant 0 : i32
        %dma_wait3A_1406 = arith.constant 0 : i32
        %dma_wait3A_1407 = arith.constant 0 : i32
        %dma_wait3A_1408 = arith.constant 0 : i32
        %dma_wait3A_1409 = arith.constant 0 : i32
        %dma_wait3A_1410 = tpu.memref_slice %arg8[%dma_wait3A_1408, %dma_wait3A_1409] : memref<32x513xf32, #tpu.memory_space<vmem>> -> memref<8x128xf32, #tpu.memory_space<vmem>>
        %dma_wait3A_1411 = arith.constant 0 : i32
        %dma_wait3A_1412 = arith.constant 0 : i32
        %dma_wait3A_1413 = tpu.memref_slice %arg4[%dma_wait3A_1405, %dma_wait3A_1406, %dma_wait3A_1407, %dma_wait3A_1411, %dma_wait3A_1412] : memref<50x4x128x8x128xf32, #tpu.memory_space<hbm>> -> memref<1x1x1x8x128xf32, #tpu.memory_space<hbm>>
        %dma_wait3A_1414 = tpu.memref_squeeze %dma_wait3A_1413 : memref<1x1x1x8x128xf32, #tpu.memory_space<hbm>> -> memref<8x128xf32, #tpu.memory_space<hbm>>
        %dma_wait3A_1415 = arith.constant 0 : i32
        %dma_wait3A_1416 = arith.constant 0 : i32
        %dma_wait3A_1417 = tpu.memref_slice %arg4[%dma_wait3A_1405, %dma_wait3A_1406, %dma_wait3A_1407, %dma_wait3A_1415, %dma_wait3A_1416] : memref<50x4x128x8x128xf32, #tpu.memory_space<hbm>> -> memref<1x1x1x8x128xf32, #tpu.memory_space<hbm>>
        %dma_wait3A_1418 = tpu.memref_squeeze %dma_wait3A_1417 : memref<1x1x1x8x128xf32, #tpu.memory_space<hbm>> -> memref<8x128xf32, #tpu.memory_space<hbm>>
        %dma_wait3A_1419 = arith.constant 0 : i32
        %dma_wait3A_1420 = arith.constant 0 : i32
        %dma_wait3A_1421 = tpu.memref_slice %arg8[%dma_wait3A_1419, %dma_wait3A_1420] : memref<32x513xf32, #tpu.memory_space<vmem>> -> memref<8x128xf32, #tpu.memory_space<vmem>>
        tpu.wait_dma2 semaphore(%arg11 : memref<!tpu.dma_semaphore, #tpu.memory_space<semaphore_mem>>) src(%dma_wait3A_1421 : memref<8x128xf32, #tpu.memory_space<vmem>>) dst(%dma_wait3A_1418 : memref<8x128xf32, #tpu.memory_space<hbm>>)
        %dma_wait3A_1422 = arith.constant 0 : i32
        %dma_wait3A_1423 = arith.constant 0 : i32
        %dma_wait3A_1424 = arith.constant 0 : i32
        %dma_wait3A_1425 = arith.constant 0 : i32
        %dma_wait3A_1426 = arith.constant 0 : i32
        %dma_wait3A_1427 = tpu.memref_slice %arg8[%dma_wait3A_1425, %dma_wait3A_1426] : memref<32x513xf32, #tpu.memory_space<vmem>> -> memref<8x128xf32, #tpu.memory_space<vmem>>
        %dma_wait3A_1428 = arith.constant 0 : i32
        %dma_wait3A_1429 = arith.constant 0 : i32
        %dma_wait3A_1430 = tpu.memref_slice %arg4[%dma_wait3A_1422, %dma_wait3A_1423, %dma_wait3A_1424, %dma_wait3A_1428, %dma_wait3A_1429] : memref<50x4x128x8x128xf32, #tpu.memory_space<hbm>> -> memref<1x1x1x8x128xf32, #tpu.memory_space<hbm>>
        %dma_wait3A_1431 = tpu.memref_squeeze %dma_wait3A_1430 : memref<1x1x1x8x128xf32, #tpu.memory_space<hbm>> -> memref<8x128xf32, #tpu.memory_space<hbm>>
        %dma_wait3A_1432 = arith.constant 0 : i32
        %dma_wait3A_1433 = arith.constant 0 : i32
        %dma_wait3A_1434 = tpu.memref_slice %arg4[%dma_wait3A_1422, %dma_wait3A_1423, %dma_wait3A_1424, %dma_wait3A_1432, %dma_wait3A_1433] : memref<50x4x128x8x128xf32, #tpu.memory_space<hbm>> -> memref<1x1x1x8x128xf32, #tpu.memory_space<hbm>>
        %dma_wait3A_1435 = tpu.memref_squeeze %dma_wait3A_1434 : memref<1x1x1x8x128xf32, #tpu.memory_space<hbm>> -> memref<8x128xf32, #tpu.memory_space<hbm>>
        %dma_wait3A_1436 = arith.constant 0 : i32
        %dma_wait3A_1437 = arith.constant 0 : i32
        %dma_wait3A_1438 = tpu.memref_slice %arg8[%dma_wait3A_1436, %dma_wait3A_1437] : memref<32x513xf32, #tpu.memory_space<vmem>> -> memref<8x128xf32, #tpu.memory_space<vmem>>
        tpu.wait_dma2 semaphore(%arg11 : memref<!tpu.dma_semaphore, #tpu.memory_space<semaphore_mem>>) src(%dma_wait3A_1438 : memref<8x128xf32, #tpu.memory_space<vmem>>) dst(%dma_wait3A_1435 : memref<8x128xf32, #tpu.memory_space<hbm>>)
        %dma_wait3A_1439 = arith.constant 0 : i32
        %dma_wait3A_1440 = arith.constant 0 : i32
        %dma_wait3A_1441 = arith.constant 0 : i32
        %dma_wait3A_1442 = arith.constant 0 : i32
        %dma_wait3A_1443 = arith.constant 0 : i32
        %dma_wait3A_1444 = tpu.memref_slice %arg8[%dma_wait3A_1442, %dma_wait3A_1443] : memref<32x513xf32, #tpu.memory_space<vmem>> -> memref<8x128xf32, #tpu.memory_space<vmem>>
        %dma_wait3A_1445 = arith.constant 0 : i32
        %dma_wait3A_1446 = arith.constant 0 : i32
        %dma_wait3A_1447 = tpu.memref_slice %arg4[%dma_wait3A_1439, %dma_wait3A_1440, %dma_wait3A_1441, %dma_wait3A_1445, %dma_wait3A_1446] : memref<50x4x128x8x128xf32, #tpu.memory_space<hbm>> -> memref<1x1x1x8x128xf32, #tpu.memory_space<hbm>>
        %dma_wait3A_1448 = tpu.memref_squeeze %dma_wait3A_1447 : memref<1x1x1x8x128xf32, #tpu.memory_space<hbm>> -> memref<8x128xf32, #tpu.memory_space<hbm>>
        %dma_wait3A_1449 = arith.constant 0 : i32
        %dma_wait3A_1450 = arith.constant 0 : i32
        %dma_wait3A_1451 = tpu.memref_slice %arg4[%dma_wait3A_1439, %dma_wait3A_1440, %dma_wait3A_1441, %dma_wait3A_1449, %dma_wait3A_1450] : memref<50x4x128x8x128xf32, #tpu.memory_space<hbm>> -> memref<1x1x1x8x128xf32, #tpu.memory_space<hbm>>
        %dma_wait3A_1452 = tpu.memref_squeeze %dma_wait3A_1451 : memref<1x1x1x8x128xf32, #tpu.memory_space<hbm>> -> memref<8x128xf32, #tpu.memory_space<hbm>>
        %dma_wait3A_1453 = arith.constant 0 : i32
        %dma_wait3A_1454 = arith.constant 0 : i32
        %dma_wait3A_1455 = tpu.memref_slice %arg8[%dma_wait3A_1453, %dma_wait3A_1454] : memref<32x513xf32, #tpu.memory_space<vmem>> -> memref<8x128xf32, #tpu.memory_space<vmem>>
        tpu.wait_dma2 semaphore(%arg11 : memref<!tpu.dma_semaphore, #tpu.memory_space<semaphore_mem>>) src(%dma_wait3A_1455 : memref<8x128xf32, #tpu.memory_space<vmem>>) dst(%dma_wait3A_1452 : memref<8x128xf32, #tpu.memory_space<hbm>>)
        %dma_wait3A_1456 = arith.constant 0 : i32
        %dma_wait3A_1457 = arith.constant 0 : i32
        %dma_wait3A_1458 = arith.constant 0 : i32
        %dma_wait3A_1459 = arith.constant 0 : i32
        %dma_wait3A_1460 = arith.constant 0 : i32
        %dma_wait3A_1461 = tpu.memref_slice %arg8[%dma_wait3A_1459, %dma_wait3A_1460] : memref<32x513xf32, #tpu.memory_space<vmem>> -> memref<8x128xf32, #tpu.memory_space<vmem>>
        %dma_wait3A_1462 = arith.constant 0 : i32
        %dma_wait3A_1463 = arith.constant 0 : i32
        %dma_wait3A_1464 = tpu.memref_slice %arg4[%dma_wait3A_1456, %dma_wait3A_1457, %dma_wait3A_1458, %dma_wait3A_1462, %dma_wait3A_1463] : memref<50x4x128x8x128xf32, #tpu.memory_space<hbm>> -> memref<1x1x1x8x128xf32, #tpu.memory_space<hbm>>
        %dma_wait3A_1465 = tpu.memref_squeeze %dma_wait3A_1464 : memref<1x1x1x8x128xf32, #tpu.memory_space<hbm>> -> memref<8x128xf32, #tpu.memory_space<hbm>>
        %dma_wait3A_1466 = arith.constant 0 : i32
        %dma_wait3A_1467 = arith.constant 0 : i32
        %dma_wait3A_1468 = tpu.memref_slice %arg4[%dma_wait3A_1456, %dma_wait3A_1457, %dma_wait3A_1458, %dma_wait3A_1466, %dma_wait3A_1467] : memref<50x4x128x8x128xf32, #tpu.memory_space<hbm>> -> memref<1x1x1x8x128xf32, #tpu.memory_space<hbm>>
        %dma_wait3A_1469 = tpu.memref_squeeze %dma_wait3A_1468 : memref<1x1x1x8x128xf32, #tpu.memory_space<hbm>> -> memref<8x128xf32, #tpu.memory_space<hbm>>
        %dma_wait3A_1470 = arith.constant 0 : i32
        %dma_wait3A_1471 = arith.constant 0 : i32
        %dma_wait3A_1472 = tpu.memref_slice %arg8[%dma_wait3A_1470, %dma_wait3A_1471] : memref<32x513xf32, #tpu.memory_space<vmem>> -> memref<8x128xf32, #tpu.memory_space<vmem>>
        tpu.wait_dma2 semaphore(%arg11 : memref<!tpu.dma_semaphore, #tpu.memory_space<semaphore_mem>>) src(%dma_wait3A_1472 : memref<8x128xf32, #tpu.memory_space<vmem>>) dst(%dma_wait3A_1469 : memref<8x128xf32, #tpu.memory_space<hbm>>)
        %dma_wait3A_1473 = arith.constant 0 : i32
        %dma_wait3A_1474 = arith.constant 0 : i32
        %dma_wait3A_1475 = arith.constant 0 : i32
        %dma_wait3A_1476 = arith.constant 0 : i32
        %dma_wait3A_1477 = arith.constant 0 : i32
        %dma_wait3A_1478 = tpu.memref_slice %arg8[%dma_wait3A_1476, %dma_wait3A_1477] : memref<32x513xf32, #tpu.memory_space<vmem>> -> memref<8x128xf32, #tpu.memory_space<vmem>>
        %dma_wait3A_1479 = arith.constant 0 : i32
        %dma_wait3A_1480 = arith.constant 0 : i32
        %dma_wait3A_1481 = tpu.memref_slice %arg4[%dma_wait3A_1473, %dma_wait3A_1474, %dma_wait3A_1475, %dma_wait3A_1479, %dma_wait3A_1480] : memref<50x4x128x8x128xf32, #tpu.memory_space<hbm>> -> memref<1x1x1x8x128xf32, #tpu.memory_space<hbm>>
        %dma_wait3A_1482 = tpu.memref_squeeze %dma_wait3A_1481 : memref<1x1x1x8x128xf32, #tpu.memory_space<hbm>> -> memref<8x128xf32, #tpu.memory_space<hbm>>
        %dma_wait3A_1483 = arith.constant 0 : i32
        %dma_wait3A_1484 = arith.constant 0 : i32
        %dma_wait3A_1485 = tpu.memref_slice %arg4[%dma_wait3A_1473, %dma_wait3A_1474, %dma_wait3A_1475, %dma_wait3A_1483, %dma_wait3A_1484] : memref<50x4x128x8x128xf32, #tpu.memory_space<hbm>> -> memref<1x1x1x8x128xf32, #tpu.memory_space<hbm>>
        %dma_wait3A_1486 = tpu.memref_squeeze %dma_wait3A_1485 : memref<1x1x1x8x128xf32, #tpu.memory_space<hbm>> -> memref<8x128xf32, #tpu.memory_space<hbm>>
        %dma_wait3A_1487 = arith.constant 0 : i32
        %dma_wait3A_1488 = arith.constant 0 : i32
        %dma_wait3A_1489 = tpu.memref_slice %arg8[%dma_wait3A_1487, %dma_wait3A_1488] : memref<32x513xf32, #tpu.memory_space<vmem>> -> memref<8x128xf32, #tpu.memory_space<vmem>>
        tpu.wait_dma2 semaphore(%arg11 : memref<!tpu.dma_semaphore, #tpu.memory_space<semaphore_mem>>) src(%dma_wait3A_1489 : memref<8x128xf32, #tpu.memory_space<vmem>>) dst(%dma_wait3A_1486 : memref<8x128xf32, #tpu.memory_space<hbm>>)
      } else {
      }
      %scan3A_579 = arith.constant 0 : i32
      %scan3A_580 = arith.constant 0 : i32
      %scan3A_581 = arith.constant 128 : i32
      %scan3A_582 = arith.addi %scan3A_580, %scan3A_581 : i32
      %scan3A_583 = arith.constant 1 : i32
      scf.for %scan3A_1218 = %scan3A_580 to %scan3A_582 step %scan3A_583  : i32 {
        %mul3A_1219 = arith.constant 4 : i32
        %mul3A_1220 = arith.muli %scan3A_1218, %mul3A_1219 : i32
        %add3A_1221 = arith.constant 0 : i32
        %add3A_1222 = arith.addi %mul3A_1220, %add3A_1221 : i32
        %broadcast_in_dim3A = vector.broadcast %add3A_1222 : i32 to vector<16xi32>
        %get3A = arith.index_cast %add3A_1222 : i32 to index
        %get3A_1223 = arith.constant 0 : index
        %get3A_1224 = tpu.vector_load %arg6[%get3A, %get3A_1223] {strides = array<i32>} : memref<512x32xf32, #tpu.memory_space<vmem>>, vector<16xf32>,
        %get3A_1225 = arith.index_cast %add3A_1222 : i32 to index
        %get3A_1226 = arith.constant 16 : index
        %get3A_1227 = tpu.vector_load %arg6[%get3A_1225, %get3A_1226] {strides = array<i32>} : memref<512x32xf32, #tpu.memory_space<vmem>>, vector<16xf32>,
        tpu.vector_store_idx %arg8[%iota3A, %broadcast_in_dim3A], %get3A_1224 : memref<32x513xf32, #tpu.memory_space<vmem>>[vector<16xi32>, vector<16xi32>], vector<16xf32>,
        tpu.vector_store_idx %arg8[%add3A_3, %broadcast_in_dim3A], %get3A_1227 : memref<32x513xf32, #tpu.memory_space<vmem>>[vector<16xi32>, vector<16xi32>], vector<16xf32>,
        %add3A_1228 = arith.constant 1 : i32
        %add3A_1229 = arith.addi %mul3A_1220, %add3A_1228 : i32
        %broadcast_in_dim3A_1230 = vector.broadcast %add3A_1229 : i32 to vector<16xi32>
        %get3A_1231 = arith.index_cast %add3A_1229 : i32 to index
        %get3A_1232 = arith.constant 0 : index
        %get3A_1233 = tpu.vector_load %arg6[%get3A_1231, %get3A_1232] {strides = array<i32>} : memref<512x32xf32, #tpu.memory_space<vmem>>, vector<16xf32>,
        %get3A_1234 = arith.index_cast %add3A_1229 : i32 to index
        %get3A_1235 = arith.constant 16 : index
        %get3A_1236 = tpu.vector_load %arg6[%get3A_1234, %get3A_1235] {strides = array<i32>} : memref<512x32xf32, #tpu.memory_space<vmem>>, vector<16xf32>,
        tpu.vector_store_idx %arg8[%iota3A, %broadcast_in_dim3A_1230], %get3A_1233 : memref<32x513xf32, #tpu.memory_space<vmem>>[vector<16xi32>, vector<16xi32>], vector<16xf32>,
        tpu.vector_store_idx %arg8[%add3A_3, %broadcast_in_dim3A_1230], %get3A_1236 : memref<32x513xf32, #tpu.memory_space<vmem>>[vector<16xi32>, vector<16xi32>], vector<16xf32>,
        %add3A_1237 = arith.constant 2 : i32
        %add3A_1238 = arith.addi %mul3A_1220, %add3A_1237 : i32
        %broadcast_in_dim3A_1239 = vector.broadcast %add3A_1238 : i32 to vector<16xi32>
        %get3A_1240 = arith.index_cast %add3A_1238 : i32 to index
        %get3A_1241 = arith.constant 0 : index
        %get3A_1242 = tpu.vector_load %arg6[%get3A_1240, %get3A_1241] {strides = array<i32>} : memref<512x32xf32, #tpu.memory_space<vmem>>, vector<16xf32>,
        %get3A_1243 = arith.index_cast %add3A_1238 : i32 to index
        %get3A_1244 = arith.constant 16 : index
        %get3A_1245 = tpu.vector_load %arg6[%get3A_1243, %get3A_1244] {strides = array<i32>} : memref<512x32xf32, #tpu.memory_space<vmem>>, vector<16xf32>,
        tpu.vector_store_idx %arg8[%iota3A, %broadcast_in_dim3A_1239], %get3A_1242 : memref<32x513xf32, #tpu.memory_space<vmem>>[vector<16xi32>, vector<16xi32>], vector<16xf32>,
        tpu.vector_store_idx %arg8[%add3A_3, %broadcast_in_dim3A_1239], %get3A_1245 : memref<32x513xf32, #tpu.memory_space<vmem>>[vector<16xi32>, vector<16xi32>], vector<16xf32>,
        %add3A_1246 = arith.constant 3 : i32
        %add3A_1247 = arith.addi %mul3A_1220, %add3A_1246 : i32
        %broadcast_in_dim3A_1248 = vector.broadcast %add3A_1247 : i32 to vector<16xi32>
        %get3A_1249 = arith.index_cast %add3A_1247 : i32 to index
        %get3A_1250 = arith.constant 0 : index
        %get3A_1251 = tpu.vector_load %arg6[%get3A_1249, %get3A_1250] {strides = array<i32>} : memref<512x32xf32, #tpu.memory_space<vmem>>, vector<16xf32>,
        %get3A_1252 = arith.index_cast %add3A_1247 : i32 to index
        %get3A_1253 = arith.constant 16 : index
        %get3A_1254 = tpu.vector_load %arg6[%get3A_1252, %get3A_1253] {strides = array<i32>} : memref<512x32xf32, #tpu.memory_space<vmem>>, vector<16xf32>,
        tpu.vector_store_idx %arg8[%iota3A, %broadcast_in_dim3A_1248], %get3A_1251 : memref<32x513xf32, #tpu.memory_space<vmem>>[vector<16xi32>, vector<16xi32>], vector<16xf32>,
        tpu.vector_store_idx %arg8[%add3A_3, %broadcast_in_dim3A_1248], %get3A_1254 : memref<32x513xf32, #tpu.memory_space<vmem>>[vector<16xi32>, vector<16xi32>], vector<16xf32>,
      }
      %scan3A_584 = arith.constant 128 : i32
      %mul3A_585 = arith.constant 4 : i32
      %mul3A_586 = arith.muli %add3A, %mul3A_585 : i32
      %add3A_587 = arith.constant 0 : i32
      %add3A_588 = arith.addi %mul3A_586, %add3A_587 : i32
      %dma_start3A_589 = arith.constant 0 : i32
      %dma_start3A_590 = arith.constant 0 : i32
      %dma_start3A_591 = arith.constant 0 : i32
      %dma_start3A_592 = tpu.memref_slice %arg8[%dma_start3A_590, %dma_start3A_591] : memref<32x513xf32, #tpu.memory_space<vmem>> -> memref<8x128xf32, #tpu.memory_space<vmem>>
      %dma_start3A_593 = arith.constant 0 : i32
      %dma_start3A_594 = arith.constant 0 : i32
      %dma_start3A_595 = tpu.memref_slice %arg4[%add3A_562, %dma_start3A_589, %add3A_588, %dma_start3A_593, %dma_start3A_594] : memref<50x4x128x8x128xf32, #tpu.memory_space<hbm>> -> memref<1x1x1x8x128xf32, #tpu.memory_space<hbm>>
      %dma_start3A_596 = tpu.memref_squeeze %dma_start3A_595 : memref<1x1x1x8x128xf32, #tpu.memory_space<hbm>> -> memref<8x128xf32, #tpu.memory_space<hbm>>
      %dma_start3A_597 = arith.constant 0 : i32
      %dma_start3A_598 = arith.constant 0 : i32
      %dma_start3A_599 = tpu.memref_slice %arg4[%add3A_562, %dma_start3A_589, %add3A_588, %dma_start3A_597, %dma_start3A_598] : memref<50x4x128x8x128xf32, #tpu.memory_space<hbm>> -> memref<1x1x1x8x128xf32, #tpu.memory_space<hbm>>
      %dma_start3A_600 = tpu.memref_squeeze %dma_start3A_599 : memref<1x1x1x8x128xf32, #tpu.memory_space<hbm>> -> memref<8x128xf32, #tpu.memory_space<hbm>>
      %dma_start3A_601 = arith.constant 0 : i32
      %dma_start3A_602 = arith.constant 0 : i32
      %dma_start3A_603 = tpu.memref_slice %arg8[%dma_start3A_601, %dma_start3A_602] : memref<32x513xf32, #tpu.memory_space<vmem>> -> memref<8x128xf32, #tpu.memory_space<vmem>>
      tpu.enqueue_dma source(%dma_start3A_603 : memref<8x128xf32, #tpu.memory_space<vmem>>) target(%dma_start3A_600 : memref<8x128xf32, #tpu.memory_space<hbm>>) target_semaphore(%arg11 : memref<!tpu.dma_semaphore, #tpu.memory_space<semaphore_mem>>)
      %mul3A_604 = arith.constant 4 : i32
      %mul3A_605 = arith.muli %add3A, %mul3A_604 : i32
      %add3A_606 = arith.constant 1 : i32
      %add3A_607 = arith.addi %mul3A_605, %add3A_606 : i32
      %dma_start3A_608 = arith.constant 0 : i32
      %dma_start3A_609 = arith.constant 0 : i32
      %dma_start3A_610 = arith.constant 128 : i32
      %dma_start3A_611 = tpu.memref_slice %arg8[%dma_start3A_609, %dma_start3A_610] : memref<32x513xf32, #tpu.memory_space<vmem>> -> memref<8x128xf32, #tpu.memory_space<vmem>>
      %dma_start3A_612 = arith.constant 0 : i32
      %dma_start3A_613 = arith.constant 0 : i32
      %dma_start3A_614 = tpu.memref_slice %arg4[%add3A_562, %dma_start3A_608, %add3A_607, %dma_start3A_612, %dma_start3A_613] : memref<50x4x128x8x128xf32, #tpu.memory_space<hbm>> -> memref<1x1x1x8x128xf32, #tpu.memory_space<hbm>>
      %dma_start3A_615 = tpu.memref_squeeze %dma_start3A_614 : memref<1x1x1x8x128xf32, #tpu.memory_space<hbm>> -> memref<8x128xf32, #tpu.memory_space<hbm>>
      %dma_start3A_616 = arith.constant 0 : i32
      %dma_start3A_617 = arith.constant 0 : i32
      %dma_start3A_618 = tpu.memref_slice %arg4[%add3A_562, %dma_start3A_608, %add3A_607, %dma_start3A_616, %dma_start3A_617] : memref<50x4x128x8x128xf32, #tpu.memory_space<hbm>> -> memref<1x1x1x8x128xf32, #tpu.memory_space<hbm>>
      %dma_start3A_619 = tpu.memref_squeeze %dma_start3A_618 : memref<1x1x1x8x128xf32, #tpu.memory_space<hbm>> -> memref<8x128xf32, #tpu.memory_space<hbm>>
      %dma_start3A_620 = arith.constant 0 : i32
      %dma_start3A_621 = arith.constant 128 : i32
      %dma_start3A_622 = tpu.memref_slice %arg8[%dma_start3A_620, %dma_start3A_621] : memref<32x513xf32, #tpu.memory_space<vmem>> -> memref<8x128xf32, #tpu.memory_space<vmem>>
      tpu.enqueue_dma source(%dma_start3A_622 : memref<8x128xf32, #tpu.memory_space<vmem>>) target(%dma_start3A_619 : memref<8x128xf32, #tpu.memory_space<hbm>>) target_semaphore(%arg11 : memref<!tpu.dma_semaphore, #tpu.memory_space<semaphore_mem>>)
      %mul3A_623 = arith.constant 4 : i32
      %mul3A_624 = arith.muli %add3A, %mul3A_623 : i32
      %add3A_625 = arith.constant 2 : i32
      %add3A_626 = arith.addi %mul3A_624, %add3A_625 : i32
      %dma_start3A_627 = arith.constant 0 : i32
      %dma_start3A_628 = arith.constant 0 : i32
      %dma_start3A_629 = arith.constant 256 : i32
      %dma_start3A_630 = tpu.memref_slice %arg8[%dma_start3A_628, %dma_start3A_629] : memref<32x513xf32, #tpu.memory_space<vmem>> -> memref<8x128xf32, #tpu.memory_space<vmem>>
      %dma_start3A_631 = arith.constant 0 : i32
      %dma_start3A_632 = arith.constant 0 : i32
      %dma_start3A_633 = tpu.memref_slice %arg4[%add3A_562, %dma_start3A_627, %add3A_626, %dma_start3A_631, %dma_start3A_632] : memref<50x4x128x8x128xf32, #tpu.memory_space<hbm>> -> memref<1x1x1x8x128xf32, #tpu.memory_space<hbm>>
      %dma_start3A_634 = tpu.memref_squeeze %dma_start3A_633 : memref<1x1x1x8x128xf32, #tpu.memory_space<hbm>> -> memref<8x128xf32, #tpu.memory_space<hbm>>
      %dma_start3A_635 = arith.constant 0 : i32
      %dma_start3A_636 = arith.constant 0 : i32
      %dma_start3A_637 = tpu.memref_slice %arg4[%add3A_562, %dma_start3A_627, %add3A_626, %dma_start3A_635, %dma_start3A_636] : memref<50x4x128x8x128xf32, #tpu.memory_space<hbm>> -> memref<1x1x1x8x128xf32, #tpu.memory_space<hbm>>
      %dma_start3A_638 = tpu.memref_squeeze %dma_start3A_637 : memref<1x1x1x8x128xf32, #tpu.memory_space<hbm>> -> memref<8x128xf32, #tpu.memory_space<hbm>>
      %dma_start3A_639 = arith.constant 0 : i32
      %dma_start3A_640 = arith.constant 256 : i32
      %dma_start3A_641 = tpu.memref_slice %arg8[%dma_start3A_639, %dma_start3A_640] : memref<32x513xf32, #tpu.memory_space<vmem>> -> memref<8x128xf32, #tpu.memory_space<vmem>>
      tpu.enqueue_dma source(%dma_start3A_641 : memref<8x128xf32, #tpu.memory_space<vmem>>) target(%dma_start3A_638 : memref<8x128xf32, #tpu.memory_space<hbm>>) target_semaphore(%arg11 : memref<!tpu.dma_semaphore, #tpu.memory_space<semaphore_mem>>)
      %mul3A_642 = arith.constant 4 : i32
      %mul3A_643 = arith.muli %add3A, %mul3A_642 : i32
      %add3A_644 = arith.constant 3 : i32
      %add3A_645 = arith.addi %mul3A_643, %add3A_644 : i32
      %dma_start3A_646 = arith.constant 0 : i32
      %dma_start3A_647 = arith.constant 0 : i32
      %dma_start3A_648 = arith.constant 384 : i32
      %dma_start3A_649 = tpu.memref_slice %arg8[%dma_start3A_647, %dma_start3A_648] : memref<32x513xf32, #tpu.memory_space<vmem>> -> memref<8x128xf32, #tpu.memory_space<vmem>>
      %dma_start3A_650 = arith.constant 0 : i32
      %dma_start3A_651 = arith.constant 0 : i32
      %dma_start3A_652 = tpu.memref_slice %arg4[%add3A_562, %dma_start3A_646, %add3A_645, %dma_start3A_650, %dma_start3A_651] : memref<50x4x128x8x128xf32, #tpu.memory_space<hbm>> -> memref<1x1x1x8x128xf32, #tpu.memory_space<hbm>>
      %dma_start3A_653 = tpu.memref_squeeze %dma_start3A_652 : memref<1x1x1x8x128xf32, #tpu.memory_space<hbm>> -> memref<8x128xf32, #tpu.memory_space<hbm>>
      %dma_start3A_654 = arith.constant 0 : i32
      %dma_start3A_655 = arith.constant 0 : i32
      %dma_start3A_656 = tpu.memref_slice %arg4[%add3A_562, %dma_start3A_646, %add3A_645, %dma_start3A_654, %dma_start3A_655] : memref<50x4x128x8x128xf32, #tpu.memory_space<hbm>> -> memref<1x1x1x8x128xf32, #tpu.memory_space<hbm>>
      %dma_start3A_657 = tpu.memref_squeeze %dma_start3A_656 : memref<1x1x1x8x128xf32, #tpu.memory_space<hbm>> -> memref<8x128xf32, #tpu.memory_space<hbm>>
      %dma_start3A_658 = arith.constant 0 : i32
      %dma_start3A_659 = arith.constant 384 : i32
      %dma_start3A_660 = tpu.memref_slice %arg8[%dma_start3A_658, %dma_start3A_659] : memref<32x513xf32, #tpu.memory_space<vmem>> -> memref<8x128xf32, #tpu.memory_space<vmem>>
      tpu.enqueue_dma source(%dma_start3A_660 : memref<8x128xf32, #tpu.memory_space<vmem>>) target(%dma_start3A_657 : memref<8x128xf32, #tpu.memory_space<hbm>>) target_semaphore(%arg11 : memref<!tpu.dma_semaphore, #tpu.memory_space<semaphore_mem>>)
      %mul3A_661 = arith.constant 4 : i32
      %mul3A_662 = arith.muli %add3A, %mul3A_661 : i32
      %add3A_663 = arith.constant 0 : i32
      %add3A_664 = arith.addi %mul3A_662, %add3A_663 : i32
      %dma_start3A_665 = arith.constant 1 : i32
      %dma_start3A_666 = arith.constant 8 : i32
      %dma_start3A_667 = arith.constant 0 : i32
      %dma_start3A_668 = tpu.memref_slice %arg8[%dma_start3A_666, %dma_start3A_667] : memref<32x513xf32, #tpu.memory_space<vmem>> -> memref<8x128xf32, #tpu.memory_space<vmem>>
      %dma_start3A_669 = arith.constant 0 : i32
      %dma_start3A_670 = arith.constant 0 : i32
      %dma_start3A_671 = tpu.memref_slice %arg4[%add3A_562, %dma_start3A_665, %add3A_664, %dma_start3A_669, %dma_start3A_670] : memref<50x4x128x8x128xf32, #tpu.memory_space<hbm>> -> memref<1x1x1x8x128xf32, #tpu.memory_space<hbm>>
      %dma_start3A_672 = tpu.memref_squeeze %dma_start3A_671 : memref<1x1x1x8x128xf32, #tpu.memory_space<hbm>> -> memref<8x128xf32, #tpu.memory_space<hbm>>
      %dma_start3A_673 = arith.constant 0 : i32
      %dma_start3A_674 = arith.constant 0 : i32
      %dma_start3A_675 = tpu.memref_slice %arg4[%add3A_562, %dma_start3A_665, %add3A_664, %dma_start3A_673, %dma_start3A_674] : memref<50x4x128x8x128xf32, #tpu.memory_space<hbm>> -> memref<1x1x1x8x128xf32, #tpu.memory_space<hbm>>
      %dma_start3A_676 = tpu.memref_squeeze %dma_start3A_675 : memref<1x1x1x8x128xf32, #tpu.memory_space<hbm>> -> memref<8x128xf32, #tpu.memory_space<hbm>>
      %dma_start3A_677 = arith.constant 8 : i32
      %dma_start3A_678 = arith.constant 0 : i32
      %dma_start3A_679 = tpu.memref_slice %arg8[%dma_start3A_677, %dma_start3A_678] : memref<32x513xf32, #tpu.memory_space<vmem>> -> memref<8x128xf32, #tpu.memory_space<vmem>>
      tpu.enqueue_dma source(%dma_start3A_679 : memref<8x128xf32, #tpu.memory_space<vmem>>) target(%dma_start3A_676 : memref<8x128xf32, #tpu.memory_space<hbm>>) target_semaphore(%arg11 : memref<!tpu.dma_semaphore, #tpu.memory_space<semaphore_mem>>)
      %mul3A_680 = arith.constant 4 : i32
      %mul3A_681 = arith.muli %add3A, %mul3A_680 : i32
      %add3A_682 = arith.constant 1 : i32
      %add3A_683 = arith.addi %mul3A_681, %add3A_682 : i32
      %dma_start3A_684 = arith.constant 1 : i32
      %dma_start3A_685 = arith.constant 8 : i32
      %dma_start3A_686 = arith.constant 128 : i32
      %dma_start3A_687 = tpu.memref_slice %arg8[%dma_start3A_685, %dma_start3A_686] : memref<32x513xf32, #tpu.memory_space<vmem>> -> memref<8x128xf32, #tpu.memory_space<vmem>>
      %dma_start3A_688 = arith.constant 0 : i32
      %dma_start3A_689 = arith.constant 0 : i32
      %dma_start3A_690 = tpu.memref_slice %arg4[%add3A_562, %dma_start3A_684, %add3A_683, %dma_start3A_688, %dma_start3A_689] : memref<50x4x128x8x128xf32, #tpu.memory_space<hbm>> -> memref<1x1x1x8x128xf32, #tpu.memory_space<hbm>>
      %dma_start3A_691 = tpu.memref_squeeze %dma_start3A_690 : memref<1x1x1x8x128xf32, #tpu.memory_space<hbm>> -> memref<8x128xf32, #tpu.memory_space<hbm>>
      %dma_start3A_692 = arith.constant 0 : i32
      %dma_start3A_693 = arith.constant 0 : i32
      %dma_start3A_694 = tpu.memref_slice %arg4[%add3A_562, %dma_start3A_684, %add3A_683, %dma_start3A_692, %dma_start3A_693] : memref<50x4x128x8x128xf32, #tpu.memory_space<hbm>> -> memref<1x1x1x8x128xf32, #tpu.memory_space<hbm>>
      %dma_start3A_695 = tpu.memref_squeeze %dma_start3A_694 : memref<1x1x1x8x128xf32, #tpu.memory_space<hbm>> -> memref<8x128xf32, #tpu.memory_space<hbm>>
      %dma_start3A_696 = arith.constant 8 : i32
      %dma_start3A_697 = arith.constant 128 : i32
      %dma_start3A_698 = tpu.memref_slice %arg8[%dma_start3A_696, %dma_start3A_697] : memref<32x513xf32, #tpu.memory_space<vmem>> -> memref<8x128xf32, #tpu.memory_space<vmem>>
      tpu.enqueue_dma source(%dma_start3A_698 : memref<8x128xf32, #tpu.memory_space<vmem>>) target(%dma_start3A_695 : memref<8x128xf32, #tpu.memory_space<hbm>>) target_semaphore(%arg11 : memref<!tpu.dma_semaphore, #tpu.memory_space<semaphore_mem>>)
      %mul3A_699 = arith.constant 4 : i32
      %mul3A_700 = arith.muli %add3A, %mul3A_699 : i32
      %add3A_701 = arith.constant 2 : i32
      %add3A_702 = arith.addi %mul3A_700, %add3A_701 : i32
      %dma_start3A_703 = arith.constant 1 : i32
      %dma_start3A_704 = arith.constant 8 : i32
      %dma_start3A_705 = arith.constant 256 : i32
      %dma_start3A_706 = tpu.memref_slice %arg8[%dma_start3A_704, %dma_start3A_705] : memref<32x513xf32, #tpu.memory_space<vmem>> -> memref<8x128xf32, #tpu.memory_space<vmem>>
      %dma_start3A_707 = arith.constant 0 : i32
      %dma_start3A_708 = arith.constant 0 : i32
      %dma_start3A_709 = tpu.memref_slice %arg4[%add3A_562, %dma_start3A_703, %add3A_702, %dma_start3A_707, %dma_start3A_708] : memref<50x4x128x8x128xf32, #tpu.memory_space<hbm>> -> memref<1x1x1x8x128xf32, #tpu.memory_space<hbm>>
      %dma_start3A_710 = tpu.memref_squeeze %dma_start3A_709 : memref<1x1x1x8x128xf32, #tpu.memory_space<hbm>> -> memref<8x128xf32, #tpu.memory_space<hbm>>
      %dma_start3A_711 = arith.constant 0 : i32
      %dma_start3A_712 = arith.constant 0 : i32
      %dma_start3A_713 = tpu.memref_slice %arg4[%add3A_562, %dma_start3A_703, %add3A_702, %dma_start3A_711, %dma_start3A_712] : memref<50x4x128x8x128xf32, #tpu.memory_space<hbm>> -> memref<1x1x1x8x128xf32, #tpu.memory_space<hbm>>
      %dma_start3A_714 = tpu.memref_squeeze %dma_start3A_713 : memref<1x1x1x8x128xf32, #tpu.memory_space<hbm>> -> memref<8x128xf32, #tpu.memory_space<hbm>>
      %dma_start3A_715 = arith.constant 8 : i32
      %dma_start3A_716 = arith.constant 256 : i32
      %dma_start3A_717 = tpu.memref_slice %arg8[%dma_start3A_715, %dma_start3A_716] : memref<32x513xf32, #tpu.memory_space<vmem>> -> memref<8x128xf32, #tpu.memory_space<vmem>>
      tpu.enqueue_dma source(%dma_start3A_717 : memref<8x128xf32, #tpu.memory_space<vmem>>) target(%dma_start3A_714 : memref<8x128xf32, #tpu.memory_space<hbm>>) target_semaphore(%arg11 : memref<!tpu.dma_semaphore, #tpu.memory_space<semaphore_mem>>)
      %mul3A_718 = arith.constant 4 : i32
      %mul3A_719 = arith.muli %add3A, %mul3A_718 : i32
      %add3A_720 = arith.constant 3 : i32
      %add3A_721 = arith.addi %mul3A_719, %add3A_720 : i32
      %dma_start3A_722 = arith.constant 1 : i32
      %dma_start3A_723 = arith.constant 8 : i32
      %dma_start3A_724 = arith.constant 384 : i32
      %dma_start3A_725 = tpu.memref_slice %arg8[%dma_start3A_723, %dma_start3A_724] : memref<32x513xf32, #tpu.memory_space<vmem>> -> memref<8x128xf32, #tpu.memory_space<vmem>>
      %dma_start3A_726 = arith.constant 0 : i32
      %dma_start3A_727 = arith.constant 0 : i32
      %dma_start3A_728 = tpu.memref_slice %arg4[%add3A_562, %dma_start3A_722, %add3A_721, %dma_start3A_726, %dma_start3A_727] : memref<50x4x128x8x128xf32, #tpu.memory_space<hbm>> -> memref<1x1x1x8x128xf32, #tpu.memory_space<hbm>>
      %dma_start3A_729 = tpu.memref_squeeze %dma_start3A_728 : memref<1x1x1x8x128xf32, #tpu.memory_space<hbm>> -> memref<8x128xf32, #tpu.memory_space<hbm>>
      %dma_start3A_730 = arith.constant 0 : i32
      %dma_start3A_731 = arith.constant 0 : i32
      %dma_start3A_732 = tpu.memref_slice %arg4[%add3A_562, %dma_start3A_722, %add3A_721, %dma_start3A_730, %dma_start3A_731] : memref<50x4x128x8x128xf32, #tpu.memory_space<hbm>> -> memref<1x1x1x8x128xf32, #tpu.memory_space<hbm>>
      %dma_start3A_733 = tpu.memref_squeeze %dma_start3A_732 : memref<1x1x1x8x128xf32, #tpu.memory_space<hbm>> -> memref<8x128xf32, #tpu.memory_space<hbm>>
      %dma_start3A_734 = arith.constant 8 : i32
      %dma_start3A_735 = arith.constant 384 : i32
      %dma_start3A_736 = tpu.memref_slice %arg8[%dma_start3A_734, %dma_start3A_735] : memref<32x513xf32, #tpu.memory_space<vmem>> -> memref<8x128xf32, #tpu.memory_space<vmem>>
      tpu.enqueue_dma source(%dma_start3A_736 : memref<8x128xf32, #tpu.memory_space<vmem>>) target(%dma_start3A_733 : memref<8x128xf32, #tpu.memory_space<hbm>>) target_semaphore(%arg11 : memref<!tpu.dma_semaphore, #tpu.memory_space<semaphore_mem>>)
      %mul3A_737 = arith.constant 4 : i32
      %mul3A_738 = arith.muli %add3A, %mul3A_737 : i32
      %add3A_739 = arith.constant 0 : i32
      %add3A_740 = arith.addi %mul3A_738, %add3A_739 : i32
      %dma_start3A_741 = arith.constant 2 : i32
      %dma_start3A_742 = arith.constant 16 : i32
      %dma_start3A_743 = arith.constant 0 : i32
      %dma_start3A_744 = tpu.memref_slice %arg8[%dma_start3A_742, %dma_start3A_743] : memref<32x513xf32, #tpu.memory_space<vmem>> -> memref<8x128xf32, #tpu.memory_space<vmem>>
      %dma_start3A_745 = arith.constant 0 : i32
      %dma_start3A_746 = arith.constant 0 : i32
      %dma_start3A_747 = tpu.memref_slice %arg4[%add3A_562, %dma_start3A_741, %add3A_740, %dma_start3A_745, %dma_start3A_746] : memref<50x4x128x8x128xf32, #tpu.memory_space<hbm>> -> memref<1x1x1x8x128xf32, #tpu.memory_space<hbm>>
      %dma_start3A_748 = tpu.memref_squeeze %dma_start3A_747 : memref<1x1x1x8x128xf32, #tpu.memory_space<hbm>> -> memref<8x128xf32, #tpu.memory_space<hbm>>
      %dma_start3A_749 = arith.constant 0 : i32
      %dma_start3A_750 = arith.constant 0 : i32
      %dma_start3A_751 = tpu.memref_slice %arg4[%add3A_562, %dma_start3A_741, %add3A_740, %dma_start3A_749, %dma_start3A_750] : memref<50x4x128x8x128xf32, #tpu.memory_space<hbm>> -> memref<1x1x1x8x128xf32, #tpu.memory_space<hbm>>
      %dma_start3A_752 = tpu.memref_squeeze %dma_start3A_751 : memref<1x1x1x8x128xf32, #tpu.memory_space<hbm>> -> memref<8x128xf32, #tpu.memory_space<hbm>>
      %dma_start3A_753 = arith.constant 16 : i32
      %dma_start3A_754 = arith.constant 0 : i32
      %dma_start3A_755 = tpu.memref_slice %arg8[%dma_start3A_753, %dma_start3A_754] : memref<32x513xf32, #tpu.memory_space<vmem>> -> memref<8x128xf32, #tpu.memory_space<vmem>>
      tpu.enqueue_dma source(%dma_start3A_755 : memref<8x128xf32, #tpu.memory_space<vmem>>) target(%dma_start3A_752 : memref<8x128xf32, #tpu.memory_space<hbm>>) target_semaphore(%arg11 : memref<!tpu.dma_semaphore, #tpu.memory_space<semaphore_mem>>)
      %mul3A_756 = arith.constant 4 : i32
      %mul3A_757 = arith.muli %add3A, %mul3A_756 : i32
      %add3A_758 = arith.constant 1 : i32
      %add3A_759 = arith.addi %mul3A_757, %add3A_758 : i32
      %dma_start3A_760 = arith.constant 2 : i32
      %dma_start3A_761 = arith.constant 16 : i32
      %dma_start3A_762 = arith.constant 128 : i32
      %dma_start3A_763 = tpu.memref_slice %arg8[%dma_start3A_761, %dma_start3A_762] : memref<32x513xf32, #tpu.memory_space<vmem>> -> memref<8x128xf32, #tpu.memory_space<vmem>>
      %dma_start3A_764 = arith.constant 0 : i32
      %dma_start3A_765 = arith.constant 0 : i32
      %dma_start3A_766 = tpu.memref_slice %arg4[%add3A_562, %dma_start3A_760, %add3A_759, %dma_start3A_764, %dma_start3A_765] : memref<50x4x128x8x128xf32, #tpu.memory_space<hbm>> -> memref<1x1x1x8x128xf32, #tpu.memory_space<hbm>>
      %dma_start3A_767 = tpu.memref_squeeze %dma_start3A_766 : memref<1x1x1x8x128xf32, #tpu.memory_space<hbm>> -> memref<8x128xf32, #tpu.memory_space<hbm>>
      %dma_start3A_768 = arith.constant 0 : i32
      %dma_start3A_769 = arith.constant 0 : i32
      %dma_start3A_770 = tpu.memref_slice %arg4[%add3A_562, %dma_start3A_760, %add3A_759, %dma_start3A_768, %dma_start3A_769] : memref<50x4x128x8x128xf32, #tpu.memory_space<hbm>> -> memref<1x1x1x8x128xf32, #tpu.memory_space<hbm>>
      %dma_start3A_771 = tpu.memref_squeeze %dma_start3A_770 : memref<1x1x1x8x128xf32, #tpu.memory_space<hbm>> -> memref<8x128xf32, #tpu.memory_space<hbm>>
      %dma_start3A_772 = arith.constant 16 : i32
      %dma_start3A_773 = arith.constant 128 : i32
      %dma_start3A_774 = tpu.memref_slice %arg8[%dma_start3A_772, %dma_start3A_773] : memref<32x513xf32, #tpu.memory_space<vmem>> -> memref<8x128xf32, #tpu.memory_space<vmem>>
      tpu.enqueue_dma source(%dma_start3A_774 : memref<8x128xf32, #tpu.memory_space<vmem>>) target(%dma_start3A_771 : memref<8x128xf32, #tpu.memory_space<hbm>>) target_semaphore(%arg11 : memref<!tpu.dma_semaphore, #tpu.memory_space<semaphore_mem>>)
      %mul3A_775 = arith.constant 4 : i32
      %mul3A_776 = arith.muli %add3A, %mul3A_775 : i32
      %add3A_777 = arith.constant 2 : i32
      %add3A_778 = arith.addi %mul3A_776, %add3A_777 : i32
      %dma_start3A_779 = arith.constant 2 : i32
      %dma_start3A_780 = arith.constant 16 : i32
      %dma_start3A_781 = arith.constant 256 : i32
      %dma_start3A_782 = tpu.memref_slice %arg8[%dma_start3A_780, %dma_start3A_781] : memref<32x513xf32, #tpu.memory_space<vmem>> -> memref<8x128xf32, #tpu.memory_space<vmem>>
      %dma_start3A_783 = arith.constant 0 : i32
      %dma_start3A_784 = arith.constant 0 : i32
      %dma_start3A_785 = tpu.memref_slice %arg4[%add3A_562, %dma_start3A_779, %add3A_778, %dma_start3A_783, %dma_start3A_784] : memref<50x4x128x8x128xf32, #tpu.memory_space<hbm>> -> memref<1x1x1x8x128xf32, #tpu.memory_space<hbm>>
      %dma_start3A_786 = tpu.memref_squeeze %dma_start3A_785 : memref<1x1x1x8x128xf32, #tpu.memory_space<hbm>> -> memref<8x128xf32, #tpu.memory_space<hbm>>
      %dma_start3A_787 = arith.constant 0 : i32
      %dma_start3A_788 = arith.constant 0 : i32
      %dma_start3A_789 = tpu.memref_slice %arg4[%add3A_562, %dma_start3A_779, %add3A_778, %dma_start3A_787, %dma_start3A_788] : memref<50x4x128x8x128xf32, #tpu.memory_space<hbm>> -> memref<1x1x1x8x128xf32, #tpu.memory_space<hbm>>
      %dma_start3A_790 = tpu.memref_squeeze %dma_start3A_789 : memref<1x1x1x8x128xf32, #tpu.memory_space<hbm>> -> memref<8x128xf32, #tpu.memory_space<hbm>>
      %dma_start3A_791 = arith.constant 16 : i32
      %dma_start3A_792 = arith.constant 256 : i32
      %dma_start3A_793 = tpu.memref_slice %arg8[%dma_start3A_791, %dma_start3A_792] : memref<32x513xf32, #tpu.memory_space<vmem>> -> memref<8x128xf32, #tpu.memory_space<vmem>>
      tpu.enqueue_dma source(%dma_start3A_793 : memref<8x128xf32, #tpu.memory_space<vmem>>) target(%dma_start3A_790 : memref<8x128xf32, #tpu.memory_space<hbm>>) target_semaphore(%arg11 : memref<!tpu.dma_semaphore, #tpu.memory_space<semaphore_mem>>)
      %mul3A_794 = arith.constant 4 : i32
      %mul3A_795 = arith.muli %add3A, %mul3A_794 : i32
      %add3A_796 = arith.constant 3 : i32
      %add3A_797 = arith.addi %mul3A_795, %add3A_796 : i32
      %dma_start3A_798 = arith.constant 2 : i32
      %dma_start3A_799 = arith.constant 16 : i32
      %dma_start3A_800 = arith.constant 384 : i32
      %dma_start3A_801 = tpu.memref_slice %arg8[%dma_start3A_799, %dma_start3A_800] : memref<32x513xf32, #tpu.memory_space<vmem>> -> memref<8x128xf32, #tpu.memory_space<vmem>>
      %dma_start3A_802 = arith.constant 0 : i32
      %dma_start3A_803 = arith.constant 0 : i32
      %dma_start3A_804 = tpu.memref_slice %arg4[%add3A_562, %dma_start3A_798, %add3A_797, %dma_start3A_802, %dma_start3A_803] : memref<50x4x128x8x128xf32, #tpu.memory_space<hbm>> -> memref<1x1x1x8x128xf32, #tpu.memory_space<hbm>>
      %dma_start3A_805 = tpu.memref_squeeze %dma_start3A_804 : memref<1x1x1x8x128xf32, #tpu.memory_space<hbm>> -> memref<8x128xf32, #tpu.memory_space<hbm>>
      %dma_start3A_806 = arith.constant 0 : i32
      %dma_start3A_807 = arith.constant 0 : i32
      %dma_start3A_808 = tpu.memref_slice %arg4[%add3A_562, %dma_start3A_798, %add3A_797, %dma_start3A_806, %dma_start3A_807] : memref<50x4x128x8x128xf32, #tpu.memory_space<hbm>> -> memref<1x1x1x8x128xf32, #tpu.memory_space<hbm>>
      %dma_start3A_809 = tpu.memref_squeeze %dma_start3A_808 : memref<1x1x1x8x128xf32, #tpu.memory_space<hbm>> -> memref<8x128xf32, #tpu.memory_space<hbm>>
      %dma_start3A_810 = arith.constant 16 : i32
      %dma_start3A_811 = arith.constant 384 : i32
      %dma_start3A_812 = tpu.memref_slice %arg8[%dma_start3A_810, %dma_start3A_811] : memref<32x513xf32, #tpu.memory_space<vmem>> -> memref<8x128xf32, #tpu.memory_space<vmem>>
      tpu.enqueue_dma source(%dma_start3A_812 : memref<8x128xf32, #tpu.memory_space<vmem>>) target(%dma_start3A_809 : memref<8x128xf32, #tpu.memory_space<hbm>>) target_semaphore(%arg11 : memref<!tpu.dma_semaphore, #tpu.memory_space<semaphore_mem>>)
      %mul3A_813 = arith.constant 4 : i32
      %mul3A_814 = arith.muli %add3A, %mul3A_813 : i32
      %add3A_815 = arith.constant 0 : i32
      %add3A_816 = arith.addi %mul3A_814, %add3A_815 : i32
      %dma_start3A_817 = arith.constant 3 : i32
      %dma_start3A_818 = arith.constant 24 : i32
      %dma_start3A_819 = arith.constant 0 : i32
      %dma_start3A_820 = tpu.memref_slice %arg8[%dma_start3A_818, %dma_start3A_819] : memref<32x513xf32, #tpu.memory_space<vmem>> -> memref<8x128xf32, #tpu.memory_space<vmem>>
      %dma_start3A_821 = arith.constant 0 : i32
      %dma_start3A_822 = arith.constant 0 : i32
      %dma_start3A_823 = tpu.memref_slice %arg4[%add3A_562, %dma_start3A_817, %add3A_816, %dma_start3A_821, %dma_start3A_822] : memref<50x4x128x8x128xf32, #tpu.memory_space<hbm>> -> memref<1x1x1x8x128xf32, #tpu.memory_space<hbm>>
      %dma_start3A_824 = tpu.memref_squeeze %dma_start3A_823 : memref<1x1x1x8x128xf32, #tpu.memory_space<hbm>> -> memref<8x128xf32, #tpu.memory_space<hbm>>
      %dma_start3A_825 = arith.constant 0 : i32
      %dma_start3A_826 = arith.constant 0 : i32
      %dma_start3A_827 = tpu.memref_slice %arg4[%add3A_562, %dma_start3A_817, %add3A_816, %dma_start3A_825, %dma_start3A_826] : memref<50x4x128x8x128xf32, #tpu.memory_space<hbm>> -> memref<1x1x1x8x128xf32, #tpu.memory_space<hbm>>
      %dma_start3A_828 = tpu.memref_squeeze %dma_start3A_827 : memref<1x1x1x8x128xf32, #tpu.memory_space<hbm>> -> memref<8x128xf32, #tpu.memory_space<hbm>>
      %dma_start3A_829 = arith.constant 24 : i32
      %dma_start3A_830 = arith.constant 0 : i32
      %dma_start3A_831 = tpu.memref_slice %arg8[%dma_start3A_829, %dma_start3A_830] : memref<32x513xf32, #tpu.memory_space<vmem>> -> memref<8x128xf32, #tpu.memory_space<vmem>>
      tpu.enqueue_dma source(%dma_start3A_831 : memref<8x128xf32, #tpu.memory_space<vmem>>) target(%dma_start3A_828 : memref<8x128xf32, #tpu.memory_space<hbm>>) target_semaphore(%arg11 : memref<!tpu.dma_semaphore, #tpu.memory_space<semaphore_mem>>)
      %mul3A_832 = arith.constant 4 : i32
      %mul3A_833 = arith.muli %add3A, %mul3A_832 : i32
      %add3A_834 = arith.constant 1 : i32
      %add3A_835 = arith.addi %mul3A_833, %add3A_834 : i32
      %dma_start3A_836 = arith.constant 3 : i32
      %dma_start3A_837 = arith.constant 24 : i32
      %dma_start3A_838 = arith.constant 128 : i32
      %dma_start3A_839 = tpu.memref_slice %arg8[%dma_start3A_837, %dma_start3A_838] : memref<32x513xf32, #tpu.memory_space<vmem>> -> memref<8x128xf32, #tpu.memory_space<vmem>>
      %dma_start3A_840 = arith.constant 0 : i32
      %dma_start3A_841 = arith.constant 0 : i32
      %dma_start3A_842 = tpu.memref_slice %arg4[%add3A_562, %dma_start3A_836, %add3A_835, %dma_start3A_840, %dma_start3A_841] : memref<50x4x128x8x128xf32, #tpu.memory_space<hbm>> -> memref<1x1x1x8x128xf32, #tpu.memory_space<hbm>>
      %dma_start3A_843 = tpu.memref_squeeze %dma_start3A_842 : memref<1x1x1x8x128xf32, #tpu.memory_space<hbm>> -> memref<8x128xf32, #tpu.memory_space<hbm>>
      %dma_start3A_844 = arith.constant 0 : i32
      %dma_start3A_845 = arith.constant 0 : i32
      %dma_start3A_846 = tpu.memref_slice %arg4[%add3A_562, %dma_start3A_836, %add3A_835, %dma_start3A_844, %dma_start3A_845] : memref<50x4x128x8x128xf32, #tpu.memory_space<hbm>> -> memref<1x1x1x8x128xf32, #tpu.memory_space<hbm>>
      %dma_start3A_847 = tpu.memref_squeeze %dma_start3A_846 : memref<1x1x1x8x128xf32, #tpu.memory_space<hbm>> -> memref<8x128xf32, #tpu.memory_space<hbm>>
      %dma_start3A_848 = arith.constant 24 : i32
      %dma_start3A_849 = arith.constant 128 : i32
      %dma_start3A_850 = tpu.memref_slice %arg8[%dma_start3A_848, %dma_start3A_849] : memref<32x513xf32, #tpu.memory_space<vmem>> -> memref<8x128xf32, #tpu.memory_space<vmem>>
      tpu.enqueue_dma source(%dma_start3A_850 : memref<8x128xf32, #tpu.memory_space<vmem>>) target(%dma_start3A_847 : memref<8x128xf32, #tpu.memory_space<hbm>>) target_semaphore(%arg11 : memref<!tpu.dma_semaphore, #tpu.memory_space<semaphore_mem>>)
      %mul3A_851 = arith.constant 4 : i32
      %mul3A_852 = arith.muli %add3A, %mul3A_851 : i32
      %add3A_853 = arith.constant 2 : i32
      %add3A_854 = arith.addi %mul3A_852, %add3A_853 : i32
      %dma_start3A_855 = arith.constant 3 : i32
      %dma_start3A_856 = arith.constant 24 : i32
      %dma_start3A_857 = arith.constant 256 : i32
      %dma_start3A_858 = tpu.memref_slice %arg8[%dma_start3A_856, %dma_start3A_857] : memref<32x513xf32, #tpu.memory_space<vmem>> -> memref<8x128xf32, #tpu.memory_space<vmem>>
      %dma_start3A_859 = arith.constant 0 : i32
      %dma_start3A_860 = arith.constant 0 : i32
      %dma_start3A_861 = tpu.memref_slice %arg4[%add3A_562, %dma_start3A_855, %add3A_854, %dma_start3A_859, %dma_start3A_860] : memref<50x4x128x8x128xf32, #tpu.memory_space<hbm>> -> memref<1x1x1x8x128xf32, #tpu.memory_space<hbm>>
      %dma_start3A_862 = tpu.memref_squeeze %dma_start3A_861 : memref<1x1x1x8x128xf32, #tpu.memory_space<hbm>> -> memref<8x128xf32, #tpu.memory_space<hbm>>
      %dma_start3A_863 = arith.constant 0 : i32
      %dma_start3A_864 = arith.constant 0 : i32
      %dma_start3A_865 = tpu.memref_slice %arg4[%add3A_562, %dma_start3A_855, %add3A_854, %dma_start3A_863, %dma_start3A_864] : memref<50x4x128x8x128xf32, #tpu.memory_space<hbm>> -> memref<1x1x1x8x128xf32, #tpu.memory_space<hbm>>
      %dma_start3A_866 = tpu.memref_squeeze %dma_start3A_865 : memref<1x1x1x8x128xf32, #tpu.memory_space<hbm>> -> memref<8x128xf32, #tpu.memory_space<hbm>>
      %dma_start3A_867 = arith.constant 24 : i32
      %dma_start3A_868 = arith.constant 256 : i32
      %dma_start3A_869 = tpu.memref_slice %arg8[%dma_start3A_867, %dma_start3A_868] : memref<32x513xf32, #tpu.memory_space<vmem>> -> memref<8x128xf32, #tpu.memory_space<vmem>>
      tpu.enqueue_dma source(%dma_start3A_869 : memref<8x128xf32, #tpu.memory_space<vmem>>) target(%dma_start3A_866 : memref<8x128xf32, #tpu.memory_space<hbm>>) target_semaphore(%arg11 : memref<!tpu.dma_semaphore, #tpu.memory_space<semaphore_mem>>)
      %mul3A_870 = arith.constant 4 : i32
      %mul3A_871 = arith.muli %add3A, %mul3A_870 : i32
      %add3A_872 = arith.constant 3 : i32
      %add3A_873 = arith.addi %mul3A_871, %add3A_872 : i32
      %dma_start3A_874 = arith.constant 3 : i32
      %dma_start3A_875 = arith.constant 24 : i32
      %dma_start3A_876 = arith.constant 384 : i32
      %dma_start3A_877 = tpu.memref_slice %arg8[%dma_start3A_875, %dma_start3A_876] : memref<32x513xf32, #tpu.memory_space<vmem>> -> memref<8x128xf32, #tpu.memory_space<vmem>>
      %dma_start3A_878 = arith.constant 0 : i32
      %dma_start3A_879 = arith.constant 0 : i32
      %dma_start3A_880 = tpu.memref_slice %arg4[%add3A_562, %dma_start3A_874, %add3A_873, %dma_start3A_878, %dma_start3A_879] : memref<50x4x128x8x128xf32, #tpu.memory_space<hbm>> -> memref<1x1x1x8x128xf32, #tpu.memory_space<hbm>>
      %dma_start3A_881 = tpu.memref_squeeze %dma_start3A_880 : memref<1x1x1x8x128xf32, #tpu.memory_space<hbm>> -> memref<8x128xf32, #tpu.memory_space<hbm>>
      %dma_start3A_882 = arith.constant 0 : i32
      %dma_start3A_883 = arith.constant 0 : i32
      %dma_start3A_884 = tpu.memref_slice %arg4[%add3A_562, %dma_start3A_874, %add3A_873, %dma_start3A_882, %dma_start3A_883] : memref<50x4x128x8x128xf32, #tpu.memory_space<hbm>> -> memref<1x1x1x8x128xf32, #tpu.memory_space<hbm>>
      %dma_start3A_885 = tpu.memref_squeeze %dma_start3A_884 : memref<1x1x1x8x128xf32, #tpu.memory_space<hbm>> -> memref<8x128xf32, #tpu.memory_space<hbm>>
      %dma_start3A_886 = arith.constant 24 : i32
      %dma_start3A_887 = arith.constant 384 : i32
      %dma_start3A_888 = tpu.memref_slice %arg8[%dma_start3A_886, %dma_start3A_887] : memref<32x513xf32, #tpu.memory_space<vmem>> -> memref<8x128xf32, #tpu.memory_space<vmem>>
      tpu.enqueue_dma source(%dma_start3A_888 : memref<8x128xf32, #tpu.memory_space<vmem>>) target(%dma_start3A_885 : memref<8x128xf32, #tpu.memory_space<hbm>>) target_semaphore(%arg11 : memref<!tpu.dma_semaphore, #tpu.memory_space<semaphore_mem>>)
      %mul3A_889 = arith.constant 2 : i32
      %mul3A_890 = arith.muli %scan3A_558, %mul3A_889 : i32
      %add3A_891 = arith.constant 1 : i32
      %add3A_892 = arith.addi %mul3A_890, %add3A_891 : i32
      %dma_wait3A_893 = arith.constant 0 : i32
      %dma_wait3A_894 = tpu.memref_slice %arg5[%add3A_892, %dma_wait3A_893] : memref<50x512xi32, #tpu.memory_space<vmem>> -> memref<1x512xi32, #tpu.memory_space<vmem>>
      %dma_wait3A_895 = tpu.memref_squeeze %dma_wait3A_894 : memref<1x512xi32, #tpu.memory_space<vmem>> -> memref<512xi32, #tpu.memory_space<vmem>>
      %dma_wait3A_896 = arith.constant 0 : i32
      %dma_wait3A_897 = arith.constant 0 : i32
      %dma_wait3A_898 = tpu.memref_slice %arg2[%dma_wait3A_896, %dma_wait3A_897] : memref<1000000x32xf32, #tpu.memory_space<hbm>> -> memref<1000000x32xf32, #tpu.memory_space<hbm>>
      tpu.wait_indirect_dma semaphore(%arg10 : memref<!tpu.dma_semaphore, #tpu.memory_space<semaphore_mem>>) src(%dma_wait3A_898 : memref<1000000x32xf32, #tpu.memory_space<hbm>>) dst(%arg7 : memref<512x32xf32, #tpu.memory_space<vmem>>)
      %lt3A = arith.constant 24 : i32
      %lt3A_899 = arith.cmpi slt, %scan3A_558, %lt3A : i32
      %convert_element_type3A_900 = arith.extui %lt3A_899 : i1 to i32
      %cond3A_901 = arith.constant 0 : i32
      %cond3A_902 = arith.cmpi ne, %convert_element_type3A_900, %cond3A_901 : i32
      scf.if %cond3A_902 {
        %add3A_1218 = arith.constant 1 : i32
        %add3A_1219 = arith.addi %add3A_892, %add3A_1218 : i32
        %dma_start3A_1220 = arith.constant 0 : i32
        %dma_start3A_1221 = tpu.memref_slice %arg5[%add3A_1219, %dma_start3A_1220] : memref<50x512xi32, #tpu.memory_space<vmem>> -> memref<1x512xi32, #tpu.memory_space<vmem>>
        %dma_start3A_1222 = tpu.memref_squeeze %dma_start3A_1221 : memref<1x512xi32, #tpu.memory_space<vmem>> -> memref<512xi32, #tpu.memory_space<vmem>>
        %dma_start3A_1223 = arith.constant 0 : i32
        %dma_start3A_1224 = arith.constant 0 : i32
        %dma_start3A_1225 = tpu.memref_slice %arg2[%dma_start3A_1223, %dma_start3A_1224] : memref<1000000x32xf32, #tpu.memory_space<hbm>> -> memref<1000000x32xf32, #tpu.memory_space<hbm>>
        tpu.enqueue_indirect_dma source(%dma_start3A_1225 : memref<1000000x32xf32, #tpu.memory_space<hbm>>) target(%arg6 : memref<512x32xf32, #tpu.memory_space<vmem>>) offsets(%dma_start3A_1222 : memref<512xi32, #tpu.memory_space<vmem>>) semaphore(%arg10 : memref<!tpu.dma_semaphore, #tpu.memory_space<semaphore_mem>>)
      } else {
      }
      %ge3A_903 = arith.constant 1 : i32
      %ge3A_904 = arith.cmpi sge, %scan3A_558, %ge3A_903 : i32
      %convert_element_type3A_905 = arith.extui %ge3A_904 : i1 to i32
      %cond3A_906 = arith.constant 0 : i32
      %cond3A_907 = arith.cmpi ne, %convert_element_type3A_905, %cond3A_906 : i32
      scf.if %cond3A_907 {
        %dma_wait3A_1218 = arith.constant 0 : i32
        %dma_wait3A_1219 = arith.constant 0 : i32
        %dma_wait3A_1220 = arith.constant 0 : i32
        %dma_wait3A_1221 = arith.constant 0 : i32
        %dma_wait3A_1222 = arith.constant 0 : i32
        %dma_wait3A_1223 = tpu.memref_slice %arg9[%dma_wait3A_1221, %dma_wait3A_1222] : memref<32x513xf32, #tpu.memory_space<vmem>> -> memref<8x128xf32, #tpu.memory_space<vmem>>
        %dma_wait3A_1224 = arith.constant 0 : i32
        %dma_wait3A_1225 = arith.constant 0 : i32
        %dma_wait3A_1226 = tpu.memref_slice %arg4[%dma_wait3A_1218, %dma_wait3A_1219, %dma_wait3A_1220, %dma_wait3A_1224, %dma_wait3A_1225] : memref<50x4x128x8x128xf32, #tpu.memory_space<hbm>> -> memref<1x1x1x8x128xf32, #tpu.memory_space<hbm>>
        %dma_wait3A_1227 = tpu.memref_squeeze %dma_wait3A_1226 : memref<1x1x1x8x128xf32, #tpu.memory_space<hbm>> -> memref<8x128xf32, #tpu.memory_space<hbm>>
        %dma_wait3A_1228 = arith.constant 0 : i32
        %dma_wait3A_1229 = arith.constant 0 : i32
        %dma_wait3A_1230 = tpu.memref_slice %arg4[%dma_wait3A_1218, %dma_wait3A_1219, %dma_wait3A_1220, %dma_wait3A_1228, %dma_wait3A_1229] : memref<50x4x128x8x128xf32, #tpu.memory_space<hbm>> -> memref<1x1x1x8x128xf32, #tpu.memory_space<hbm>>
        %dma_wait3A_1231 = tpu.memref_squeeze %dma_wait3A_1230 : memref<1x1x1x8x128xf32, #tpu.memory_space<hbm>> -> memref<8x128xf32, #tpu.memory_space<hbm>>
        %dma_wait3A_1232 = arith.constant 0 : i32
        %dma_wait3A_1233 = arith.constant 0 : i32
        %dma_wait3A_1234 = tpu.memref_slice %arg9[%dma_wait3A_1232, %dma_wait3A_1233] : memref<32x513xf32, #tpu.memory_space<vmem>> -> memref<8x128xf32, #tpu.memory_space<vmem>>
        tpu.wait_dma2 semaphore(%arg11 : memref<!tpu.dma_semaphore, #tpu.memory_space<semaphore_mem>>) src(%dma_wait3A_1234 : memref<8x128xf32, #tpu.memory_space<vmem>>) dst(%dma_wait3A_1231 : memref<8x128xf32, #tpu.memory_space<hbm>>)
        %dma_wait3A_1235 = arith.constant 0 : i32
        %dma_wait3A_1236 = arith.constant 0 : i32
        %dma_wait3A_1237 = arith.constant 0 : i32
        %dma_wait3A_1238 = arith.constant 0 : i32
        %dma_wait3A_1239 = arith.constant 0 : i32
        %dma_wait3A_1240 = tpu.memref_slice %arg9[%dma_wait3A_1238, %dma_wait3A_1239] : memref<32x513xf32, #tpu.memory_space<vmem>> -> memref<8x128xf32, #tpu.memory_space<vmem>>
        %dma_wait3A_1241 = arith.constant 0 : i32
        %dma_wait3A_1242 = arith.constant 0 : i32
        %dma_wait3A_1243 = tpu.memref_slice %arg4[%dma_wait3A_1235, %dma_wait3A_1236, %dma_wait3A_1237, %dma_wait3A_1241, %dma_wait3A_1242] : memref<50x4x128x8x128xf32, #tpu.memory_space<hbm>> -> memref<1x1x1x8x128xf32, #tpu.memory_space<hbm>>
        %dma_wait3A_1244 = tpu.memref_squeeze %dma_wait3A_1243 : memref<1x1x1x8x128xf32, #tpu.memory_space<hbm>> -> memref<8x128xf32, #tpu.memory_space<hbm>>
        %dma_wait3A_1245 = arith.constant 0 : i32
        %dma_wait3A_1246 = arith.constant 0 : i32
        %dma_wait3A_1247 = tpu.memref_slice %arg4[%dma_wait3A_1235, %dma_wait3A_1236, %dma_wait3A_1237, %dma_wait3A_1245, %dma_wait3A_1246] : memref<50x4x128x8x128xf32, #tpu.memory_space<hbm>> -> memref<1x1x1x8x128xf32, #tpu.memory_space<hbm>>
        %dma_wait3A_1248 = tpu.memref_squeeze %dma_wait3A_1247 : memref<1x1x1x8x128xf32, #tpu.memory_space<hbm>> -> memref<8x128xf32, #tpu.memory_space<hbm>>
        %dma_wait3A_1249 = arith.constant 0 : i32
        %dma_wait3A_1250 = arith.constant 0 : i32
        %dma_wait3A_1251 = tpu.memref_slice %arg9[%dma_wait3A_1249, %dma_wait3A_1250] : memref<32x513xf32, #tpu.memory_space<vmem>> -> memref<8x128xf32, #tpu.memory_space<vmem>>
        tpu.wait_dma2 semaphore(%arg11 : memref<!tpu.dma_semaphore, #tpu.memory_space<semaphore_mem>>) src(%dma_wait3A_1251 : memref<8x128xf32, #tpu.memory_space<vmem>>) dst(%dma_wait3A_1248 : memref<8x128xf32, #tpu.memory_space<hbm>>)
        %dma_wait3A_1252 = arith.constant 0 : i32
        %dma_wait3A_1253 = arith.constant 0 : i32
        %dma_wait3A_1254 = arith.constant 0 : i32
        %dma_wait3A_1255 = arith.constant 0 : i32
        %dma_wait3A_1256 = arith.constant 0 : i32
        %dma_wait3A_1257 = tpu.memref_slice %arg9[%dma_wait3A_1255, %dma_wait3A_1256] : memref<32x513xf32, #tpu.memory_space<vmem>> -> memref<8x128xf32, #tpu.memory_space<vmem>>
        %dma_wait3A_1258 = arith.constant 0 : i32
        %dma_wait3A_1259 = arith.constant 0 : i32
        %dma_wait3A_1260 = tpu.memref_slice %arg4[%dma_wait3A_1252, %dma_wait3A_1253, %dma_wait3A_1254, %dma_wait3A_1258, %dma_wait3A_1259] : memref<50x4x128x8x128xf32, #tpu.memory_space<hbm>> -> memref<1x1x1x8x128xf32, #tpu.memory_space<hbm>>
        %dma_wait3A_1261 = tpu.memref_squeeze %dma_wait3A_1260 : memref<1x1x1x8x128xf32, #tpu.memory_space<hbm>> -> memref<8x128xf32, #tpu.memory_space<hbm>>
        %dma_wait3A_1262 = arith.constant 0 : i32
        %dma_wait3A_1263 = arith.constant 0 : i32
        %dma_wait3A_1264 = tpu.memref_slice %arg4[%dma_wait3A_1252, %dma_wait3A_1253, %dma_wait3A_1254, %dma_wait3A_1262, %dma_wait3A_1263] : memref<50x4x128x8x128xf32, #tpu.memory_space<hbm>> -> memref<1x1x1x8x128xf32, #tpu.memory_space<hbm>>
        %dma_wait3A_1265 = tpu.memref_squeeze %dma_wait3A_1264 : memref<1x1x1x8x128xf32, #tpu.memory_space<hbm>> -> memref<8x128xf32, #tpu.memory_space<hbm>>
        %dma_wait3A_1266 = arith.constant 0 : i32
        %dma_wait3A_1267 = arith.constant 0 : i32
        %dma_wait3A_1268 = tpu.memref_slice %arg9[%dma_wait3A_1266, %dma_wait3A_1267] : memref<32x513xf32, #tpu.memory_space<vmem>> -> memref<8x128xf32, #tpu.memory_space<vmem>>
        tpu.wait_dma2 semaphore(%arg11 : memref<!tpu.dma_semaphore, #tpu.memory_space<semaphore_mem>>) src(%dma_wait3A_1268 : memref<8x128xf32, #tpu.memory_space<vmem>>) dst(%dma_wait3A_1265 : memref<8x128xf32, #tpu.memory_space<hbm>>)
        %dma_wait3A_1269 = arith.constant 0 : i32
        %dma_wait3A_1270 = arith.constant 0 : i32
        %dma_wait3A_1271 = arith.constant 0 : i32
        %dma_wait3A_1272 = arith.constant 0 : i32
        %dma_wait3A_1273 = arith.constant 0 : i32
        %dma_wait3A_1274 = tpu.memref_slice %arg9[%dma_wait3A_1272, %dma_wait3A_1273] : memref<32x513xf32, #tpu.memory_space<vmem>> -> memref<8x128xf32, #tpu.memory_space<vmem>>
        %dma_wait3A_1275 = arith.constant 0 : i32
        %dma_wait3A_1276 = arith.constant 0 : i32
        %dma_wait3A_1277 = tpu.memref_slice %arg4[%dma_wait3A_1269, %dma_wait3A_1270, %dma_wait3A_1271, %dma_wait3A_1275, %dma_wait3A_1276] : memref<50x4x128x8x128xf32, #tpu.memory_space<hbm>> -> memref<1x1x1x8x128xf32, #tpu.memory_space<hbm>>
        %dma_wait3A_1278 = tpu.memref_squeeze %dma_wait3A_1277 : memref<1x1x1x8x128xf32, #tpu.memory_space<hbm>> -> memref<8x128xf32, #tpu.memory_space<hbm>>
        %dma_wait3A_1279 = arith.constant 0 : i32
        %dma_wait3A_1280 = arith.constant 0 : i32
        %dma_wait3A_1281 = tpu.memref_slice %arg4[%dma_wait3A_1269, %dma_wait3A_1270, %dma_wait3A_1271, %dma_wait3A_1279, %dma_wait3A_1280] : memref<50x4x128x8x128xf32, #tpu.memory_space<hbm>> -> memref<1x1x1x8x128xf32, #tpu.memory_space<hbm>>
        %dma_wait3A_1282 = tpu.memref_squeeze %dma_wait3A_1281 : memref<1x1x1x8x128xf32, #tpu.memory_space<hbm>> -> memref<8x128xf32, #tpu.memory_space<hbm>>
        %dma_wait3A_1283 = arith.constant 0 : i32
        %dma_wait3A_1284 = arith.constant 0 : i32
        %dma_wait3A_1285 = tpu.memref_slice %arg9[%dma_wait3A_1283, %dma_wait3A_1284] : memref<32x513xf32, #tpu.memory_space<vmem>> -> memref<8x128xf32, #tpu.memory_space<vmem>>
        tpu.wait_dma2 semaphore(%arg11 : memref<!tpu.dma_semaphore, #tpu.memory_space<semaphore_mem>>) src(%dma_wait3A_1285 : memref<8x128xf32, #tpu.memory_space<vmem>>) dst(%dma_wait3A_1282 : memref<8x128xf32, #tpu.memory_space<hbm>>)
        %dma_wait3A_1286 = arith.constant 0 : i32
        %dma_wait3A_1287 = arith.constant 0 : i32
        %dma_wait3A_1288 = arith.constant 0 : i32
        %dma_wait3A_1289 = arith.constant 0 : i32
        %dma_wait3A_1290 = arith.constant 0 : i32
        %dma_wait3A_1291 = tpu.memref_slice %arg9[%dma_wait3A_1289, %dma_wait3A_1290] : memref<32x513xf32, #tpu.memory_space<vmem>> -> memref<8x128xf32, #tpu.memory_space<vmem>>
        %dma_wait3A_1292 = arith.constant 0 : i32
        %dma_wait3A_1293 = arith.constant 0 : i32
        %dma_wait3A_1294 = tpu.memref_slice %arg4[%dma_wait3A_1286, %dma_wait3A_1287, %dma_wait3A_1288, %dma_wait3A_1292, %dma_wait3A_1293] : memref<50x4x128x8x128xf32, #tpu.memory_space<hbm>> -> memref<1x1x1x8x128xf32, #tpu.memory_space<hbm>>
        %dma_wait3A_1295 = tpu.memref_squeeze %dma_wait3A_1294 : memref<1x1x1x8x128xf32, #tpu.memory_space<hbm>> -> memref<8x128xf32, #tpu.memory_space<hbm>>
        %dma_wait3A_1296 = arith.constant 0 : i32
        %dma_wait3A_1297 = arith.constant 0 : i32
        %dma_wait3A_1298 = tpu.memref_slice %arg4[%dma_wait3A_1286, %dma_wait3A_1287, %dma_wait3A_1288, %dma_wait3A_1296, %dma_wait3A_1297] : memref<50x4x128x8x128xf32, #tpu.memory_space<hbm>> -> memref<1x1x1x8x128xf32, #tpu.memory_space<hbm>>
        %dma_wait3A_1299 = tpu.memref_squeeze %dma_wait3A_1298 : memref<1x1x1x8x128xf32, #tpu.memory_space<hbm>> -> memref<8x128xf32, #tpu.memory_space<hbm>>
        %dma_wait3A_1300 = arith.constant 0 : i32
        %dma_wait3A_1301 = arith.constant 0 : i32
        %dma_wait3A_1302 = tpu.memref_slice %arg9[%dma_wait3A_1300, %dma_wait3A_1301] : memref<32x513xf32, #tpu.memory_space<vmem>> -> memref<8x128xf32, #tpu.memory_space<vmem>>
        tpu.wait_dma2 semaphore(%arg11 : memref<!tpu.dma_semaphore, #tpu.memory_space<semaphore_mem>>) src(%dma_wait3A_1302 : memref<8x128xf32, #tpu.memory_space<vmem>>) dst(%dma_wait3A_1299 : memref<8x128xf32, #tpu.memory_space<hbm>>)
        %dma_wait3A_1303 = arith.constant 0 : i32
        %dma_wait3A_1304 = arith.constant 0 : i32
        %dma_wait3A_1305 = arith.constant 0 : i32
        %dma_wait3A_1306 = arith.constant 0 : i32
        %dma_wait3A_1307 = arith.constant 0 : i32
        %dma_wait3A_1308 = tpu.memref_slice %arg9[%dma_wait3A_1306, %dma_wait3A_1307] : memref<32x513xf32, #tpu.memory_space<vmem>> -> memref<8x128xf32, #tpu.memory_space<vmem>>
        %dma_wait3A_1309 = arith.constant 0 : i32
        %dma_wait3A_1310 = arith.constant 0 : i32
        %dma_wait3A_1311 = tpu.memref_slice %arg4[%dma_wait3A_1303, %dma_wait3A_1304, %dma_wait3A_1305, %dma_wait3A_1309, %dma_wait3A_1310] : memref<50x4x128x8x128xf32, #tpu.memory_space<hbm>> -> memref<1x1x1x8x128xf32, #tpu.memory_space<hbm>>
        %dma_wait3A_1312 = tpu.memref_squeeze %dma_wait3A_1311 : memref<1x1x1x8x128xf32, #tpu.memory_space<hbm>> -> memref<8x128xf32, #tpu.memory_space<hbm>>
        %dma_wait3A_1313 = arith.constant 0 : i32
        %dma_wait3A_1314 = arith.constant 0 : i32
        %dma_wait3A_1315 = tpu.memref_slice %arg4[%dma_wait3A_1303, %dma_wait3A_1304, %dma_wait3A_1305, %dma_wait3A_1313, %dma_wait3A_1314] : memref<50x4x128x8x128xf32, #tpu.memory_space<hbm>> -> memref<1x1x1x8x128xf32, #tpu.memory_space<hbm>>
        %dma_wait3A_1316 = tpu.memref_squeeze %dma_wait3A_1315 : memref<1x1x1x8x128xf32, #tpu.memory_space<hbm>> -> memref<8x128xf32, #tpu.memory_space<hbm>>
        %dma_wait3A_1317 = arith.constant 0 : i32
        %dma_wait3A_1318 = arith.constant 0 : i32
        %dma_wait3A_1319 = tpu.memref_slice %arg9[%dma_wait3A_1317, %dma_wait3A_1318] : memref<32x513xf32, #tpu.memory_space<vmem>> -> memref<8x128xf32, #tpu.memory_space<vmem>>
        tpu.wait_dma2 semaphore(%arg11 : memref<!tpu.dma_semaphore, #tpu.memory_space<semaphore_mem>>) src(%dma_wait3A_1319 : memref<8x128xf32, #tpu.memory_space<vmem>>) dst(%dma_wait3A_1316 : memref<8x128xf32, #tpu.memory_space<hbm>>)
        %dma_wait3A_1320 = arith.constant 0 : i32
        %dma_wait3A_1321 = arith.constant 0 : i32
        %dma_wait3A_1322 = arith.constant 0 : i32
        %dma_wait3A_1323 = arith.constant 0 : i32
        %dma_wait3A_1324 = arith.constant 0 : i32
        %dma_wait3A_1325 = tpu.memref_slice %arg9[%dma_wait3A_1323, %dma_wait3A_1324] : memref<32x513xf32, #tpu.memory_space<vmem>> -> memref<8x128xf32, #tpu.memory_space<vmem>>
        %dma_wait3A_1326 = arith.constant 0 : i32
        %dma_wait3A_1327 = arith.constant 0 : i32
        %dma_wait3A_1328 = tpu.memref_slice %arg4[%dma_wait3A_1320, %dma_wait3A_1321, %dma_wait3A_1322, %dma_wait3A_1326, %dma_wait3A_1327] : memref<50x4x128x8x128xf32, #tpu.memory_space<hbm>> -> memref<1x1x1x8x128xf32, #tpu.memory_space<hbm>>
        %dma_wait3A_1329 = tpu.memref_squeeze %dma_wait3A_1328 : memref<1x1x1x8x128xf32, #tpu.memory_space<hbm>> -> memref<8x128xf32, #tpu.memory_space<hbm>>
        %dma_wait3A_1330 = arith.constant 0 : i32
        %dma_wait3A_1331 = arith.constant 0 : i32
        %dma_wait3A_1332 = tpu.memref_slice %arg4[%dma_wait3A_1320, %dma_wait3A_1321, %dma_wait3A_1322, %dma_wait3A_1330, %dma_wait3A_1331] : memref<50x4x128x8x128xf32, #tpu.memory_space<hbm>> -> memref<1x1x1x8x128xf32, #tpu.memory_space<hbm>>
        %dma_wait3A_1333 = tpu.memref_squeeze %dma_wait3A_1332 : memref<1x1x1x8x128xf32, #tpu.memory_space<hbm>> -> memref<8x128xf32, #tpu.memory_space<hbm>>
        %dma_wait3A_1334 = arith.constant 0 : i32
        %dma_wait3A_1335 = arith.constant 0 : i32
        %dma_wait3A_1336 = tpu.memref_slice %arg9[%dma_wait3A_1334, %dma_wait3A_1335] : memref<32x513xf32, #tpu.memory_space<vmem>> -> memref<8x128xf32, #tpu.memory_space<vmem>>
        tpu.wait_dma2 semaphore(%arg11 : memref<!tpu.dma_semaphore, #tpu.memory_space<semaphore_mem>>) src(%dma_wait3A_1336 : memref<8x128xf32, #tpu.memory_space<vmem>>) dst(%dma_wait3A_1333 : memref<8x128xf32, #tpu.memory_space<hbm>>)
        %dma_wait3A_1337 = arith.constant 0 : i32
        %dma_wait3A_1338 = arith.constant 0 : i32
        %dma_wait3A_1339 = arith.constant 0 : i32
        %dma_wait3A_1340 = arith.constant 0 : i32
        %dma_wait3A_1341 = arith.constant 0 : i32
        %dma_wait3A_1342 = tpu.memref_slice %arg9[%dma_wait3A_1340, %dma_wait3A_1341] : memref<32x513xf32, #tpu.memory_space<vmem>> -> memref<8x128xf32, #tpu.memory_space<vmem>>
        %dma_wait3A_1343 = arith.constant 0 : i32
        %dma_wait3A_1344 = arith.constant 0 : i32
        %dma_wait3A_1345 = tpu.memref_slice %arg4[%dma_wait3A_1337, %dma_wait3A_1338, %dma_wait3A_1339, %dma_wait3A_1343, %dma_wait3A_1344] : memref<50x4x128x8x128xf32, #tpu.memory_space<hbm>> -> memref<1x1x1x8x128xf32, #tpu.memory_space<hbm>>
        %dma_wait3A_1346 = tpu.memref_squeeze %dma_wait3A_1345 : memref<1x1x1x8x128xf32, #tpu.memory_space<hbm>> -> memref<8x128xf32, #tpu.memory_space<hbm>>
        %dma_wait3A_1347 = arith.constant 0 : i32
        %dma_wait3A_1348 = arith.constant 0 : i32
        %dma_wait3A_1349 = tpu.memref_slice %arg4[%dma_wait3A_1337, %dma_wait3A_1338, %dma_wait3A_1339, %dma_wait3A_1347, %dma_wait3A_1348] : memref<50x4x128x8x128xf32, #tpu.memory_space<hbm>> -> memref<1x1x1x8x128xf32, #tpu.memory_space<hbm>>
        %dma_wait3A_1350 = tpu.memref_squeeze %dma_wait3A_1349 : memref<1x1x1x8x128xf32, #tpu.memory_space<hbm>> -> memref<8x128xf32, #tpu.memory_space<hbm>>
        %dma_wait3A_1351 = arith.constant 0 : i32
        %dma_wait3A_1352 = arith.constant 0 : i32
        %dma_wait3A_1353 = tpu.memref_slice %arg9[%dma_wait3A_1351, %dma_wait3A_1352] : memref<32x513xf32, #tpu.memory_space<vmem>> -> memref<8x128xf32, #tpu.memory_space<vmem>>
        tpu.wait_dma2 semaphore(%arg11 : memref<!tpu.dma_semaphore, #tpu.memory_space<semaphore_mem>>) src(%dma_wait3A_1353 : memref<8x128xf32, #tpu.memory_space<vmem>>) dst(%dma_wait3A_1350 : memref<8x128xf32, #tpu.memory_space<hbm>>)
        %dma_wait3A_1354 = arith.constant 0 : i32
        %dma_wait3A_1355 = arith.constant 0 : i32
        %dma_wait3A_1356 = arith.constant 0 : i32
        %dma_wait3A_1357 = arith.constant 0 : i32
        %dma_wait3A_1358 = arith.constant 0 : i32
        %dma_wait3A_1359 = tpu.memref_slice %arg9[%dma_wait3A_1357, %dma_wait3A_1358] : memref<32x513xf32, #tpu.memory_space<vmem>> -> memref<8x128xf32, #tpu.memory_space<vmem>>
        %dma_wait3A_1360 = arith.constant 0 : i32
        %dma_wait3A_1361 = arith.constant 0 : i32
        %dma_wait3A_1362 = tpu.memref_slice %arg4[%dma_wait3A_1354, %dma_wait3A_1355, %dma_wait3A_1356, %dma_wait3A_1360, %dma_wait3A_1361] : memref<50x4x128x8x128xf32, #tpu.memory_space<hbm>> -> memref<1x1x1x8x128xf32, #tpu.memory_space<hbm>>
        %dma_wait3A_1363 = tpu.memref_squeeze %dma_wait3A_1362 : memref<1x1x1x8x128xf32, #tpu.memory_space<hbm>> -> memref<8x128xf32, #tpu.memory_space<hbm>>
        %dma_wait3A_1364 = arith.constant 0 : i32
        %dma_wait3A_1365 = arith.constant 0 : i32
        %dma_wait3A_1366 = tpu.memref_slice %arg4[%dma_wait3A_1354, %dma_wait3A_1355, %dma_wait3A_1356, %dma_wait3A_1364, %dma_wait3A_1365] : memref<50x4x128x8x128xf32, #tpu.memory_space<hbm>> -> memref<1x1x1x8x128xf32, #tpu.memory_space<hbm>>
        %dma_wait3A_1367 = tpu.memref_squeeze %dma_wait3A_1366 : memref<1x1x1x8x128xf32, #tpu.memory_space<hbm>> -> memref<8x128xf32, #tpu.memory_space<hbm>>
        %dma_wait3A_1368 = arith.constant 0 : i32
        %dma_wait3A_1369 = arith.constant 0 : i32
        %dma_wait3A_1370 = tpu.memref_slice %arg9[%dma_wait3A_1368, %dma_wait3A_1369] : memref<32x513xf32, #tpu.memory_space<vmem>> -> memref<8x128xf32, #tpu.memory_space<vmem>>
        tpu.wait_dma2 semaphore(%arg11 : memref<!tpu.dma_semaphore, #tpu.memory_space<semaphore_mem>>) src(%dma_wait3A_1370 : memref<8x128xf32, #tpu.memory_space<vmem>>) dst(%dma_wait3A_1367 : memref<8x128xf32, #tpu.memory_space<hbm>>)
        %dma_wait3A_1371 = arith.constant 0 : i32
        %dma_wait3A_1372 = arith.constant 0 : i32
        %dma_wait3A_1373 = arith.constant 0 : i32
        %dma_wait3A_1374 = arith.constant 0 : i32
        %dma_wait3A_1375 = arith.constant 0 : i32
        %dma_wait3A_1376 = tpu.memref_slice %arg9[%dma_wait3A_1374, %dma_wait3A_1375] : memref<32x513xf32, #tpu.memory_space<vmem>> -> memref<8x128xf32, #tpu.memory_space<vmem>>
        %dma_wait3A_1377 = arith.constant 0 : i32
        %dma_wait3A_1378 = arith.constant 0 : i32
        %dma_wait3A_1379 = tpu.memref_slice %arg4[%dma_wait3A_1371, %dma_wait3A_1372, %dma_wait3A_1373, %dma_wait3A_1377, %dma_wait3A_1378] : memref<50x4x128x8x128xf32, #tpu.memory_space<hbm>> -> memref<1x1x1x8x128xf32, #tpu.memory_space<hbm>>
        %dma_wait3A_1380 = tpu.memref_squeeze %dma_wait3A_1379 : memref<1x1x1x8x128xf32, #tpu.memory_space<hbm>> -> memref<8x128xf32, #tpu.memory_space<hbm>>
        %dma_wait3A_1381 = arith.constant 0 : i32
        %dma_wait3A_1382 = arith.constant 0 : i32
        %dma_wait3A_1383 = tpu.memref_slice %arg4[%dma_wait3A_1371, %dma_wait3A_1372, %dma_wait3A_1373, %dma_wait3A_1381, %dma_wait3A_1382] : memref<50x4x128x8x128xf32, #tpu.memory_space<hbm>> -> memref<1x1x1x8x128xf32, #tpu.memory_space<hbm>>
        %dma_wait3A_1384 = tpu.memref_squeeze %dma_wait3A_1383 : memref<1x1x1x8x128xf32, #tpu.memory_space<hbm>> -> memref<8x128xf32, #tpu.memory_space<hbm>>
        %dma_wait3A_1385 = arith.constant 0 : i32
        %dma_wait3A_1386 = arith.constant 0 : i32
        %dma_wait3A_1387 = tpu.memref_slice %arg9[%dma_wait3A_1385, %dma_wait3A_1386] : memref<32x513xf32, #tpu.memory_space<vmem>> -> memref<8x128xf32, #tpu.memory_space<vmem>>
        tpu.wait_dma2 semaphore(%arg11 : memref<!tpu.dma_semaphore, #tpu.memory_space<semaphore_mem>>) src(%dma_wait3A_1387 : memref<8x128xf32, #tpu.memory_space<vmem>>) dst(%dma_wait3A_1384 : memref<8x128xf32, #tpu.memory_space<hbm>>)
        %dma_wait3A_1388 = arith.constant 0 : i32
        %dma_wait3A_1389 = arith.constant 0 : i32
        %dma_wait3A_1390 = arith.constant 0 : i32
        %dma_wait3A_1391 = arith.constant 0 : i32
        %dma_wait3A_1392 = arith.constant 0 : i32
        %dma_wait3A_1393 = tpu.memref_slice %arg9[%dma_wait3A_1391, %dma_wait3A_1392] : memref<32x513xf32, #tpu.memory_space<vmem>> -> memref<8x128xf32, #tpu.memory_space<vmem>>
        %dma_wait3A_1394 = arith.constant 0 : i32
        %dma_wait3A_1395 = arith.constant 0 : i32
        %dma_wait3A_1396 = tpu.memref_slice %arg4[%dma_wait3A_1388, %dma_wait3A_1389, %dma_wait3A_1390, %dma_wait3A_1394, %dma_wait3A_1395] : memref<50x4x128x8x128xf32, #tpu.memory_space<hbm>> -> memref<1x1x1x8x128xf32, #tpu.memory_space<hbm>>
        %dma_wait3A_1397 = tpu.memref_squeeze %dma_wait3A_1396 : memref<1x1x1x8x128xf32, #tpu.memory_space<hbm>> -> memref<8x128xf32, #tpu.memory_space<hbm>>
        %dma_wait3A_1398 = arith.constant 0 : i32
        %dma_wait3A_1399 = arith.constant 0 : i32
        %dma_wait3A_1400 = tpu.memref_slice %arg4[%dma_wait3A_1388, %dma_wait3A_1389, %dma_wait3A_1390, %dma_wait3A_1398, %dma_wait3A_1399] : memref<50x4x128x8x128xf32, #tpu.memory_space<hbm>> -> memref<1x1x1x8x128xf32, #tpu.memory_space<hbm>>
        %dma_wait3A_1401 = tpu.memref_squeeze %dma_wait3A_1400 : memref<1x1x1x8x128xf32, #tpu.memory_space<hbm>> -> memref<8x128xf32, #tpu.memory_space<hbm>>
        %dma_wait3A_1402 = arith.constant 0 : i32
        %dma_wait3A_1403 = arith.constant 0 : i32
        %dma_wait3A_1404 = tpu.memref_slice %arg9[%dma_wait3A_1402, %dma_wait3A_1403] : memref<32x513xf32, #tpu.memory_space<vmem>> -> memref<8x128xf32, #tpu.memory_space<vmem>>
        tpu.wait_dma2 semaphore(%arg11 : memref<!tpu.dma_semaphore, #tpu.memory_space<semaphore_mem>>) src(%dma_wait3A_1404 : memref<8x128xf32, #tpu.memory_space<vmem>>) dst(%dma_wait3A_1401 : memref<8x128xf32, #tpu.memory_space<hbm>>)
        %dma_wait3A_1405 = arith.constant 0 : i32
        %dma_wait3A_1406 = arith.constant 0 : i32
        %dma_wait3A_1407 = arith.constant 0 : i32
        %dma_wait3A_1408 = arith.constant 0 : i32
        %dma_wait3A_1409 = arith.constant 0 : i32
        %dma_wait3A_1410 = tpu.memref_slice %arg9[%dma_wait3A_1408, %dma_wait3A_1409] : memref<32x513xf32, #tpu.memory_space<vmem>> -> memref<8x128xf32, #tpu.memory_space<vmem>>
        %dma_wait3A_1411 = arith.constant 0 : i32
        %dma_wait3A_1412 = arith.constant 0 : i32
        %dma_wait3A_1413 = tpu.memref_slice %arg4[%dma_wait3A_1405, %dma_wait3A_1406, %dma_wait3A_1407, %dma_wait3A_1411, %dma_wait3A_1412] : memref<50x4x128x8x128xf32, #tpu.memory_space<hbm>> -> memref<1x1x1x8x128xf32, #tpu.memory_space<hbm>>
        %dma_wait3A_1414 = tpu.memref_squeeze %dma_wait3A_1413 : memref<1x1x1x8x128xf32, #tpu.memory_space<hbm>> -> memref<8x128xf32, #tpu.memory_space<hbm>>
        %dma_wait3A_1415 = arith.constant 0 : i32
        %dma_wait3A_1416 = arith.constant 0 : i32
        %dma_wait3A_1417 = tpu.memref_slice %arg4[%dma_wait3A_1405, %dma_wait3A_1406, %dma_wait3A_1407, %dma_wait3A_1415, %dma_wait3A_1416] : memref<50x4x128x8x128xf32, #tpu.memory_space<hbm>> -> memref<1x1x1x8x128xf32, #tpu.memory_space<hbm>>
        %dma_wait3A_1418 = tpu.memref_squeeze %dma_wait3A_1417 : memref<1x1x1x8x128xf32, #tpu.memory_space<hbm>> -> memref<8x128xf32, #tpu.memory_space<hbm>>
        %dma_wait3A_1419 = arith.constant 0 : i32
        %dma_wait3A_1420 = arith.constant 0 : i32
        %dma_wait3A_1421 = tpu.memref_slice %arg9[%dma_wait3A_1419, %dma_wait3A_1420] : memref<32x513xf32, #tpu.memory_space<vmem>> -> memref<8x128xf32, #tpu.memory_space<vmem>>
        tpu.wait_dma2 semaphore(%arg11 : memref<!tpu.dma_semaphore, #tpu.memory_space<semaphore_mem>>) src(%dma_wait3A_1421 : memref<8x128xf32, #tpu.memory_space<vmem>>) dst(%dma_wait3A_1418 : memref<8x128xf32, #tpu.memory_space<hbm>>)
        %dma_wait3A_1422 = arith.constant 0 : i32
        %dma_wait3A_1423 = arith.constant 0 : i32
        %dma_wait3A_1424 = arith.constant 0 : i32
        %dma_wait3A_1425 = arith.constant 0 : i32
        %dma_wait3A_1426 = arith.constant 0 : i32
        %dma_wait3A_1427 = tpu.memref_slice %arg9[%dma_wait3A_1425, %dma_wait3A_1426] : memref<32x513xf32, #tpu.memory_space<vmem>> -> memref<8x128xf32, #tpu.memory_space<vmem>>
        %dma_wait3A_1428 = arith.constant 0 : i32
        %dma_wait3A_1429 = arith.constant 0 : i32
        %dma_wait3A_1430 = tpu.memref_slice %arg4[%dma_wait3A_1422, %dma_wait3A_1423, %dma_wait3A_1424, %dma_wait3A_1428, %dma_wait3A_1429] : memref<50x4x128x8x128xf32, #tpu.memory_space<hbm>> -> memref<1x1x1x8x128xf32, #tpu.memory_space<hbm>>
        %dma_wait3A_1431 = tpu.memref_squeeze %dma_wait3A_1430 : memref<1x1x1x8x128xf32, #tpu.memory_space<hbm>> -> memref<8x128xf32, #tpu.memory_space<hbm>>
        %dma_wait3A_1432 = arith.constant 0 : i32
        %dma_wait3A_1433 = arith.constant 0 : i32
        %dma_wait3A_1434 = tpu.memref_slice %arg4[%dma_wait3A_1422, %dma_wait3A_1423, %dma_wait3A_1424, %dma_wait3A_1432, %dma_wait3A_1433] : memref<50x4x128x8x128xf32, #tpu.memory_space<hbm>> -> memref<1x1x1x8x128xf32, #tpu.memory_space<hbm>>
        %dma_wait3A_1435 = tpu.memref_squeeze %dma_wait3A_1434 : memref<1x1x1x8x128xf32, #tpu.memory_space<hbm>> -> memref<8x128xf32, #tpu.memory_space<hbm>>
        %dma_wait3A_1436 = arith.constant 0 : i32
        %dma_wait3A_1437 = arith.constant 0 : i32
        %dma_wait3A_1438 = tpu.memref_slice %arg9[%dma_wait3A_1436, %dma_wait3A_1437] : memref<32x513xf32, #tpu.memory_space<vmem>> -> memref<8x128xf32, #tpu.memory_space<vmem>>
        tpu.wait_dma2 semaphore(%arg11 : memref<!tpu.dma_semaphore, #tpu.memory_space<semaphore_mem>>) src(%dma_wait3A_1438 : memref<8x128xf32, #tpu.memory_space<vmem>>) dst(%dma_wait3A_1435 : memref<8x128xf32, #tpu.memory_space<hbm>>)
        %dma_wait3A_1439 = arith.constant 0 : i32
        %dma_wait3A_1440 = arith.constant 0 : i32
        %dma_wait3A_1441 = arith.constant 0 : i32
        %dma_wait3A_1442 = arith.constant 0 : i32
        %dma_wait3A_1443 = arith.constant 0 : i32
        %dma_wait3A_1444 = tpu.memref_slice %arg9[%dma_wait3A_1442, %dma_wait3A_1443] : memref<32x513xf32, #tpu.memory_space<vmem>> -> memref<8x128xf32, #tpu.memory_space<vmem>>
        %dma_wait3A_1445 = arith.constant 0 : i32
        %dma_wait3A_1446 = arith.constant 0 : i32
        %dma_wait3A_1447 = tpu.memref_slice %arg4[%dma_wait3A_1439, %dma_wait3A_1440, %dma_wait3A_1441, %dma_wait3A_1445, %dma_wait3A_1446] : memref<50x4x128x8x128xf32, #tpu.memory_space<hbm>> -> memref<1x1x1x8x128xf32, #tpu.memory_space<hbm>>
        %dma_wait3A_1448 = tpu.memref_squeeze %dma_wait3A_1447 : memref<1x1x1x8x128xf32, #tpu.memory_space<hbm>> -> memref<8x128xf32, #tpu.memory_space<hbm>>
        %dma_wait3A_1449 = arith.constant 0 : i32
        %dma_wait3A_1450 = arith.constant 0 : i32
        %dma_wait3A_1451 = tpu.memref_slice %arg4[%dma_wait3A_1439, %dma_wait3A_1440, %dma_wait3A_1441, %dma_wait3A_1449, %dma_wait3A_1450] : memref<50x4x128x8x128xf32, #tpu.memory_space<hbm>> -> memref<1x1x1x8x128xf32, #tpu.memory_space<hbm>>
        %dma_wait3A_1452 = tpu.memref_squeeze %dma_wait3A_1451 : memref<1x1x1x8x128xf32, #tpu.memory_space<hbm>> -> memref<8x128xf32, #tpu.memory_space<hbm>>
        %dma_wait3A_1453 = arith.constant 0 : i32
        %dma_wait3A_1454 = arith.constant 0 : i32
        %dma_wait3A_1455 = tpu.memref_slice %arg9[%dma_wait3A_1453, %dma_wait3A_1454] : memref<32x513xf32, #tpu.memory_space<vmem>> -> memref<8x128xf32, #tpu.memory_space<vmem>>
        tpu.wait_dma2 semaphore(%arg11 : memref<!tpu.dma_semaphore, #tpu.memory_space<semaphore_mem>>) src(%dma_wait3A_1455 : memref<8x128xf32, #tpu.memory_space<vmem>>) dst(%dma_wait3A_1452 : memref<8x128xf32, #tpu.memory_space<hbm>>)
        %dma_wait3A_1456 = arith.constant 0 : i32
        %dma_wait3A_1457 = arith.constant 0 : i32
        %dma_wait3A_1458 = arith.constant 0 : i32
        %dma_wait3A_1459 = arith.constant 0 : i32
        %dma_wait3A_1460 = arith.constant 0 : i32
        %dma_wait3A_1461 = tpu.memref_slice %arg9[%dma_wait3A_1459, %dma_wait3A_1460] : memref<32x513xf32, #tpu.memory_space<vmem>> -> memref<8x128xf32, #tpu.memory_space<vmem>>
        %dma_wait3A_1462 = arith.constant 0 : i32
        %dma_wait3A_1463 = arith.constant 0 : i32
        %dma_wait3A_1464 = tpu.memref_slice %arg4[%dma_wait3A_1456, %dma_wait3A_1457, %dma_wait3A_1458, %dma_wait3A_1462, %dma_wait3A_1463] : memref<50x4x128x8x128xf32, #tpu.memory_space<hbm>> -> memref<1x1x1x8x128xf32, #tpu.memory_space<hbm>>
        %dma_wait3A_1465 = tpu.memref_squeeze %dma_wait3A_1464 : memref<1x1x1x8x128xf32, #tpu.memory_space<hbm>> -> memref<8x128xf32, #tpu.memory_space<hbm>>
        %dma_wait3A_1466 = arith.constant 0 : i32
        %dma_wait3A_1467 = arith.constant 0 : i32
        %dma_wait3A_1468 = tpu.memref_slice %arg4[%dma_wait3A_1456, %dma_wait3A_1457, %dma_wait3A_1458, %dma_wait3A_1466, %dma_wait3A_1467] : memref<50x4x128x8x128xf32, #tpu.memory_space<hbm>> -> memref<1x1x1x8x128xf32, #tpu.memory_space<hbm>>
        %dma_wait3A_1469 = tpu.memref_squeeze %dma_wait3A_1468 : memref<1x1x1x8x128xf32, #tpu.memory_space<hbm>> -> memref<8x128xf32, #tpu.memory_space<hbm>>
        %dma_wait3A_1470 = arith.constant 0 : i32
        %dma_wait3A_1471 = arith.constant 0 : i32
        %dma_wait3A_1472 = tpu.memref_slice %arg9[%dma_wait3A_1470, %dma_wait3A_1471] : memref<32x513xf32, #tpu.memory_space<vmem>> -> memref<8x128xf32, #tpu.memory_space<vmem>>
        tpu.wait_dma2 semaphore(%arg11 : memref<!tpu.dma_semaphore, #tpu.memory_space<semaphore_mem>>) src(%dma_wait3A_1472 : memref<8x128xf32, #tpu.memory_space<vmem>>) dst(%dma_wait3A_1469 : memref<8x128xf32, #tpu.memory_space<hbm>>)
        %dma_wait3A_1473 = arith.constant 0 : i32
        %dma_wait3A_1474 = arith.constant 0 : i32
        %dma_wait3A_1475 = arith.constant 0 : i32
        %dma_wait3A_1476 = arith.constant 0 : i32
        %dma_wait3A_1477 = arith.constant 0 : i32
        %dma_wait3A_1478 = tpu.memref_slice %arg9[%dma_wait3A_1476, %dma_wait3A_1477] : memref<32x513xf32, #tpu.memory_space<vmem>> -> memref<8x128xf32, #tpu.memory_space<vmem>>
        %dma_wait3A_1479 = arith.constant 0 : i32
        %dma_wait3A_1480 = arith.constant 0 : i32
        %dma_wait3A_1481 = tpu.memref_slice %arg4[%dma_wait3A_1473, %dma_wait3A_1474, %dma_wait3A_1475, %dma_wait3A_1479, %dma_wait3A_1480] : memref<50x4x128x8x128xf32, #tpu.memory_space<hbm>> -> memref<1x1x1x8x128xf32, #tpu.memory_space<hbm>>
        %dma_wait3A_1482 = tpu.memref_squeeze %dma_wait3A_1481 : memref<1x1x1x8x128xf32, #tpu.memory_space<hbm>> -> memref<8x128xf32, #tpu.memory_space<hbm>>
        %dma_wait3A_1483 = arith.constant 0 : i32
        %dma_wait3A_1484 = arith.constant 0 : i32
        %dma_wait3A_1485 = tpu.memref_slice %arg4[%dma_wait3A_1473, %dma_wait3A_1474, %dma_wait3A_1475, %dma_wait3A_1483, %dma_wait3A_1484] : memref<50x4x128x8x128xf32, #tpu.memory_space<hbm>> -> memref<1x1x1x8x128xf32, #tpu.memory_space<hbm>>
        %dma_wait3A_1486 = tpu.memref_squeeze %dma_wait3A_1485 : memref<1x1x1x8x128xf32, #tpu.memory_space<hbm>> -> memref<8x128xf32, #tpu.memory_space<hbm>>
        %dma_wait3A_1487 = arith.constant 0 : i32
        %dma_wait3A_1488 = arith.constant 0 : i32
        %dma_wait3A_1489 = tpu.memref_slice %arg9[%dma_wait3A_1487, %dma_wait3A_1488] : memref<32x513xf32, #tpu.memory_space<vmem>> -> memref<8x128xf32, #tpu.memory_space<vmem>>
        tpu.wait_dma2 semaphore(%arg11 : memref<!tpu.dma_semaphore, #tpu.memory_space<semaphore_mem>>) src(%dma_wait3A_1489 : memref<8x128xf32, #tpu.memory_space<vmem>>) dst(%dma_wait3A_1486 : memref<8x128xf32, #tpu.memory_space<hbm>>)
      } else {
      }
      %scan3A_908 = arith.constant 0 : i32
      %scan3A_909 = arith.constant 0 : i32
      %scan3A_910 = arith.constant 128 : i32
      %scan3A_911 = arith.addi %scan3A_909, %scan3A_910 : i32
      %scan3A_912 = arith.constant 1 : i32
      scf.for %scan3A_1218 = %scan3A_909 to %scan3A_911 step %scan3A_912  : i32 {
        %mul3A_1219 = arith.constant 4 : i32
        %mul3A_1220 = arith.muli %scan3A_1218, %mul3A_1219 : i32
        %add3A_1221 = arith.constant 0 : i32
        %add3A_1222 = arith.addi %mul3A_1220, %add3A_1221 : i32
        %broadcast_in_dim3A = vector.broadcast %add3A_1222 : i32 to vector<16xi32>
        %get3A = arith.index_cast %add3A_1222 : i32 to index
        %get3A_1223 = arith.constant 0 : index
        %get3A_1224 = tpu.vector_load %arg7[%get3A, %get3A_1223] {strides = array<i32>} : memref<512x32xf32, #tpu.memory_space<vmem>>, vector<16xf32>,
        %get3A_1225 = arith.index_cast %add3A_1222 : i32 to index
        %get3A_1226 = arith.constant 16 : index
        %get3A_1227 = tpu.vector_load %arg7[%get3A_1225, %get3A_1226] {strides = array<i32>} : memref<512x32xf32, #tpu.memory_space<vmem>>, vector<16xf32>,
        tpu.vector_store_idx %arg9[%iota3A, %broadcast_in_dim3A], %get3A_1224 : memref<32x513xf32, #tpu.memory_space<vmem>>[vector<16xi32>, vector<16xi32>], vector<16xf32>,
        tpu.vector_store_idx %arg9[%add3A_3, %broadcast_in_dim3A], %get3A_1227 : memref<32x513xf32, #tpu.memory_space<vmem>>[vector<16xi32>, vector<16xi32>], vector<16xf32>,
        %add3A_1228 = arith.constant 1 : i32
        %add3A_1229 = arith.addi %mul3A_1220, %add3A_1228 : i32
        %broadcast_in_dim3A_1230 = vector.broadcast %add3A_1229 : i32 to vector<16xi32>
        %get3A_1231 = arith.index_cast %add3A_1229 : i32 to index
        %get3A_1232 = arith.constant 0 : index
        %get3A_1233 = tpu.vector_load %arg7[%get3A_1231, %get3A_1232] {strides = array<i32>} : memref<512x32xf32, #tpu.memory_space<vmem>>, vector<16xf32>,
        %get3A_1234 = arith.index_cast %add3A_1229 : i32 to index
        %get3A_1235 = arith.constant 16 : index
        %get3A_1236 = tpu.vector_load %arg7[%get3A_1234, %get3A_1235] {strides = array<i32>} : memref<512x32xf32, #tpu.memory_space<vmem>>, vector<16xf32>,
        tpu.vector_store_idx %arg9[%iota3A, %broadcast_in_dim3A_1230], %get3A_1233 : memref<32x513xf32, #tpu.memory_space<vmem>>[vector<16xi32>, vector<16xi32>], vector<16xf32>,
        tpu.vector_store_idx %arg9[%add3A_3, %broadcast_in_dim3A_1230], %get3A_1236 : memref<32x513xf32, #tpu.memory_space<vmem>>[vector<16xi32>, vector<16xi32>], vector<16xf32>,
        %add3A_1237 = arith.constant 2 : i32
        %add3A_1238 = arith.addi %mul3A_1220, %add3A_1237 : i32
        %broadcast_in_dim3A_1239 = vector.broadcast %add3A_1238 : i32 to vector<16xi32>
        %get3A_1240 = arith.index_cast %add3A_1238 : i32 to index
        %get3A_1241 = arith.constant 0 : index
        %get3A_1242 = tpu.vector_load %arg7[%get3A_1240, %get3A_1241] {strides = array<i32>} : memref<512x32xf32, #tpu.memory_space<vmem>>, vector<16xf32>,
        %get3A_1243 = arith.index_cast %add3A_1238 : i32 to index
        %get3A_1244 = arith.constant 16 : index
        %get3A_1245 = tpu.vector_load %arg7[%get3A_1243, %get3A_1244] {strides = array<i32>} : memref<512x32xf32, #tpu.memory_space<vmem>>, vector<16xf32>,
        tpu.vector_store_idx %arg9[%iota3A, %broadcast_in_dim3A_1239], %get3A_1242 : memref<32x513xf32, #tpu.memory_space<vmem>>[vector<16xi32>, vector<16xi32>], vector<16xf32>,
        tpu.vector_store_idx %arg9[%add3A_3, %broadcast_in_dim3A_1239], %get3A_1245 : memref<32x513xf32, #tpu.memory_space<vmem>>[vector<16xi32>, vector<16xi32>], vector<16xf32>,
        %add3A_1246 = arith.constant 3 : i32
        %add3A_1247 = arith.addi %mul3A_1220, %add3A_1246 : i32
        %broadcast_in_dim3A_1248 = vector.broadcast %add3A_1247 : i32 to vector<16xi32>
        %get3A_1249 = arith.index_cast %add3A_1247 : i32 to index
        %get3A_1250 = arith.constant 0 : index
        %get3A_1251 = tpu.vector_load %arg7[%get3A_1249, %get3A_1250] {strides = array<i32>} : memref<512x32xf32, #tpu.memory_space<vmem>>, vector<16xf32>,
        %get3A_1252 = arith.index_cast %add3A_1247 : i32 to index
        %get3A_1253 = arith.constant 16 : index
        %get3A_1254 = tpu.vector_load %arg7[%get3A_1252, %get3A_1253] {strides = array<i32>} : memref<512x32xf32, #tpu.memory_space<vmem>>, vector<16xf32>,
        tpu.vector_store_idx %arg9[%iota3A, %broadcast_in_dim3A_1248], %get3A_1251 : memref<32x513xf32, #tpu.memory_space<vmem>>[vector<16xi32>, vector<16xi32>], vector<16xf32>,
        tpu.vector_store_idx %arg9[%add3A_3, %broadcast_in_dim3A_1248], %get3A_1254 : memref<32x513xf32, #tpu.memory_space<vmem>>[vector<16xi32>, vector<16xi32>], vector<16xf32>,
      }
      %scan3A_913 = arith.constant 128 : i32
      %mul3A_914 = arith.constant 4 : i32
      %mul3A_915 = arith.muli %add3A, %mul3A_914 : i32
      %add3A_916 = arith.constant 0 : i32
      %add3A_917 = arith.addi %mul3A_915, %add3A_916 : i32
      %dma_start3A_918 = arith.constant 0 : i32
      %dma_start3A_919 = arith.constant 0 : i32
      %dma_start3A_920 = arith.constant 0 : i32
      %dma_start3A_921 = tpu.memref_slice %arg9[%dma_start3A_919, %dma_start3A_920] : memref<32x513xf32, #tpu.memory_space<vmem>> -> memref<8x128xf32, #tpu.memory_space<vmem>>
      %dma_start3A_922 = arith.constant 0 : i32
      %dma_start3A_923 = arith.constant 0 : i32
      %dma_start3A_924 = tpu.memref_slice %arg4[%add3A_892, %dma_start3A_918, %add3A_917, %dma_start3A_922, %dma_start3A_923] : memref<50x4x128x8x128xf32, #tpu.memory_space<hbm>> -> memref<1x1x1x8x128xf32, #tpu.memory_space<hbm>>
      %dma_start3A_925 = tpu.memref_squeeze %dma_start3A_924 : memref<1x1x1x8x128xf32, #tpu.memory_space<hbm>> -> memref<8x128xf32, #tpu.memory_space<hbm>>
      %dma_start3A_926 = arith.constant 0 : i32
      %dma_start3A_927 = arith.constant 0 : i32
      %dma_start3A_928 = tpu.memref_slice %arg4[%add3A_892, %dma_start3A_918, %add3A_917, %dma_start3A_926, %dma_start3A_927] : memref<50x4x128x8x128xf32, #tpu.memory_space<hbm>> -> memref<1x1x1x8x128xf32, #tpu.memory_space<hbm>>
      %dma_start3A_929 = tpu.memref_squeeze %dma_start3A_928 : memref<1x1x1x8x128xf32, #tpu.memory_space<hbm>> -> memref<8x128xf32, #tpu.memory_space<hbm>>
      %dma_start3A_930 = arith.constant 0 : i32
      %dma_start3A_931 = arith.constant 0 : i32
      %dma_start3A_932 = tpu.memref_slice %arg9[%dma_start3A_930, %dma_start3A_931] : memref<32x513xf32, #tpu.memory_space<vmem>> -> memref<8x128xf32, #tpu.memory_space<vmem>>
      tpu.enqueue_dma source(%dma_start3A_932 : memref<8x128xf32, #tpu.memory_space<vmem>>) target(%dma_start3A_929 : memref<8x128xf32, #tpu.memory_space<hbm>>) target_semaphore(%arg11 : memref<!tpu.dma_semaphore, #tpu.memory_space<semaphore_mem>>)
      %mul3A_933 = arith.constant 4 : i32
      %mul3A_934 = arith.muli %add3A, %mul3A_933 : i32
      %add3A_935 = arith.constant 1 : i32
      %add3A_936 = arith.addi %mul3A_934, %add3A_935 : i32
      %dma_start3A_937 = arith.constant 0 : i32
      %dma_start3A_938 = arith.constant 0 : i32
      %dma_start3A_939 = arith.constant 128 : i32
      %dma_start3A_940 = tpu.memref_slice %arg9[%dma_start3A_938, %dma_start3A_939] : memref<32x513xf32, #tpu.memory_space<vmem>> -> memref<8x128xf32, #tpu.memory_space<vmem>>
      %dma_start3A_941 = arith.constant 0 : i32
      %dma_start3A_942 = arith.constant 0 : i32
      %dma_start3A_943 = tpu.memref_slice %arg4[%add3A_892, %dma_start3A_937, %add3A_936, %dma_start3A_941, %dma_start3A_942] : memref<50x4x128x8x128xf32, #tpu.memory_space<hbm>> -> memref<1x1x1x8x128xf32, #tpu.memory_space<hbm>>
      %dma_start3A_944 = tpu.memref_squeeze %dma_start3A_943 : memref<1x1x1x8x128xf32, #tpu.memory_space<hbm>> -> memref<8x128xf32, #tpu.memory_space<hbm>>
      %dma_start3A_945 = arith.constant 0 : i32
      %dma_start3A_946 = arith.constant 0 : i32
      %dma_start3A_947 = tpu.memref_slice %arg4[%add3A_892, %dma_start3A_937, %add3A_936, %dma_start3A_945, %dma_start3A_946] : memref<50x4x128x8x128xf32, #tpu.memory_space<hbm>> -> memref<1x1x1x8x128xf32, #tpu.memory_space<hbm>>
      %dma_start3A_948 = tpu.memref_squeeze %dma_start3A_947 : memref<1x1x1x8x128xf32, #tpu.memory_space<hbm>> -> memref<8x128xf32, #tpu.memory_space<hbm>>
      %dma_start3A_949 = arith.constant 0 : i32
      %dma_start3A_950 = arith.constant 128 : i32
      %dma_start3A_951 = tpu.memref_slice %arg9[%dma_start3A_949, %dma_start3A_950] : memref<32x513xf32, #tpu.memory_space<vmem>> -> memref<8x128xf32, #tpu.memory_space<vmem>>
      tpu.enqueue_dma source(%dma_start3A_951 : memref<8x128xf32, #tpu.memory_space<vmem>>) target(%dma_start3A_948 : memref<8x128xf32, #tpu.memory_space<hbm>>) target_semaphore(%arg11 : memref<!tpu.dma_semaphore, #tpu.memory_space<semaphore_mem>>)
      %mul3A_952 = arith.constant 4 : i32
      %mul3A_953 = arith.muli %add3A, %mul3A_952 : i32
      %add3A_954 = arith.constant 2 : i32
      %add3A_955 = arith.addi %mul3A_953, %add3A_954 : i32
      %dma_start3A_956 = arith.constant 0 : i32
      %dma_start3A_957 = arith.constant 0 : i32
      %dma_start3A_958 = arith.constant 256 : i32
      %dma_start3A_959 = tpu.memref_slice %arg9[%dma_start3A_957, %dma_start3A_958] : memref<32x513xf32, #tpu.memory_space<vmem>> -> memref<8x128xf32, #tpu.memory_space<vmem>>
      %dma_start3A_960 = arith.constant 0 : i32
      %dma_start3A_961 = arith.constant 0 : i32
      %dma_start3A_962 = tpu.memref_slice %arg4[%add3A_892, %dma_start3A_956, %add3A_955, %dma_start3A_960, %dma_start3A_961] : memref<50x4x128x8x128xf32, #tpu.memory_space<hbm>> -> memref<1x1x1x8x128xf32, #tpu.memory_space<hbm>>
      %dma_start3A_963 = tpu.memref_squeeze %dma_start3A_962 : memref<1x1x1x8x128xf32, #tpu.memory_space<hbm>> -> memref<8x128xf32, #tpu.memory_space<hbm>>
      %dma_start3A_964 = arith.constant 0 : i32
      %dma_start3A_965 = arith.constant 0 : i32
      %dma_start3A_966 = tpu.memref_slice %arg4[%add3A_892, %dma_start3A_956, %add3A_955, %dma_start3A_964, %dma_start3A_965] : memref<50x4x128x8x128xf32, #tpu.memory_space<hbm>> -> memref<1x1x1x8x128xf32, #tpu.memory_space<hbm>>
      %dma_start3A_967 = tpu.memref_squeeze %dma_start3A_966 : memref<1x1x1x8x128xf32, #tpu.memory_space<hbm>> -> memref<8x128xf32, #tpu.memory_space<hbm>>
      %dma_start3A_968 = arith.constant 0 : i32
      %dma_start3A_969 = arith.constant 256 : i32
      %dma_start3A_970 = tpu.memref_slice %arg9[%dma_start3A_968, %dma_start3A_969] : memref<32x513xf32, #tpu.memory_space<vmem>> -> memref<8x128xf32, #tpu.memory_space<vmem>>
      tpu.enqueue_dma source(%dma_start3A_970 : memref<8x128xf32, #tpu.memory_space<vmem>>) target(%dma_start3A_967 : memref<8x128xf32, #tpu.memory_space<hbm>>) target_semaphore(%arg11 : memref<!tpu.dma_semaphore, #tpu.memory_space<semaphore_mem>>)
      %mul3A_971 = arith.constant 4 : i32
      %mul3A_972 = arith.muli %add3A, %mul3A_971 : i32
      %add3A_973 = arith.constant 3 : i32
      %add3A_974 = arith.addi %mul3A_972, %add3A_973 : i32
      %dma_start3A_975 = arith.constant 0 : i32
      %dma_start3A_976 = arith.constant 0 : i32
      %dma_start3A_977 = arith.constant 384 : i32
      %dma_start3A_978 = tpu.memref_slice %arg9[%dma_start3A_976, %dma_start3A_977] : memref<32x513xf32, #tpu.memory_space<vmem>> -> memref<8x128xf32, #tpu.memory_space<vmem>>
      %dma_start3A_979 = arith.constant 0 : i32
      %dma_start3A_980 = arith.constant 0 : i32
      %dma_start3A_981 = tpu.memref_slice %arg4[%add3A_892, %dma_start3A_975, %add3A_974, %dma_start3A_979, %dma_start3A_980] : memref<50x4x128x8x128xf32, #tpu.memory_space<hbm>> -> memref<1x1x1x8x128xf32, #tpu.memory_space<hbm>>
      %dma_start3A_982 = tpu.memref_squeeze %dma_start3A_981 : memref<1x1x1x8x128xf32, #tpu.memory_space<hbm>> -> memref<8x128xf32, #tpu.memory_space<hbm>>
      %dma_start3A_983 = arith.constant 0 : i32
      %dma_start3A_984 = arith.constant 0 : i32
      %dma_start3A_985 = tpu.memref_slice %arg4[%add3A_892, %dma_start3A_975, %add3A_974, %dma_start3A_983, %dma_start3A_984] : memref<50x4x128x8x128xf32, #tpu.memory_space<hbm>> -> memref<1x1x1x8x128xf32, #tpu.memory_space<hbm>>
      %dma_start3A_986 = tpu.memref_squeeze %dma_start3A_985 : memref<1x1x1x8x128xf32, #tpu.memory_space<hbm>> -> memref<8x128xf32, #tpu.memory_space<hbm>>
      %dma_start3A_987 = arith.constant 0 : i32
      %dma_start3A_988 = arith.constant 384 : i32
      %dma_start3A_989 = tpu.memref_slice %arg9[%dma_start3A_987, %dma_start3A_988] : memref<32x513xf32, #tpu.memory_space<vmem>> -> memref<8x128xf32, #tpu.memory_space<vmem>>
      tpu.enqueue_dma source(%dma_start3A_989 : memref<8x128xf32, #tpu.memory_space<vmem>>) target(%dma_start3A_986 : memref<8x128xf32, #tpu.memory_space<hbm>>) target_semaphore(%arg11 : memref<!tpu.dma_semaphore, #tpu.memory_space<semaphore_mem>>)
      %mul3A_990 = arith.constant 4 : i32
      %mul3A_991 = arith.muli %add3A, %mul3A_990 : i32
      %add3A_992 = arith.constant 0 : i32
      %add3A_993 = arith.addi %mul3A_991, %add3A_992 : i32
      %dma_start3A_994 = arith.constant 1 : i32
      %dma_start3A_995 = arith.constant 8 : i32
      %dma_start3A_996 = arith.constant 0 : i32
      %dma_start3A_997 = tpu.memref_slice %arg9[%dma_start3A_995, %dma_start3A_996] : memref<32x513xf32, #tpu.memory_space<vmem>> -> memref<8x128xf32, #tpu.memory_space<vmem>>
      %dma_start3A_998 = arith.constant 0 : i32
      %dma_start3A_999 = arith.constant 0 : i32
      %dma_start3A_1000 = tpu.memref_slice %arg4[%add3A_892, %dma_start3A_994, %add3A_993, %dma_start3A_998, %dma_start3A_999] : memref<50x4x128x8x128xf32, #tpu.memory_space<hbm>> -> memref<1x1x1x8x128xf32, #tpu.memory_space<hbm>>
      %dma_start3A_1001 = tpu.memref_squeeze %dma_start3A_1000 : memref<1x1x1x8x128xf32, #tpu.memory_space<hbm>> -> memref<8x128xf32, #tpu.memory_space<hbm>>
      %dma_start3A_1002 = arith.constant 0 : i32
      %dma_start3A_1003 = arith.constant 0 : i32
      %dma_start3A_1004 = tpu.memref_slice %arg4[%add3A_892, %dma_start3A_994, %add3A_993, %dma_start3A_1002, %dma_start3A_1003] : memref<50x4x128x8x128xf32, #tpu.memory_space<hbm>> -> memref<1x1x1x8x128xf32, #tpu.memory_space<hbm>>
      %dma_start3A_1005 = tpu.memref_squeeze %dma_start3A_1004 : memref<1x1x1x8x128xf32, #tpu.memory_space<hbm>> -> memref<8x128xf32, #tpu.memory_space<hbm>>
      %dma_start3A_1006 = arith.constant 8 : i32
      %dma_start3A_1007 = arith.constant 0 : i32
      %dma_start3A_1008 = tpu.memref_slice %arg9[%dma_start3A_1006, %dma_start3A_1007] : memref<32x513xf32, #tpu.memory_space<vmem>> -> memref<8x128xf32, #tpu.memory_space<vmem>>
      tpu.enqueue_dma source(%dma_start3A_1008 : memref<8x128xf32, #tpu.memory_space<vmem>>) target(%dma_start3A_1005 : memref<8x128xf32, #tpu.memory_space<hbm>>) target_semaphore(%arg11 : memref<!tpu.dma_semaphore, #tpu.memory_space<semaphore_mem>>)
      %mul3A_1009 = arith.constant 4 : i32
      %mul3A_1010 = arith.muli %add3A, %mul3A_1009 : i32
      %add3A_1011 = arith.constant 1 : i32
      %add3A_1012 = arith.addi %mul3A_1010, %add3A_1011 : i32
      %dma_start3A_1013 = arith.constant 1 : i32
      %dma_start3A_1014 = arith.constant 8 : i32
      %dma_start3A_1015 = arith.constant 128 : i32
      %dma_start3A_1016 = tpu.memref_slice %arg9[%dma_start3A_1014, %dma_start3A_1015] : memref<32x513xf32, #tpu.memory_space<vmem>> -> memref<8x128xf32, #tpu.memory_space<vmem>>
      %dma_start3A_1017 = arith.constant 0 : i32
      %dma_start3A_1018 = arith.constant 0 : i32
      %dma_start3A_1019 = tpu.memref_slice %arg4[%add3A_892, %dma_start3A_1013, %add3A_1012, %dma_start3A_1017, %dma_start3A_1018] : memref<50x4x128x8x128xf32, #tpu.memory_space<hbm>> -> memref<1x1x1x8x128xf32, #tpu.memory_space<hbm>>
      %dma_start3A_1020 = tpu.memref_squeeze %dma_start3A_1019 : memref<1x1x1x8x128xf32, #tpu.memory_space<hbm>> -> memref<8x128xf32, #tpu.memory_space<hbm>>
      %dma_start3A_1021 = arith.constant 0 : i32
      %dma_start3A_1022 = arith.constant 0 : i32
      %dma_start3A_1023 = tpu.memref_slice %arg4[%add3A_892, %dma_start3A_1013, %add3A_1012, %dma_start3A_1021, %dma_start3A_1022] : memref<50x4x128x8x128xf32, #tpu.memory_space<hbm>> -> memref<1x1x1x8x128xf32, #tpu.memory_space<hbm>>
      %dma_start3A_1024 = tpu.memref_squeeze %dma_start3A_1023 : memref<1x1x1x8x128xf32, #tpu.memory_space<hbm>> -> memref<8x128xf32, #tpu.memory_space<hbm>>
      %dma_start3A_1025 = arith.constant 8 : i32
      %dma_start3A_1026 = arith.constant 128 : i32
      %dma_start3A_1027 = tpu.memref_slice %arg9[%dma_start3A_1025, %dma_start3A_1026] : memref<32x513xf32, #tpu.memory_space<vmem>> -> memref<8x128xf32, #tpu.memory_space<vmem>>
      tpu.enqueue_dma source(%dma_start3A_1027 : memref<8x128xf32, #tpu.memory_space<vmem>>) target(%dma_start3A_1024 : memref<8x128xf32, #tpu.memory_space<hbm>>) target_semaphore(%arg11 : memref<!tpu.dma_semaphore, #tpu.memory_space<semaphore_mem>>)
      %mul3A_1028 = arith.constant 4 : i32
      %mul3A_1029 = arith.muli %add3A, %mul3A_1028 : i32
      %add3A_1030 = arith.constant 2 : i32
      %add3A_1031 = arith.addi %mul3A_1029, %add3A_1030 : i32
      %dma_start3A_1032 = arith.constant 1 : i32
      %dma_start3A_1033 = arith.constant 8 : i32
      %dma_start3A_1034 = arith.constant 256 : i32
      %dma_start3A_1035 = tpu.memref_slice %arg9[%dma_start3A_1033, %dma_start3A_1034] : memref<32x513xf32, #tpu.memory_space<vmem>> -> memref<8x128xf32, #tpu.memory_space<vmem>>
      %dma_start3A_1036 = arith.constant 0 : i32
      %dma_start3A_1037 = arith.constant 0 : i32
      %dma_start3A_1038 = tpu.memref_slice %arg4[%add3A_892, %dma_start3A_1032, %add3A_1031, %dma_start3A_1036, %dma_start3A_1037] : memref<50x4x128x8x128xf32, #tpu.memory_space<hbm>> -> memref<1x1x1x8x128xf32, #tpu.memory_space<hbm>>
      %dma_start3A_1039 = tpu.memref_squeeze %dma_start3A_1038 : memref<1x1x1x8x128xf32, #tpu.memory_space<hbm>> -> memref<8x128xf32, #tpu.memory_space<hbm>>
      %dma_start3A_1040 = arith.constant 0 : i32
      %dma_start3A_1041 = arith.constant 0 : i32
      %dma_start3A_1042 = tpu.memref_slice %arg4[%add3A_892, %dma_start3A_1032, %add3A_1031, %dma_start3A_1040, %dma_start3A_1041] : memref<50x4x128x8x128xf32, #tpu.memory_space<hbm>> -> memref<1x1x1x8x128xf32, #tpu.memory_space<hbm>>
      %dma_start3A_1043 = tpu.memref_squeeze %dma_start3A_1042 : memref<1x1x1x8x128xf32, #tpu.memory_space<hbm>> -> memref<8x128xf32, #tpu.memory_space<hbm>>
      %dma_start3A_1044 = arith.constant 8 : i32
      %dma_start3A_1045 = arith.constant 256 : i32
      %dma_start3A_1046 = tpu.memref_slice %arg9[%dma_start3A_1044, %dma_start3A_1045] : memref<32x513xf32, #tpu.memory_space<vmem>> -> memref<8x128xf32, #tpu.memory_space<vmem>>
      tpu.enqueue_dma source(%dma_start3A_1046 : memref<8x128xf32, #tpu.memory_space<vmem>>) target(%dma_start3A_1043 : memref<8x128xf32, #tpu.memory_space<hbm>>) target_semaphore(%arg11 : memref<!tpu.dma_semaphore, #tpu.memory_space<semaphore_mem>>)
      %mul3A_1047 = arith.constant 4 : i32
      %mul3A_1048 = arith.muli %add3A, %mul3A_1047 : i32
      %add3A_1049 = arith.constant 3 : i32
      %add3A_1050 = arith.addi %mul3A_1048, %add3A_1049 : i32
      %dma_start3A_1051 = arith.constant 1 : i32
      %dma_start3A_1052 = arith.constant 8 : i32
      %dma_start3A_1053 = arith.constant 384 : i32
      %dma_start3A_1054 = tpu.memref_slice %arg9[%dma_start3A_1052, %dma_start3A_1053] : memref<32x513xf32, #tpu.memory_space<vmem>> -> memref<8x128xf32, #tpu.memory_space<vmem>>
      %dma_start3A_1055 = arith.constant 0 : i32
      %dma_start3A_1056 = arith.constant 0 : i32
      %dma_start3A_1057 = tpu.memref_slice %arg4[%add3A_892, %dma_start3A_1051, %add3A_1050, %dma_start3A_1055, %dma_start3A_1056] : memref<50x4x128x8x128xf32, #tpu.memory_space<hbm>> -> memref<1x1x1x8x128xf32, #tpu.memory_space<hbm>>
      %dma_start3A_1058 = tpu.memref_squeeze %dma_start3A_1057 : memref<1x1x1x8x128xf32, #tpu.memory_space<hbm>> -> memref<8x128xf32, #tpu.memory_space<hbm>>
      %dma_start3A_1059 = arith.constant 0 : i32
      %dma_start3A_1060 = arith.constant 0 : i32
      %dma_start3A_1061 = tpu.memref_slice %arg4[%add3A_892, %dma_start3A_1051, %add3A_1050, %dma_start3A_1059, %dma_start3A_1060] : memref<50x4x128x8x128xf32, #tpu.memory_space<hbm>> -> memref<1x1x1x8x128xf32, #tpu.memory_space<hbm>>
      %dma_start3A_1062 = tpu.memref_squeeze %dma_start3A_1061 : memref<1x1x1x8x128xf32, #tpu.memory_space<hbm>> -> memref<8x128xf32, #tpu.memory_space<hbm>>
      %dma_start3A_1063 = arith.constant 8 : i32
      %dma_start3A_1064 = arith.constant 384 : i32
      %dma_start3A_1065 = tpu.memref_slice %arg9[%dma_start3A_1063, %dma_start3A_1064] : memref<32x513xf32, #tpu.memory_space<vmem>> -> memref<8x128xf32, #tpu.memory_space<vmem>>
      tpu.enqueue_dma source(%dma_start3A_1065 : memref<8x128xf32, #tpu.memory_space<vmem>>) target(%dma_start3A_1062 : memref<8x128xf32, #tpu.memory_space<hbm>>) target_semaphore(%arg11 : memref<!tpu.dma_semaphore, #tpu.memory_space<semaphore_mem>>)
      %mul3A_1066 = arith.constant 4 : i32
      %mul3A_1067 = arith.muli %add3A, %mul3A_1066 : i32
      %add3A_1068 = arith.constant 0 : i32
      %add3A_1069 = arith.addi %mul3A_1067, %add3A_1068 : i32
      %dma_start3A_1070 = arith.constant 2 : i32
      %dma_start3A_1071 = arith.constant 16 : i32
      %dma_start3A_1072 = arith.constant 0 : i32
      %dma_start3A_1073 = tpu.memref_slice %arg9[%dma_start3A_1071, %dma_start3A_1072] : memref<32x513xf32, #tpu.memory_space<vmem>> -> memref<8x128xf32, #tpu.memory_space<vmem>>
      %dma_start3A_1074 = arith.constant 0 : i32
      %dma_start3A_1075 = arith.constant 0 : i32
      %dma_start3A_1076 = tpu.memref_slice %arg4[%add3A_892, %dma_start3A_1070, %add3A_1069, %dma_start3A_1074, %dma_start3A_1075] : memref<50x4x128x8x128xf32, #tpu.memory_space<hbm>> -> memref<1x1x1x8x128xf32, #tpu.memory_space<hbm>>
      %dma_start3A_1077 = tpu.memref_squeeze %dma_start3A_1076 : memref<1x1x1x8x128xf32, #tpu.memory_space<hbm>> -> memref<8x128xf32, #tpu.memory_space<hbm>>
      %dma_start3A_1078 = arith.constant 0 : i32
      %dma_start3A_1079 = arith.constant 0 : i32
      %dma_start3A_1080 = tpu.memref_slice %arg4[%add3A_892, %dma_start3A_1070, %add3A_1069, %dma_start3A_1078, %dma_start3A_1079] : memref<50x4x128x8x128xf32, #tpu.memory_space<hbm>> -> memref<1x1x1x8x128xf32, #tpu.memory_space<hbm>>
      %dma_start3A_1081 = tpu.memref_squeeze %dma_start3A_1080 : memref<1x1x1x8x128xf32, #tpu.memory_space<hbm>> -> memref<8x128xf32, #tpu.memory_space<hbm>>
      %dma_start3A_1082 = arith.constant 16 : i32
      %dma_start3A_1083 = arith.constant 0 : i32
      %dma_start3A_1084 = tpu.memref_slice %arg9[%dma_start3A_1082, %dma_start3A_1083] : memref<32x513xf32, #tpu.memory_space<vmem>> -> memref<8x128xf32, #tpu.memory_space<vmem>>
      tpu.enqueue_dma source(%dma_start3A_1084 : memref<8x128xf32, #tpu.memory_space<vmem>>) target(%dma_start3A_1081 : memref<8x128xf32, #tpu.memory_space<hbm>>) target_semaphore(%arg11 : memref<!tpu.dma_semaphore, #tpu.memory_space<semaphore_mem>>)
      %mul3A_1085 = arith.constant 4 : i32
      %mul3A_1086 = arith.muli %add3A, %mul3A_1085 : i32
      %add3A_1087 = arith.constant 1 : i32
      %add3A_1088 = arith.addi %mul3A_1086, %add3A_1087 : i32
      %dma_start3A_1089 = arith.constant 2 : i32
      %dma_start3A_1090 = arith.constant 16 : i32
      %dma_start3A_1091 = arith.constant 128 : i32
      %dma_start3A_1092 = tpu.memref_slice %arg9[%dma_start3A_1090, %dma_start3A_1091] : memref<32x513xf32, #tpu.memory_space<vmem>> -> memref<8x128xf32, #tpu.memory_space<vmem>>
      %dma_start3A_1093 = arith.constant 0 : i32
      %dma_start3A_1094 = arith.constant 0 : i32
      %dma_start3A_1095 = tpu.memref_slice %arg4[%add3A_892, %dma_start3A_1089, %add3A_1088, %dma_start3A_1093, %dma_start3A_1094] : memref<50x4x128x8x128xf32, #tpu.memory_space<hbm>> -> memref<1x1x1x8x128xf32, #tpu.memory_space<hbm>>
      %dma_start3A_1096 = tpu.memref_squeeze %dma_start3A_1095 : memref<1x1x1x8x128xf32, #tpu.memory_space<hbm>> -> memref<8x128xf32, #tpu.memory_space<hbm>>
      %dma_start3A_1097 = arith.constant 0 : i32
      %dma_start3A_1098 = arith.constant 0 : i32
      %dma_start3A_1099 = tpu.memref_slice %arg4[%add3A_892, %dma_start3A_1089, %add3A_1088, %dma_start3A_1097, %dma_start3A_1098] : memref<50x4x128x8x128xf32, #tpu.memory_space<hbm>> -> memref<1x1x1x8x128xf32, #tpu.memory_space<hbm>>
      %dma_start3A_1100 = tpu.memref_squeeze %dma_start3A_1099 : memref<1x1x1x8x128xf32, #tpu.memory_space<hbm>> -> memref<8x128xf32, #tpu.memory_space<hbm>>
      %dma_start3A_1101 = arith.constant 16 : i32
      %dma_start3A_1102 = arith.constant 128 : i32
      %dma_start3A_1103 = tpu.memref_slice %arg9[%dma_start3A_1101, %dma_start3A_1102] : memref<32x513xf32, #tpu.memory_space<vmem>> -> memref<8x128xf32, #tpu.memory_space<vmem>>
      tpu.enqueue_dma source(%dma_start3A_1103 : memref<8x128xf32, #tpu.memory_space<vmem>>) target(%dma_start3A_1100 : memref<8x128xf32, #tpu.memory_space<hbm>>) target_semaphore(%arg11 : memref<!tpu.dma_semaphore, #tpu.memory_space<semaphore_mem>>)
      %mul3A_1104 = arith.constant 4 : i32
      %mul3A_1105 = arith.muli %add3A, %mul3A_1104 : i32
      %add3A_1106 = arith.constant 2 : i32
      %add3A_1107 = arith.addi %mul3A_1105, %add3A_1106 : i32
      %dma_start3A_1108 = arith.constant 2 : i32
      %dma_start3A_1109 = arith.constant 16 : i32
      %dma_start3A_1110 = arith.constant 256 : i32
      %dma_start3A_1111 = tpu.memref_slice %arg9[%dma_start3A_1109, %dma_start3A_1110] : memref<32x513xf32, #tpu.memory_space<vmem>> -> memref<8x128xf32, #tpu.memory_space<vmem>>
      %dma_start3A_1112 = arith.constant 0 : i32
      %dma_start3A_1113 = arith.constant 0 : i32
      %dma_start3A_1114 = tpu.memref_slice %arg4[%add3A_892, %dma_start3A_1108, %add3A_1107, %dma_start3A_1112, %dma_start3A_1113] : memref<50x4x128x8x128xf32, #tpu.memory_space<hbm>> -> memref<1x1x1x8x128xf32, #tpu.memory_space<hbm>>
      %dma_start3A_1115 = tpu.memref_squeeze %dma_start3A_1114 : memref<1x1x1x8x128xf32, #tpu.memory_space<hbm>> -> memref<8x128xf32, #tpu.memory_space<hbm>>
      %dma_start3A_1116 = arith.constant 0 : i32
      %dma_start3A_1117 = arith.constant 0 : i32
      %dma_start3A_1118 = tpu.memref_slice %arg4[%add3A_892, %dma_start3A_1108, %add3A_1107, %dma_start3A_1116, %dma_start3A_1117] : memref<50x4x128x8x128xf32, #tpu.memory_space<hbm>> -> memref<1x1x1x8x128xf32, #tpu.memory_space<hbm>>
      %dma_start3A_1119 = tpu.memref_squeeze %dma_start3A_1118 : memref<1x1x1x8x128xf32, #tpu.memory_space<hbm>> -> memref<8x128xf32, #tpu.memory_space<hbm>>
      %dma_start3A_1120 = arith.constant 16 : i32
      %dma_start3A_1121 = arith.constant 256 : i32
      %dma_start3A_1122 = tpu.memref_slice %arg9[%dma_start3A_1120, %dma_start3A_1121] : memref<32x513xf32, #tpu.memory_space<vmem>> -> memref<8x128xf32, #tpu.memory_space<vmem>>
      tpu.enqueue_dma source(%dma_start3A_1122 : memref<8x128xf32, #tpu.memory_space<vmem>>) target(%dma_start3A_1119 : memref<8x128xf32, #tpu.memory_space<hbm>>) target_semaphore(%arg11 : memref<!tpu.dma_semaphore, #tpu.memory_space<semaphore_mem>>)
      %mul3A_1123 = arith.constant 4 : i32
      %mul3A_1124 = arith.muli %add3A, %mul3A_1123 : i32
      %add3A_1125 = arith.constant 3 : i32
      %add3A_1126 = arith.addi %mul3A_1124, %add3A_1125 : i32
      %dma_start3A_1127 = arith.constant 2 : i32
      %dma_start3A_1128 = arith.constant 16 : i32
      %dma_start3A_1129 = arith.constant 384 : i32
      %dma_start3A_1130 = tpu.memref_slice %arg9[%dma_start3A_1128, %dma_start3A_1129] : memref<32x513xf32, #tpu.memory_space<vmem>> -> memref<8x128xf32, #tpu.memory_space<vmem>>
      %dma_start3A_1131 = arith.constant 0 : i32
      %dma_start3A_1132 = arith.constant 0 : i32
      %dma_start3A_1133 = tpu.memref_slice %arg4[%add3A_892, %dma_start3A_1127, %add3A_1126, %dma_start3A_1131, %dma_start3A_1132] : memref<50x4x128x8x128xf32, #tpu.memory_space<hbm>> -> memref<1x1x1x8x128xf32, #tpu.memory_space<hbm>>
      %dma_start3A_1134 = tpu.memref_squeeze %dma_start3A_1133 : memref<1x1x1x8x128xf32, #tpu.memory_space<hbm>> -> memref<8x128xf32, #tpu.memory_space<hbm>>
      %dma_start3A_1135 = arith.constant 0 : i32
      %dma_start3A_1136 = arith.constant 0 : i32
      %dma_start3A_1137 = tpu.memref_slice %arg4[%add3A_892, %dma_start3A_1127, %add3A_1126, %dma_start3A_1135, %dma_start3A_1136] : memref<50x4x128x8x128xf32, #tpu.memory_space<hbm>> -> memref<1x1x1x8x128xf32, #tpu.memory_space<hbm>>
      %dma_start3A_1138 = tpu.memref_squeeze %dma_start3A_1137 : memref<1x1x1x8x128xf32, #tpu.memory_space<hbm>> -> memref<8x128xf32, #tpu.memory_space<hbm>>
      %dma_start3A_1139 = arith.constant 16 : i32
      %dma_start3A_1140 = arith.constant 384 : i32
      %dma_start3A_1141 = tpu.memref_slice %arg9[%dma_start3A_1139, %dma_start3A_1140] : memref<32x513xf32, #tpu.memory_space<vmem>> -> memref<8x128xf32, #tpu.memory_space<vmem>>
      tpu.enqueue_dma source(%dma_start3A_1141 : memref<8x128xf32, #tpu.memory_space<vmem>>) target(%dma_start3A_1138 : memref<8x128xf32, #tpu.memory_space<hbm>>) target_semaphore(%arg11 : memref<!tpu.dma_semaphore, #tpu.memory_space<semaphore_mem>>)
      %mul3A_1142 = arith.constant 4 : i32
      %mul3A_1143 = arith.muli %add3A, %mul3A_1142 : i32
      %add3A_1144 = arith.constant 0 : i32
      %add3A_1145 = arith.addi %mul3A_1143, %add3A_1144 : i32
      %dma_start3A_1146 = arith.constant 3 : i32
      %dma_start3A_1147 = arith.constant 24 : i32
      %dma_start3A_1148 = arith.constant 0 : i32
      %dma_start3A_1149 = tpu.memref_slice %arg9[%dma_start3A_1147, %dma_start3A_1148] : memref<32x513xf32, #tpu.memory_space<vmem>> -> memref<8x128xf32, #tpu.memory_space<vmem>>
      %dma_start3A_1150 = arith.constant 0 : i32
      %dma_start3A_1151 = arith.constant 0 : i32
      %dma_start3A_1152 = tpu.memref_slice %arg4[%add3A_892, %dma_start3A_1146, %add3A_1145, %dma_start3A_1150, %dma_start3A_1151] : memref<50x4x128x8x128xf32, #tpu.memory_space<hbm>> -> memref<1x1x1x8x128xf32, #tpu.memory_space<hbm>>
      %dma_start3A_1153 = tpu.memref_squeeze %dma_start3A_1152 : memref<1x1x1x8x128xf32, #tpu.memory_space<hbm>> -> memref<8x128xf32, #tpu.memory_space<hbm>>
      %dma_start3A_1154 = arith.constant 0 : i32
      %dma_start3A_1155 = arith.constant 0 : i32
      %dma_start3A_1156 = tpu.memref_slice %arg4[%add3A_892, %dma_start3A_1146, %add3A_1145, %dma_start3A_1154, %dma_start3A_1155] : memref<50x4x128x8x128xf32, #tpu.memory_space<hbm>> -> memref<1x1x1x8x128xf32, #tpu.memory_space<hbm>>
      %dma_start3A_1157 = tpu.memref_squeeze %dma_start3A_1156 : memref<1x1x1x8x128xf32, #tpu.memory_space<hbm>> -> memref<8x128xf32, #tpu.memory_space<hbm>>
      %dma_start3A_1158 = arith.constant 24 : i32
      %dma_start3A_1159 = arith.constant 0 : i32
      %dma_start3A_1160 = tpu.memref_slice %arg9[%dma_start3A_1158, %dma_start3A_1159] : memref<32x513xf32, #tpu.memory_space<vmem>> -> memref<8x128xf32, #tpu.memory_space<vmem>>
      tpu.enqueue_dma source(%dma_start3A_1160 : memref<8x128xf32, #tpu.memory_space<vmem>>) target(%dma_start3A_1157 : memref<8x128xf32, #tpu.memory_space<hbm>>) target_semaphore(%arg11 : memref<!tpu.dma_semaphore, #tpu.memory_space<semaphore_mem>>)
      %mul3A_1161 = arith.constant 4 : i32
      %mul3A_1162 = arith.muli %add3A, %mul3A_1161 : i32
      %add3A_1163 = arith.constant 1 : i32
      %add3A_1164 = arith.addi %mul3A_1162, %add3A_1163 : i32
      %dma_start3A_1165 = arith.constant 3 : i32
      %dma_start3A_1166 = arith.constant 24 : i32
      %dma_start3A_1167 = arith.constant 128 : i32
      %dma_start3A_1168 = tpu.memref_slice %arg9[%dma_start3A_1166, %dma_start3A_1167] : memref<32x513xf32, #tpu.memory_space<vmem>> -> memref<8x128xf32, #tpu.memory_space<vmem>>
      %dma_start3A_1169 = arith.constant 0 : i32
      %dma_start3A_1170 = arith.constant 0 : i32
      %dma_start3A_1171 = tpu.memref_slice %arg4[%add3A_892, %dma_start3A_1165, %add3A_1164, %dma_start3A_1169, %dma_start3A_1170] : memref<50x4x128x8x128xf32, #tpu.memory_space<hbm>> -> memref<1x1x1x8x128xf32, #tpu.memory_space<hbm>>
      %dma_start3A_1172 = tpu.memref_squeeze %dma_start3A_1171 : memref<1x1x1x8x128xf32, #tpu.memory_space<hbm>> -> memref<8x128xf32, #tpu.memory_space<hbm>>
      %dma_start3A_1173 = arith.constant 0 : i32
      %dma_start3A_1174 = arith.constant 0 : i32
      %dma_start3A_1175 = tpu.memref_slice %arg4[%add3A_892, %dma_start3A_1165, %add3A_1164, %dma_start3A_1173, %dma_start3A_1174] : memref<50x4x128x8x128xf32, #tpu.memory_space<hbm>> -> memref<1x1x1x8x128xf32, #tpu.memory_space<hbm>>
      %dma_start3A_1176 = tpu.memref_squeeze %dma_start3A_1175 : memref<1x1x1x8x128xf32, #tpu.memory_space<hbm>> -> memref<8x128xf32, #tpu.memory_space<hbm>>
      %dma_start3A_1177 = arith.constant 24 : i32
      %dma_start3A_1178 = arith.constant 128 : i32
      %dma_start3A_1179 = tpu.memref_slice %arg9[%dma_start3A_1177, %dma_start3A_1178] : memref<32x513xf32, #tpu.memory_space<vmem>> -> memref<8x128xf32, #tpu.memory_space<vmem>>
      tpu.enqueue_dma source(%dma_start3A_1179 : memref<8x128xf32, #tpu.memory_space<vmem>>) target(%dma_start3A_1176 : memref<8x128xf32, #tpu.memory_space<hbm>>) target_semaphore(%arg11 : memref<!tpu.dma_semaphore, #tpu.memory_space<semaphore_mem>>)
      %mul3A_1180 = arith.constant 4 : i32
      %mul3A_1181 = arith.muli %add3A, %mul3A_1180 : i32
      %add3A_1182 = arith.constant 2 : i32
      %add3A_1183 = arith.addi %mul3A_1181, %add3A_1182 : i32
      %dma_start3A_1184 = arith.constant 3 : i32
      %dma_start3A_1185 = arith.constant 24 : i32
      %dma_start3A_1186 = arith.constant 256 : i32
      %dma_start3A_1187 = tpu.memref_slice %arg9[%dma_start3A_1185, %dma_start3A_1186] : memref<32x513xf32, #tpu.memory_space<vmem>> -> memref<8x128xf32, #tpu.memory_space<vmem>>
      %dma_start3A_1188 = arith.constant 0 : i32
      %dma_start3A_1189 = arith.constant 0 : i32
      %dma_start3A_1190 = tpu.memref_slice %arg4[%add3A_892, %dma_start3A_1184, %add3A_1183, %dma_start3A_1188, %dma_start3A_1189] : memref<50x4x128x8x128xf32, #tpu.memory_space<hbm>> -> memref<1x1x1x8x128xf32, #tpu.memory_space<hbm>>
      %dma_start3A_1191 = tpu.memref_squeeze %dma_start3A_1190 : memref<1x1x1x8x128xf32, #tpu.memory_space<hbm>> -> memref<8x128xf32, #tpu.memory_space<hbm>>
      %dma_start3A_1192 = arith.constant 0 : i32
      %dma_start3A_1193 = arith.constant 0 : i32
      %dma_start3A_1194 = tpu.memref_slice %arg4[%add3A_892, %dma_start3A_1184, %add3A_1183, %dma_start3A_1192, %dma_start3A_1193] : memref<50x4x128x8x128xf32, #tpu.memory_space<hbm>> -> memref<1x1x1x8x128xf32, #tpu.memory_space<hbm>>
      %dma_start3A_1195 = tpu.memref_squeeze %dma_start3A_1194 : memref<1x1x1x8x128xf32, #tpu.memory_space<hbm>> -> memref<8x128xf32, #tpu.memory_space<hbm>>
      %dma_start3A_1196 = arith.constant 24 : i32
      %dma_start3A_1197 = arith.constant 256 : i32
      %dma_start3A_1198 = tpu.memref_slice %arg9[%dma_start3A_1196, %dma_start3A_1197] : memref<32x513xf32, #tpu.memory_space<vmem>> -> memref<8x128xf32, #tpu.memory_space<vmem>>
      tpu.enqueue_dma source(%dma_start3A_1198 : memref<8x128xf32, #tpu.memory_space<vmem>>) target(%dma_start3A_1195 : memref<8x128xf32, #tpu.memory_space<hbm>>) target_semaphore(%arg11 : memref<!tpu.dma_semaphore, #tpu.memory_space<semaphore_mem>>)
      %mul3A_1199 = arith.constant 4 : i32
      %mul3A_1200 = arith.muli %add3A, %mul3A_1199 : i32
      %add3A_1201 = arith.constant 3 : i32
      %add3A_1202 = arith.addi %mul3A_1200, %add3A_1201 : i32
      %dma_start3A_1203 = arith.constant 3 : i32
      %dma_start3A_1204 = arith.constant 24 : i32
      %dma_start3A_1205 = arith.constant 384 : i32
      %dma_start3A_1206 = tpu.memref_slice %arg9[%dma_start3A_1204, %dma_start3A_1205] : memref<32x513xf32, #tpu.memory_space<vmem>> -> memref<8x128xf32, #tpu.memory_space<vmem>>
      %dma_start3A_1207 = arith.constant 0 : i32
      %dma_start3A_1208 = arith.constant 0 : i32
      %dma_start3A_1209 = tpu.memref_slice %arg4[%add3A_892, %dma_start3A_1203, %add3A_1202, %dma_start3A_1207, %dma_start3A_1208] : memref<50x4x128x8x128xf32, #tpu.memory_space<hbm>> -> memref<1x1x1x8x128xf32, #tpu.memory_space<hbm>>
      %dma_start3A_1210 = tpu.memref_squeeze %dma_start3A_1209 : memref<1x1x1x8x128xf32, #tpu.memory_space<hbm>> -> memref<8x128xf32, #tpu.memory_space<hbm>>
      %dma_start3A_1211 = arith.constant 0 : i32
      %dma_start3A_1212 = arith.constant 0 : i32
      %dma_start3A_1213 = tpu.memref_slice %arg4[%add3A_892, %dma_start3A_1203, %add3A_1202, %dma_start3A_1211, %dma_start3A_1212] : memref<50x4x128x8x128xf32, #tpu.memory_space<hbm>> -> memref<1x1x1x8x128xf32, #tpu.memory_space<hbm>>
      %dma_start3A_1214 = tpu.memref_squeeze %dma_start3A_1213 : memref<1x1x1x8x128xf32, #tpu.memory_space<hbm>> -> memref<8x128xf32, #tpu.memory_space<hbm>>
      %dma_start3A_1215 = arith.constant 24 : i32
      %dma_start3A_1216 = arith.constant 384 : i32
      %dma_start3A_1217 = tpu.memref_slice %arg9[%dma_start3A_1215, %dma_start3A_1216] : memref<32x513xf32, #tpu.memory_space<vmem>> -> memref<8x128xf32, #tpu.memory_space<vmem>>
      tpu.enqueue_dma source(%dma_start3A_1217 : memref<8x128xf32, #tpu.memory_space<vmem>>) target(%dma_start3A_1214 : memref<8x128xf32, #tpu.memory_space<hbm>>) target_semaphore(%arg11 : memref<!tpu.dma_semaphore, #tpu.memory_space<semaphore_mem>>)
    }
    %scan3A_14 = arith.constant 25 : i32
    %dma_wait3A = arith.constant 0 : i32
    %dma_wait3A_15 = arith.constant 0 : i32
    %dma_wait3A_16 = arith.constant 0 : i32
    %dma_wait3A_17 = arith.constant 0 : i32
    %dma_wait3A_18 = arith.constant 0 : i32
    %dma_wait3A_19 = tpu.memref_slice %arg8[%dma_wait3A_17, %dma_wait3A_18] : memref<32x513xf32, #tpu.memory_space<vmem>> -> memref<8x128xf32, #tpu.memory_space<vmem>>
    %dma_wait3A_20 = arith.constant 0 : i32
    %dma_wait3A_21 = arith.constant 0 : i32
    %dma_wait3A_22 = tpu.memref_slice %arg4[%dma_wait3A, %dma_wait3A_15, %dma_wait3A_16, %dma_wait3A_20, %dma_wait3A_21] : memref<50x4x128x8x128xf32, #tpu.memory_space<hbm>> -> memref<1x1x1x8x128xf32, #tpu.memory_space<hbm>>
    %dma_wait3A_23 = tpu.memref_squeeze %dma_wait3A_22 : memref<1x1x1x8x128xf32, #tpu.memory_space<hbm>> -> memref<8x128xf32, #tpu.memory_space<hbm>>
    %dma_wait3A_24 = arith.constant 0 : i32
    %dma_wait3A_25 = arith.constant 0 : i32
    %dma_wait3A_26 = tpu.memref_slice %arg4[%dma_wait3A, %dma_wait3A_15, %dma_wait3A_16, %dma_wait3A_24, %dma_wait3A_25] : memref<50x4x128x8x128xf32, #tpu.memory_space<hbm>> -> memref<1x1x1x8x128xf32, #tpu.memory_space<hbm>>
    %dma_wait3A_27 = tpu.memref_squeeze %dma_wait3A_26 : memref<1x1x1x8x128xf32, #tpu.memory_space<hbm>> -> memref<8x128xf32, #tpu.memory_space<hbm>>
    %dma_wait3A_28 = arith.constant 0 : i32
    %dma_wait3A_29 = arith.constant 0 : i32
    %dma_wait3A_30 = tpu.memref_slice %arg8[%dma_wait3A_28, %dma_wait3A_29] : memref<32x513xf32, #tpu.memory_space<vmem>> -> memref<8x128xf32, #tpu.memory_space<vmem>>
    tpu.wait_dma2 semaphore(%arg11 : memref<!tpu.dma_semaphore, #tpu.memory_space<semaphore_mem>>) src(%dma_wait3A_30 : memref<8x128xf32, #tpu.memory_space<vmem>>) dst(%dma_wait3A_27 : memref<8x128xf32, #tpu.memory_space<hbm>>)
    %dma_wait3A_31 = arith.constant 0 : i32
    %dma_wait3A_32 = arith.constant 0 : i32
    %dma_wait3A_33 = arith.constant 0 : i32
    %dma_wait3A_34 = arith.constant 0 : i32
    %dma_wait3A_35 = arith.constant 0 : i32
    %dma_wait3A_36 = tpu.memref_slice %arg8[%dma_wait3A_34, %dma_wait3A_35] : memref<32x513xf32, #tpu.memory_space<vmem>> -> memref<8x128xf32, #tpu.memory_space<vmem>>
    %dma_wait3A_37 = arith.constant 0 : i32
    %dma_wait3A_38 = arith.constant 0 : i32
    %dma_wait3A_39 = tpu.memref_slice %arg4[%dma_wait3A_31, %dma_wait3A_32, %dma_wait3A_33, %dma_wait3A_37, %dma_wait3A_38] : memref<50x4x128x8x128xf32, #tpu.memory_space<hbm>> -> memref<1x1x1x8x128xf32, #tpu.memory_space<hbm>>
    %dma_wait3A_40 = tpu.memref_squeeze %dma_wait3A_39 : memref<1x1x1x8x128xf32, #tpu.memory_space<hbm>> -> memref<8x128xf32, #tpu.memory_space<hbm>>
    %dma_wait3A_41 = arith.constant 0 : i32
    %dma_wait3A_42 = arith.constant 0 : i32
    %dma_wait3A_43 = tpu.memref_slice %arg4[%dma_wait3A_31, %dma_wait3A_32, %dma_wait3A_33, %dma_wait3A_41, %dma_wait3A_42] : memref<50x4x128x8x128xf32, #tpu.memory_space<hbm>> -> memref<1x1x1x8x128xf32, #tpu.memory_space<hbm>>
    %dma_wait3A_44 = tpu.memref_squeeze %dma_wait3A_43 : memref<1x1x1x8x128xf32, #tpu.memory_space<hbm>> -> memref<8x128xf32, #tpu.memory_space<hbm>>
    %dma_wait3A_45 = arith.constant 0 : i32
    %dma_wait3A_46 = arith.constant 0 : i32
    %dma_wait3A_47 = tpu.memref_slice %arg8[%dma_wait3A_45, %dma_wait3A_46] : memref<32x513xf32, #tpu.memory_space<vmem>> -> memref<8x128xf32, #tpu.memory_space<vmem>>
    tpu.wait_dma2 semaphore(%arg11 : memref<!tpu.dma_semaphore, #tpu.memory_space<semaphore_mem>>) src(%dma_wait3A_47 : memref<8x128xf32, #tpu.memory_space<vmem>>) dst(%dma_wait3A_44 : memref<8x128xf32, #tpu.memory_space<hbm>>)
    %dma_wait3A_48 = arith.constant 0 : i32
    %dma_wait3A_49 = arith.constant 0 : i32
    %dma_wait3A_50 = arith.constant 0 : i32
    %dma_wait3A_51 = arith.constant 0 : i32
    %dma_wait3A_52 = arith.constant 0 : i32
    %dma_wait3A_53 = tpu.memref_slice %arg8[%dma_wait3A_51, %dma_wait3A_52] : memref<32x513xf32, #tpu.memory_space<vmem>> -> memref<8x128xf32, #tpu.memory_space<vmem>>
    %dma_wait3A_54 = arith.constant 0 : i32
    %dma_wait3A_55 = arith.constant 0 : i32
    %dma_wait3A_56 = tpu.memref_slice %arg4[%dma_wait3A_48, %dma_wait3A_49, %dma_wait3A_50, %dma_wait3A_54, %dma_wait3A_55] : memref<50x4x128x8x128xf32, #tpu.memory_space<hbm>> -> memref<1x1x1x8x128xf32, #tpu.memory_space<hbm>>
    %dma_wait3A_57 = tpu.memref_squeeze %dma_wait3A_56 : memref<1x1x1x8x128xf32, #tpu.memory_space<hbm>> -> memref<8x128xf32, #tpu.memory_space<hbm>>
    %dma_wait3A_58 = arith.constant 0 : i32
    %dma_wait3A_59 = arith.constant 0 : i32
    %dma_wait3A_60 = tpu.memref_slice %arg4[%dma_wait3A_48, %dma_wait3A_49, %dma_wait3A_50, %dma_wait3A_58, %dma_wait3A_59] : memref<50x4x128x8x128xf32, #tpu.memory_space<hbm>> -> memref<1x1x1x8x128xf32, #tpu.memory_space<hbm>>
    %dma_wait3A_61 = tpu.memref_squeeze %dma_wait3A_60 : memref<1x1x1x8x128xf32, #tpu.memory_space<hbm>> -> memref<8x128xf32, #tpu.memory_space<hbm>>
    %dma_wait3A_62 = arith.constant 0 : i32
    %dma_wait3A_63 = arith.constant 0 : i32
    %dma_wait3A_64 = tpu.memref_slice %arg8[%dma_wait3A_62, %dma_wait3A_63] : memref<32x513xf32, #tpu.memory_space<vmem>> -> memref<8x128xf32, #tpu.memory_space<vmem>>
    tpu.wait_dma2 semaphore(%arg11 : memref<!tpu.dma_semaphore, #tpu.memory_space<semaphore_mem>>) src(%dma_wait3A_64 : memref<8x128xf32, #tpu.memory_space<vmem>>) dst(%dma_wait3A_61 : memref<8x128xf32, #tpu.memory_space<hbm>>)
    %dma_wait3A_65 = arith.constant 0 : i32
    %dma_wait3A_66 = arith.constant 0 : i32
    %dma_wait3A_67 = arith.constant 0 : i32
    %dma_wait3A_68 = arith.constant 0 : i32
    %dma_wait3A_69 = arith.constant 0 : i32
    %dma_wait3A_70 = tpu.memref_slice %arg8[%dma_wait3A_68, %dma_wait3A_69] : memref<32x513xf32, #tpu.memory_space<vmem>> -> memref<8x128xf32, #tpu.memory_space<vmem>>
    %dma_wait3A_71 = arith.constant 0 : i32
    %dma_wait3A_72 = arith.constant 0 : i32
    %dma_wait3A_73 = tpu.memref_slice %arg4[%dma_wait3A_65, %dma_wait3A_66, %dma_wait3A_67, %dma_wait3A_71, %dma_wait3A_72] : memref<50x4x128x8x128xf32, #tpu.memory_space<hbm>> -> memref<1x1x1x8x128xf32, #tpu.memory_space<hbm>>
    %dma_wait3A_74 = tpu.memref_squeeze %dma_wait3A_73 : memref<1x1x1x8x128xf32, #tpu.memory_space<hbm>> -> memref<8x128xf32, #tpu.memory_space<hbm>>
    %dma_wait3A_75 = arith.constant 0 : i32
    %dma_wait3A_76 = arith.constant 0 : i32
    %dma_wait3A_77 = tpu.memref_slice %arg4[%dma_wait3A_65, %dma_wait3A_66, %dma_wait3A_67, %dma_wait3A_75, %dma_wait3A_76] : memref<50x4x128x8x128xf32, #tpu.memory_space<hbm>> -> memref<1x1x1x8x128xf32, #tpu.memory_space<hbm>>
    %dma_wait3A_78 = tpu.memref_squeeze %dma_wait3A_77 : memref<1x1x1x8x128xf32, #tpu.memory_space<hbm>> -> memref<8x128xf32, #tpu.memory_space<hbm>>
    %dma_wait3A_79 = arith.constant 0 : i32
    %dma_wait3A_80 = arith.constant 0 : i32
    %dma_wait3A_81 = tpu.memref_slice %arg8[%dma_wait3A_79, %dma_wait3A_80] : memref<32x513xf32, #tpu.memory_space<vmem>> -> memref<8x128xf32, #tpu.memory_space<vmem>>
    tpu.wait_dma2 semaphore(%arg11 : memref<!tpu.dma_semaphore, #tpu.memory_space<semaphore_mem>>) src(%dma_wait3A_81 : memref<8x128xf32, #tpu.memory_space<vmem>>) dst(%dma_wait3A_78 : memref<8x128xf32, #tpu.memory_space<hbm>>)
    %dma_wait3A_82 = arith.constant 0 : i32
    %dma_wait3A_83 = arith.constant 0 : i32
    %dma_wait3A_84 = arith.constant 0 : i32
    %dma_wait3A_85 = arith.constant 0 : i32
    %dma_wait3A_86 = arith.constant 0 : i32
    %dma_wait3A_87 = tpu.memref_slice %arg8[%dma_wait3A_85, %dma_wait3A_86] : memref<32x513xf32, #tpu.memory_space<vmem>> -> memref<8x128xf32, #tpu.memory_space<vmem>>
    %dma_wait3A_88 = arith.constant 0 : i32
    %dma_wait3A_89 = arith.constant 0 : i32
    %dma_wait3A_90 = tpu.memref_slice %arg4[%dma_wait3A_82, %dma_wait3A_83, %dma_wait3A_84, %dma_wait3A_88, %dma_wait3A_89] : memref<50x4x128x8x128xf32, #tpu.memory_space<hbm>> -> memref<1x1x1x8x128xf32, #tpu.memory_space<hbm>>
    %dma_wait3A_91 = tpu.memref_squeeze %dma_wait3A_90 : memref<1x1x1x8x128xf32, #tpu.memory_space<hbm>> -> memref<8x128xf32, #tpu.memory_space<hbm>>
    %dma_wait3A_92 = arith.constant 0 : i32
    %dma_wait3A_93 = arith.constant 0 : i32
    %dma_wait3A_94 = tpu.memref_slice %arg4[%dma_wait3A_82, %dma_wait3A_83, %dma_wait3A_84, %dma_wait3A_92, %dma_wait3A_93] : memref<50x4x128x8x128xf32, #tpu.memory_space<hbm>> -> memref<1x1x1x8x128xf32, #tpu.memory_space<hbm>>
    %dma_wait3A_95 = tpu.memref_squeeze %dma_wait3A_94 : memref<1x1x1x8x128xf32, #tpu.memory_space<hbm>> -> memref<8x128xf32, #tpu.memory_space<hbm>>
    %dma_wait3A_96 = arith.constant 0 : i32
    %dma_wait3A_97 = arith.constant 0 : i32
    %dma_wait3A_98 = tpu.memref_slice %arg8[%dma_wait3A_96, %dma_wait3A_97] : memref<32x513xf32, #tpu.memory_space<vmem>> -> memref<8x128xf32, #tpu.memory_space<vmem>>
    tpu.wait_dma2 semaphore(%arg11 : memref<!tpu.dma_semaphore, #tpu.memory_space<semaphore_mem>>) src(%dma_wait3A_98 : memref<8x128xf32, #tpu.memory_space<vmem>>) dst(%dma_wait3A_95 : memref<8x128xf32, #tpu.memory_space<hbm>>)
    %dma_wait3A_99 = arith.constant 0 : i32
    %dma_wait3A_100 = arith.constant 0 : i32
    %dma_wait3A_101 = arith.constant 0 : i32
    %dma_wait3A_102 = arith.constant 0 : i32
    %dma_wait3A_103 = arith.constant 0 : i32
    %dma_wait3A_104 = tpu.memref_slice %arg8[%dma_wait3A_102, %dma_wait3A_103] : memref<32x513xf32, #tpu.memory_space<vmem>> -> memref<8x128xf32, #tpu.memory_space<vmem>>
    %dma_wait3A_105 = arith.constant 0 : i32
    %dma_wait3A_106 = arith.constant 0 : i32
    %dma_wait3A_107 = tpu.memref_slice %arg4[%dma_wait3A_99, %dma_wait3A_100, %dma_wait3A_101, %dma_wait3A_105, %dma_wait3A_106] : memref<50x4x128x8x128xf32, #tpu.memory_space<hbm>> -> memref<1x1x1x8x128xf32, #tpu.memory_space<hbm>>
    %dma_wait3A_108 = tpu.memref_squeeze %dma_wait3A_107 : memref<1x1x1x8x128xf32, #tpu.memory_space<hbm>> -> memref<8x128xf32, #tpu.memory_space<hbm>>
    %dma_wait3A_109 = arith.constant 0 : i32
    %dma_wait3A_110 = arith.constant 0 : i32
    %dma_wait3A_111 = tpu.memref_slice %arg4[%dma_wait3A_99, %dma_wait3A_100, %dma_wait3A_101, %dma_wait3A_109, %dma_wait3A_110] : memref<50x4x128x8x128xf32, #tpu.memory_space<hbm>> -> memref<1x1x1x8x128xf32, #tpu.memory_space<hbm>>
    %dma_wait3A_112 = tpu.memref_squeeze %dma_wait3A_111 : memref<1x1x1x8x128xf32, #tpu.memory_space<hbm>> -> memref<8x128xf32, #tpu.memory_space<hbm>>
    %dma_wait3A_113 = arith.constant 0 : i32
    %dma_wait3A_114 = arith.constant 0 : i32
    %dma_wait3A_115 = tpu.memref_slice %arg8[%dma_wait3A_113, %dma_wait3A_114] : memref<32x513xf32, #tpu.memory_space<vmem>> -> memref<8x128xf32, #tpu.memory_space<vmem>>
    tpu.wait_dma2 semaphore(%arg11 : memref<!tpu.dma_semaphore, #tpu.memory_space<semaphore_mem>>) src(%dma_wait3A_115 : memref<8x128xf32, #tpu.memory_space<vmem>>) dst(%dma_wait3A_112 : memref<8x128xf32, #tpu.memory_space<hbm>>)
    %dma_wait3A_116 = arith.constant 0 : i32
    %dma_wait3A_117 = arith.constant 0 : i32
    %dma_wait3A_118 = arith.constant 0 : i32
    %dma_wait3A_119 = arith.constant 0 : i32
    %dma_wait3A_120 = arith.constant 0 : i32
    %dma_wait3A_121 = tpu.memref_slice %arg8[%dma_wait3A_119, %dma_wait3A_120] : memref<32x513xf32, #tpu.memory_space<vmem>> -> memref<8x128xf32, #tpu.memory_space<vmem>>
    %dma_wait3A_122 = arith.constant 0 : i32
    %dma_wait3A_123 = arith.constant 0 : i32
    %dma_wait3A_124 = tpu.memref_slice %arg4[%dma_wait3A_116, %dma_wait3A_117, %dma_wait3A_118, %dma_wait3A_122, %dma_wait3A_123] : memref<50x4x128x8x128xf32, #tpu.memory_space<hbm>> -> memref<1x1x1x8x128xf32, #tpu.memory_space<hbm>>
    %dma_wait3A_125 = tpu.memref_squeeze %dma_wait3A_124 : memref<1x1x1x8x128xf32, #tpu.memory_space<hbm>> -> memref<8x128xf32, #tpu.memory_space<hbm>>
    %dma_wait3A_126 = arith.constant 0 : i32
    %dma_wait3A_127 = arith.constant 0 : i32
    %dma_wait3A_128 = tpu.memref_slice %arg4[%dma_wait3A_116, %dma_wait3A_117, %dma_wait3A_118, %dma_wait3A_126, %dma_wait3A_127] : memref<50x4x128x8x128xf32, #tpu.memory_space<hbm>> -> memref<1x1x1x8x128xf32, #tpu.memory_space<hbm>>
    %dma_wait3A_129 = tpu.memref_squeeze %dma_wait3A_128 : memref<1x1x1x8x128xf32, #tpu.memory_space<hbm>> -> memref<8x128xf32, #tpu.memory_space<hbm>>
    %dma_wait3A_130 = arith.constant 0 : i32
    %dma_wait3A_131 = arith.constant 0 : i32
    %dma_wait3A_132 = tpu.memref_slice %arg8[%dma_wait3A_130, %dma_wait3A_131] : memref<32x513xf32, #tpu.memory_space<vmem>> -> memref<8x128xf32, #tpu.memory_space<vmem>>
    tpu.wait_dma2 semaphore(%arg11 : memref<!tpu.dma_semaphore, #tpu.memory_space<semaphore_mem>>) src(%dma_wait3A_132 : memref<8x128xf32, #tpu.memory_space<vmem>>) dst(%dma_wait3A_129 : memref<8x128xf32, #tpu.memory_space<hbm>>)
    %dma_wait3A_133 = arith.constant 0 : i32
    %dma_wait3A_134 = arith.constant 0 : i32
    %dma_wait3A_135 = arith.constant 0 : i32
    %dma_wait3A_136 = arith.constant 0 : i32
    %dma_wait3A_137 = arith.constant 0 : i32
    %dma_wait3A_138 = tpu.memref_slice %arg8[%dma_wait3A_136, %dma_wait3A_137] : memref<32x513xf32, #tpu.memory_space<vmem>> -> memref<8x128xf32, #tpu.memory_space<vmem>>
    %dma_wait3A_139 = arith.constant 0 : i32
    %dma_wait3A_140 = arith.constant 0 : i32
    %dma_wait3A_141 = tpu.memref_slice %arg4[%dma_wait3A_133, %dma_wait3A_134, %dma_wait3A_135, %dma_wait3A_139, %dma_wait3A_140] : memref<50x4x128x8x128xf32, #tpu.memory_space<hbm>> -> memref<1x1x1x8x128xf32, #tpu.memory_space<hbm>>
    %dma_wait3A_142 = tpu.memref_squeeze %dma_wait3A_141 : memref<1x1x1x8x128xf32, #tpu.memory_space<hbm>> -> memref<8x128xf32, #tpu.memory_space<hbm>>
    %dma_wait3A_143 = arith.constant 0 : i32
    %dma_wait3A_144 = arith.constant 0 : i32
    %dma_wait3A_145 = tpu.memref_slice %arg4[%dma_wait3A_133, %dma_wait3A_134, %dma_wait3A_135, %dma_wait3A_143, %dma_wait3A_144] : memref<50x4x128x8x128xf32, #tpu.memory_space<hbm>> -> memref<1x1x1x8x128xf32, #tpu.memory_space<hbm>>
    %dma_wait3A_146 = tpu.memref_squeeze %dma_wait3A_145 : memref<1x1x1x8x128xf32, #tpu.memory_space<hbm>> -> memref<8x128xf32, #tpu.memory_space<hbm>>
    %dma_wait3A_147 = arith.constant 0 : i32
    %dma_wait3A_148 = arith.constant 0 : i32
    %dma_wait3A_149 = tpu.memref_slice %arg8[%dma_wait3A_147, %dma_wait3A_148] : memref<32x513xf32, #tpu.memory_space<vmem>> -> memref<8x128xf32, #tpu.memory_space<vmem>>
    tpu.wait_dma2 semaphore(%arg11 : memref<!tpu.dma_semaphore, #tpu.memory_space<semaphore_mem>>) src(%dma_wait3A_149 : memref<8x128xf32, #tpu.memory_space<vmem>>) dst(%dma_wait3A_146 : memref<8x128xf32, #tpu.memory_space<hbm>>)
    %dma_wait3A_150 = arith.constant 0 : i32
    %dma_wait3A_151 = arith.constant 0 : i32
    %dma_wait3A_152 = arith.constant 0 : i32
    %dma_wait3A_153 = arith.constant 0 : i32
    %dma_wait3A_154 = arith.constant 0 : i32
    %dma_wait3A_155 = tpu.memref_slice %arg8[%dma_wait3A_153, %dma_wait3A_154] : memref<32x513xf32, #tpu.memory_space<vmem>> -> memref<8x128xf32, #tpu.memory_space<vmem>>
    %dma_wait3A_156 = arith.constant 0 : i32
    %dma_wait3A_157 = arith.constant 0 : i32
    %dma_wait3A_158 = tpu.memref_slice %arg4[%dma_wait3A_150, %dma_wait3A_151, %dma_wait3A_152, %dma_wait3A_156, %dma_wait3A_157] : memref<50x4x128x8x128xf32, #tpu.memory_space<hbm>> -> memref<1x1x1x8x128xf32, #tpu.memory_space<hbm>>
    %dma_wait3A_159 = tpu.memref_squeeze %dma_wait3A_158 : memref<1x1x1x8x128xf32, #tpu.memory_space<hbm>> -> memref<8x128xf32, #tpu.memory_space<hbm>>
    %dma_wait3A_160 = arith.constant 0 : i32
    %dma_wait3A_161 = arith.constant 0 : i32
    %dma_wait3A_162 = tpu.memref_slice %arg4[%dma_wait3A_150, %dma_wait3A_151, %dma_wait3A_152, %dma_wait3A_160, %dma_wait3A_161] : memref<50x4x128x8x128xf32, #tpu.memory_space<hbm>> -> memref<1x1x1x8x128xf32, #tpu.memory_space<hbm>>
    %dma_wait3A_163 = tpu.memref_squeeze %dma_wait3A_162 : memref<1x1x1x8x128xf32, #tpu.memory_space<hbm>> -> memref<8x128xf32, #tpu.memory_space<hbm>>
    %dma_wait3A_164 = arith.constant 0 : i32
    %dma_wait3A_165 = arith.constant 0 : i32
    %dma_wait3A_166 = tpu.memref_slice %arg8[%dma_wait3A_164, %dma_wait3A_165] : memref<32x513xf32, #tpu.memory_space<vmem>> -> memref<8x128xf32, #tpu.memory_space<vmem>>
    tpu.wait_dma2 semaphore(%arg11 : memref<!tpu.dma_semaphore, #tpu.memory_space<semaphore_mem>>) src(%dma_wait3A_166 : memref<8x128xf32, #tpu.memory_space<vmem>>) dst(%dma_wait3A_163 : memref<8x128xf32, #tpu.memory_space<hbm>>)
    %dma_wait3A_167 = arith.constant 0 : i32
    %dma_wait3A_168 = arith.constant 0 : i32
    %dma_wait3A_169 = arith.constant 0 : i32
    %dma_wait3A_170 = arith.constant 0 : i32
    %dma_wait3A_171 = arith.constant 0 : i32
    %dma_wait3A_172 = tpu.memref_slice %arg8[%dma_wait3A_170, %dma_wait3A_171] : memref<32x513xf32, #tpu.memory_space<vmem>> -> memref<8x128xf32, #tpu.memory_space<vmem>>
    %dma_wait3A_173 = arith.constant 0 : i32
    %dma_wait3A_174 = arith.constant 0 : i32
    %dma_wait3A_175 = tpu.memref_slice %arg4[%dma_wait3A_167, %dma_wait3A_168, %dma_wait3A_169, %dma_wait3A_173, %dma_wait3A_174] : memref<50x4x128x8x128xf32, #tpu.memory_space<hbm>> -> memref<1x1x1x8x128xf32, #tpu.memory_space<hbm>>
    %dma_wait3A_176 = tpu.memref_squeeze %dma_wait3A_175 : memref<1x1x1x8x128xf32, #tpu.memory_space<hbm>> -> memref<8x128xf32, #tpu.memory_space<hbm>>
    %dma_wait3A_177 = arith.constant 0 : i32
    %dma_wait3A_178 = arith.constant 0 : i32
    %dma_wait3A_179 = tpu.memref_slice %arg4[%dma_wait3A_167, %dma_wait3A_168, %dma_wait3A_169, %dma_wait3A_177, %dma_wait3A_178] : memref<50x4x128x8x128xf32, #tpu.memory_space<hbm>> -> memref<1x1x1x8x128xf32, #tpu.memory_space<hbm>>
    %dma_wait3A_180 = tpu.memref_squeeze %dma_wait3A_179 : memref<1x1x1x8x128xf32, #tpu.memory_space<hbm>> -> memref<8x128xf32, #tpu.memory_space<hbm>>
    %dma_wait3A_181 = arith.constant 0 : i32
    %dma_wait3A_182 = arith.constant 0 : i32
    %dma_wait3A_183 = tpu.memref_slice %arg8[%dma_wait3A_181, %dma_wait3A_182] : memref<32x513xf32, #tpu.memory_space<vmem>> -> memref<8x128xf32, #tpu.memory_space<vmem>>
    tpu.wait_dma2 semaphore(%arg11 : memref<!tpu.dma_semaphore, #tpu.memory_space<semaphore_mem>>) src(%dma_wait3A_183 : memref<8x128xf32, #tpu.memory_space<vmem>>) dst(%dma_wait3A_180 : memref<8x128xf32, #tpu.memory_space<hbm>>)
    %dma_wait3A_184 = arith.constant 0 : i32
    %dma_wait3A_185 = arith.constant 0 : i32
    %dma_wait3A_186 = arith.constant 0 : i32
    %dma_wait3A_187 = arith.constant 0 : i32
    %dma_wait3A_188 = arith.constant 0 : i32
    %dma_wait3A_189 = tpu.memref_slice %arg8[%dma_wait3A_187, %dma_wait3A_188] : memref<32x513xf32, #tpu.memory_space<vmem>> -> memref<8x128xf32, #tpu.memory_space<vmem>>
    %dma_wait3A_190 = arith.constant 0 : i32
    %dma_wait3A_191 = arith.constant 0 : i32
    %dma_wait3A_192 = tpu.memref_slice %arg4[%dma_wait3A_184, %dma_wait3A_185, %dma_wait3A_186, %dma_wait3A_190, %dma_wait3A_191] : memref<50x4x128x8x128xf32, #tpu.memory_space<hbm>> -> memref<1x1x1x8x128xf32, #tpu.memory_space<hbm>>
    %dma_wait3A_193 = tpu.memref_squeeze %dma_wait3A_192 : memref<1x1x1x8x128xf32, #tpu.memory_space<hbm>> -> memref<8x128xf32, #tpu.memory_space<hbm>>
    %dma_wait3A_194 = arith.constant 0 : i32
    %dma_wait3A_195 = arith.constant 0 : i32
    %dma_wait3A_196 = tpu.memref_slice %arg4[%dma_wait3A_184, %dma_wait3A_185, %dma_wait3A_186, %dma_wait3A_194, %dma_wait3A_195] : memref<50x4x128x8x128xf32, #tpu.memory_space<hbm>> -> memref<1x1x1x8x128xf32, #tpu.memory_space<hbm>>
    %dma_wait3A_197 = tpu.memref_squeeze %dma_wait3A_196 : memref<1x1x1x8x128xf32, #tpu.memory_space<hbm>> -> memref<8x128xf32, #tpu.memory_space<hbm>>
    %dma_wait3A_198 = arith.constant 0 : i32
    %dma_wait3A_199 = arith.constant 0 : i32
    %dma_wait3A_200 = tpu.memref_slice %arg8[%dma_wait3A_198, %dma_wait3A_199] : memref<32x513xf32, #tpu.memory_space<vmem>> -> memref<8x128xf32, #tpu.memory_space<vmem>>
    tpu.wait_dma2 semaphore(%arg11 : memref<!tpu.dma_semaphore, #tpu.memory_space<semaphore_mem>>) src(%dma_wait3A_200 : memref<8x128xf32, #tpu.memory_space<vmem>>) dst(%dma_wait3A_197 : memref<8x128xf32, #tpu.memory_space<hbm>>)
    %dma_wait3A_201 = arith.constant 0 : i32
    %dma_wait3A_202 = arith.constant 0 : i32
    %dma_wait3A_203 = arith.constant 0 : i32
    %dma_wait3A_204 = arith.constant 0 : i32
    %dma_wait3A_205 = arith.constant 0 : i32
    %dma_wait3A_206 = tpu.memref_slice %arg8[%dma_wait3A_204, %dma_wait3A_205] : memref<32x513xf32, #tpu.memory_space<vmem>> -> memref<8x128xf32, #tpu.memory_space<vmem>>
    %dma_wait3A_207 = arith.constant 0 : i32
    %dma_wait3A_208 = arith.constant 0 : i32
    %dma_wait3A_209 = tpu.memref_slice %arg4[%dma_wait3A_201, %dma_wait3A_202, %dma_wait3A_203, %dma_wait3A_207, %dma_wait3A_208] : memref<50x4x128x8x128xf32, #tpu.memory_space<hbm>> -> memref<1x1x1x8x128xf32, #tpu.memory_space<hbm>>
    %dma_wait3A_210 = tpu.memref_squeeze %dma_wait3A_209 : memref<1x1x1x8x128xf32, #tpu.memory_space<hbm>> -> memref<8x128xf32, #tpu.memory_space<hbm>>
    %dma_wait3A_211 = arith.constant 0 : i32
    %dma_wait3A_212 = arith.constant 0 : i32
    %dma_wait3A_213 = tpu.memref_slice %arg4[%dma_wait3A_201, %dma_wait3A_202, %dma_wait3A_203, %dma_wait3A_211, %dma_wait3A_212] : memref<50x4x128x8x128xf32, #tpu.memory_space<hbm>> -> memref<1x1x1x8x128xf32, #tpu.memory_space<hbm>>
    %dma_wait3A_214 = tpu.memref_squeeze %dma_wait3A_213 : memref<1x1x1x8x128xf32, #tpu.memory_space<hbm>> -> memref<8x128xf32, #tpu.memory_space<hbm>>
    %dma_wait3A_215 = arith.constant 0 : i32
    %dma_wait3A_216 = arith.constant 0 : i32
    %dma_wait3A_217 = tpu.memref_slice %arg8[%dma_wait3A_215, %dma_wait3A_216] : memref<32x513xf32, #tpu.memory_space<vmem>> -> memref<8x128xf32, #tpu.memory_space<vmem>>
    tpu.wait_dma2 semaphore(%arg11 : memref<!tpu.dma_semaphore, #tpu.memory_space<semaphore_mem>>) src(%dma_wait3A_217 : memref<8x128xf32, #tpu.memory_space<vmem>>) dst(%dma_wait3A_214 : memref<8x128xf32, #tpu.memory_space<hbm>>)
    %dma_wait3A_218 = arith.constant 0 : i32
    %dma_wait3A_219 = arith.constant 0 : i32
    %dma_wait3A_220 = arith.constant 0 : i32
    %dma_wait3A_221 = arith.constant 0 : i32
    %dma_wait3A_222 = arith.constant 0 : i32
    %dma_wait3A_223 = tpu.memref_slice %arg8[%dma_wait3A_221, %dma_wait3A_222] : memref<32x513xf32, #tpu.memory_space<vmem>> -> memref<8x128xf32, #tpu.memory_space<vmem>>
    %dma_wait3A_224 = arith.constant 0 : i32
    %dma_wait3A_225 = arith.constant 0 : i32
    %dma_wait3A_226 = tpu.memref_slice %arg4[%dma_wait3A_218, %dma_wait3A_219, %dma_wait3A_220, %dma_wait3A_224, %dma_wait3A_225] : memref<50x4x128x8x128xf32, #tpu.memory_space<hbm>> -> memref<1x1x1x8x128xf32, #tpu.memory_space<hbm>>
    %dma_wait3A_227 = tpu.memref_squeeze %dma_wait3A_226 : memref<1x1x1x8x128xf32, #tpu.memory_space<hbm>> -> memref<8x128xf32, #tpu.memory_space<hbm>>
    %dma_wait3A_228 = arith.constant 0 : i32
    %dma_wait3A_229 = arith.constant 0 : i32
    %dma_wait3A_230 = tpu.memref_slice %arg4[%dma_wait3A_218, %dma_wait3A_219, %dma_wait3A_220, %dma_wait3A_228, %dma_wait3A_229] : memref<50x4x128x8x128xf32, #tpu.memory_space<hbm>> -> memref<1x1x1x8x128xf32, #tpu.memory_space<hbm>>
    %dma_wait3A_231 = tpu.memref_squeeze %dma_wait3A_230 : memref<1x1x1x8x128xf32, #tpu.memory_space<hbm>> -> memref<8x128xf32, #tpu.memory_space<hbm>>
    %dma_wait3A_232 = arith.constant 0 : i32
    %dma_wait3A_233 = arith.constant 0 : i32
    %dma_wait3A_234 = tpu.memref_slice %arg8[%dma_wait3A_232, %dma_wait3A_233] : memref<32x513xf32, #tpu.memory_space<vmem>> -> memref<8x128xf32, #tpu.memory_space<vmem>>
    tpu.wait_dma2 semaphore(%arg11 : memref<!tpu.dma_semaphore, #tpu.memory_space<semaphore_mem>>) src(%dma_wait3A_234 : memref<8x128xf32, #tpu.memory_space<vmem>>) dst(%dma_wait3A_231 : memref<8x128xf32, #tpu.memory_space<hbm>>)
    %dma_wait3A_235 = arith.constant 0 : i32
    %dma_wait3A_236 = arith.constant 0 : i32
    %dma_wait3A_237 = arith.constant 0 : i32
    %dma_wait3A_238 = arith.constant 0 : i32
    %dma_wait3A_239 = arith.constant 0 : i32
    %dma_wait3A_240 = tpu.memref_slice %arg8[%dma_wait3A_238, %dma_wait3A_239] : memref<32x513xf32, #tpu.memory_space<vmem>> -> memref<8x128xf32, #tpu.memory_space<vmem>>
    %dma_wait3A_241 = arith.constant 0 : i32
    %dma_wait3A_242 = arith.constant 0 : i32
    %dma_wait3A_243 = tpu.memref_slice %arg4[%dma_wait3A_235, %dma_wait3A_236, %dma_wait3A_237, %dma_wait3A_241, %dma_wait3A_242] : memref<50x4x128x8x128xf32, #tpu.memory_space<hbm>> -> memref<1x1x1x8x128xf32, #tpu.memory_space<hbm>>
    %dma_wait3A_244 = tpu.memref_squeeze %dma_wait3A_243 : memref<1x1x1x8x128xf32, #tpu.memory_space<hbm>> -> memref<8x128xf32, #tpu.memory_space<hbm>>
    %dma_wait3A_245 = arith.constant 0 : i32
    %dma_wait3A_246 = arith.constant 0 : i32
    %dma_wait3A_247 = tpu.memref_slice %arg4[%dma_wait3A_235, %dma_wait3A_236, %dma_wait3A_237, %dma_wait3A_245, %dma_wait3A_246] : memref<50x4x128x8x128xf32, #tpu.memory_space<hbm>> -> memref<1x1x1x8x128xf32, #tpu.memory_space<hbm>>
    %dma_wait3A_248 = tpu.memref_squeeze %dma_wait3A_247 : memref<1x1x1x8x128xf32, #tpu.memory_space<hbm>> -> memref<8x128xf32, #tpu.memory_space<hbm>>
    %dma_wait3A_249 = arith.constant 0 : i32
    %dma_wait3A_250 = arith.constant 0 : i32
    %dma_wait3A_251 = tpu.memref_slice %arg8[%dma_wait3A_249, %dma_wait3A_250] : memref<32x513xf32, #tpu.memory_space<vmem>> -> memref<8x128xf32, #tpu.memory_space<vmem>>
    tpu.wait_dma2 semaphore(%arg11 : memref<!tpu.dma_semaphore, #tpu.memory_space<semaphore_mem>>) src(%dma_wait3A_251 : memref<8x128xf32, #tpu.memory_space<vmem>>) dst(%dma_wait3A_248 : memref<8x128xf32, #tpu.memory_space<hbm>>)
    %dma_wait3A_252 = arith.constant 0 : i32
    %dma_wait3A_253 = arith.constant 0 : i32
    %dma_wait3A_254 = arith.constant 0 : i32
    %dma_wait3A_255 = arith.constant 0 : i32
    %dma_wait3A_256 = arith.constant 0 : i32
    %dma_wait3A_257 = tpu.memref_slice %arg8[%dma_wait3A_255, %dma_wait3A_256] : memref<32x513xf32, #tpu.memory_space<vmem>> -> memref<8x128xf32, #tpu.memory_space<vmem>>
    %dma_wait3A_258 = arith.constant 0 : i32
    %dma_wait3A_259 = arith.constant 0 : i32
    %dma_wait3A_260 = tpu.memref_slice %arg4[%dma_wait3A_252, %dma_wait3A_253, %dma_wait3A_254, %dma_wait3A_258, %dma_wait3A_259] : memref<50x4x128x8x128xf32, #tpu.memory_space<hbm>> -> memref<1x1x1x8x128xf32, #tpu.memory_space<hbm>>
    %dma_wait3A_261 = tpu.memref_squeeze %dma_wait3A_260 : memref<1x1x1x8x128xf32, #tpu.memory_space<hbm>> -> memref<8x128xf32, #tpu.memory_space<hbm>>
    %dma_wait3A_262 = arith.constant 0 : i32
    %dma_wait3A_263 = arith.constant 0 : i32
    %dma_wait3A_264 = tpu.memref_slice %arg4[%dma_wait3A_252, %dma_wait3A_253, %dma_wait3A_254, %dma_wait3A_262, %dma_wait3A_263] : memref<50x4x128x8x128xf32, #tpu.memory_space<hbm>> -> memref<1x1x1x8x128xf32, #tpu.memory_space<hbm>>
    %dma_wait3A_265 = tpu.memref_squeeze %dma_wait3A_264 : memref<1x1x1x8x128xf32, #tpu.memory_space<hbm>> -> memref<8x128xf32, #tpu.memory_space<hbm>>
    %dma_wait3A_266 = arith.constant 0 : i32
    %dma_wait3A_267 = arith.constant 0 : i32
    %dma_wait3A_268 = tpu.memref_slice %arg8[%dma_wait3A_266, %dma_wait3A_267] : memref<32x513xf32, #tpu.memory_space<vmem>> -> memref<8x128xf32, #tpu.memory_space<vmem>>
    tpu.wait_dma2 semaphore(%arg11 : memref<!tpu.dma_semaphore, #tpu.memory_space<semaphore_mem>>) src(%dma_wait3A_268 : memref<8x128xf32, #tpu.memory_space<vmem>>) dst(%dma_wait3A_265 : memref<8x128xf32, #tpu.memory_space<hbm>>)
    %dma_wait3A_269 = arith.constant 0 : i32
    %dma_wait3A_270 = arith.constant 0 : i32
    %dma_wait3A_271 = arith.constant 0 : i32
    %dma_wait3A_272 = arith.constant 0 : i32
    %dma_wait3A_273 = arith.constant 0 : i32
    %dma_wait3A_274 = tpu.memref_slice %arg8[%dma_wait3A_272, %dma_wait3A_273] : memref<32x513xf32, #tpu.memory_space<vmem>> -> memref<8x128xf32, #tpu.memory_space<vmem>>
    %dma_wait3A_275 = arith.constant 0 : i32
    %dma_wait3A_276 = arith.constant 0 : i32
    %dma_wait3A_277 = tpu.memref_slice %arg4[%dma_wait3A_269, %dma_wait3A_270, %dma_wait3A_271, %dma_wait3A_275, %dma_wait3A_276] : memref<50x4x128x8x128xf32, #tpu.memory_space<hbm>> -> memref<1x1x1x8x128xf32, #tpu.memory_space<hbm>>
    %dma_wait3A_278 = tpu.memref_squeeze %dma_wait3A_277 : memref<1x1x1x8x128xf32, #tpu.memory_space<hbm>> -> memref<8x128xf32, #tpu.memory_space<hbm>>
    %dma_wait3A_279 = arith.constant 0 : i32
    %dma_wait3A_280 = arith.constant 0 : i32
    %dma_wait3A_281 = tpu.memref_slice %arg4[%dma_wait3A_269, %dma_wait3A_270, %dma_wait3A_271, %dma_wait3A_279, %dma_wait3A_280] : memref<50x4x128x8x128xf32, #tpu.memory_space<hbm>> -> memref<1x1x1x8x128xf32, #tpu.memory_space<hbm>>
    %dma_wait3A_282 = tpu.memref_squeeze %dma_wait3A_281 : memref<1x1x1x8x128xf32, #tpu.memory_space<hbm>> -> memref<8x128xf32, #tpu.memory_space<hbm>>
    %dma_wait3A_283 = arith.constant 0 : i32
    %dma_wait3A_284 = arith.constant 0 : i32
    %dma_wait3A_285 = tpu.memref_slice %arg8[%dma_wait3A_283, %dma_wait3A_284] : memref<32x513xf32, #tpu.memory_space<vmem>> -> memref<8x128xf32, #tpu.memory_space<vmem>>
    tpu.wait_dma2 semaphore(%arg11 : memref<!tpu.dma_semaphore, #tpu.memory_space<semaphore_mem>>) src(%dma_wait3A_285 : memref<8x128xf32, #tpu.memory_space<vmem>>) dst(%dma_wait3A_282 : memref<8x128xf32, #tpu.memory_space<hbm>>)
    %dma_wait3A_286 = arith.constant 0 : i32
    %dma_wait3A_287 = arith.constant 0 : i32
    %dma_wait3A_288 = arith.constant 0 : i32
    %dma_wait3A_289 = arith.constant 0 : i32
    %dma_wait3A_290 = arith.constant 0 : i32
    %dma_wait3A_291 = tpu.memref_slice %arg8[%dma_wait3A_289, %dma_wait3A_290] : memref<32x513xf32, #tpu.memory_space<vmem>> -> memref<8x128xf32, #tpu.memory_space<vmem>>
    %dma_wait3A_292 = arith.constant 0 : i32
    %dma_wait3A_293 = arith.constant 0 : i32
    %dma_wait3A_294 = tpu.memref_slice %arg4[%dma_wait3A_286, %dma_wait3A_287, %dma_wait3A_288, %dma_wait3A_292, %dma_wait3A_293] : memref<50x4x128x8x128xf32, #tpu.memory_space<hbm>> -> memref<1x1x1x8x128xf32, #tpu.memory_space<hbm>>
    %dma_wait3A_295 = tpu.memref_squeeze %dma_wait3A_294 : memref<1x1x1x8x128xf32, #tpu.memory_space<hbm>> -> memref<8x128xf32, #tpu.memory_space<hbm>>
    %dma_wait3A_296 = arith.constant 0 : i32
    %dma_wait3A_297 = arith.constant 0 : i32
    %dma_wait3A_298 = tpu.memref_slice %arg4[%dma_wait3A_286, %dma_wait3A_287, %dma_wait3A_288, %dma_wait3A_296, %dma_wait3A_297] : memref<50x4x128x8x128xf32, #tpu.memory_space<hbm>> -> memref<1x1x1x8x128xf32, #tpu.memory_space<hbm>>
    %dma_wait3A_299 = tpu.memref_squeeze %dma_wait3A_298 : memref<1x1x1x8x128xf32, #tpu.memory_space<hbm>> -> memref<8x128xf32, #tpu.memory_space<hbm>>
    %dma_wait3A_300 = arith.constant 0 : i32
    %dma_wait3A_301 = arith.constant 0 : i32
    %dma_wait3A_302 = tpu.memref_slice %arg8[%dma_wait3A_300, %dma_wait3A_301] : memref<32x513xf32, #tpu.memory_space<vmem>> -> memref<8x128xf32, #tpu.memory_space<vmem>>
    tpu.wait_dma2 semaphore(%arg11 : memref<!tpu.dma_semaphore, #tpu.memory_space<semaphore_mem>>) src(%dma_wait3A_302 : memref<8x128xf32, #tpu.memory_space<vmem>>) dst(%dma_wait3A_299 : memref<8x128xf32, #tpu.memory_space<hbm>>)
    %dma_wait3A_303 = arith.constant 0 : i32
    %dma_wait3A_304 = arith.constant 0 : i32
    %dma_wait3A_305 = arith.constant 0 : i32
    %dma_wait3A_306 = arith.constant 0 : i32
    %dma_wait3A_307 = arith.constant 0 : i32
    %dma_wait3A_308 = tpu.memref_slice %arg8[%dma_wait3A_306, %dma_wait3A_307] : memref<32x513xf32, #tpu.memory_space<vmem>> -> memref<8x128xf32, #tpu.memory_space<vmem>>
    %dma_wait3A_309 = arith.constant 0 : i32
    %dma_wait3A_310 = arith.constant 0 : i32
    %dma_wait3A_311 = tpu.memref_slice %arg4[%dma_wait3A_303, %dma_wait3A_304, %dma_wait3A_305, %dma_wait3A_309, %dma_wait3A_310] : memref<50x4x128x8x128xf32, #tpu.memory_space<hbm>> -> memref<1x1x1x8x128xf32, #tpu.memory_space<hbm>>
    %dma_wait3A_312 = tpu.memref_squeeze %dma_wait3A_311 : memref<1x1x1x8x128xf32, #tpu.memory_space<hbm>> -> memref<8x128xf32, #tpu.memory_space<hbm>>
    %dma_wait3A_313 = arith.constant 0 : i32
    %dma_wait3A_314 = arith.constant 0 : i32
    %dma_wait3A_315 = tpu.memref_slice %arg4[%dma_wait3A_303, %dma_wait3A_304, %dma_wait3A_305, %dma_wait3A_313, %dma_wait3A_314] : memref<50x4x128x8x128xf32, #tpu.memory_space<hbm>> -> memref<1x1x1x8x128xf32, #tpu.memory_space<hbm>>
    %dma_wait3A_316 = tpu.memref_squeeze %dma_wait3A_315 : memref<1x1x1x8x128xf32, #tpu.memory_space<hbm>> -> memref<8x128xf32, #tpu.memory_space<hbm>>
    %dma_wait3A_317 = arith.constant 0 : i32
    %dma_wait3A_318 = arith.constant 0 : i32
    %dma_wait3A_319 = tpu.memref_slice %arg8[%dma_wait3A_317, %dma_wait3A_318] : memref<32x513xf32, #tpu.memory_space<vmem>> -> memref<8x128xf32, #tpu.memory_space<vmem>>
    tpu.wait_dma2 semaphore(%arg11 : memref<!tpu.dma_semaphore, #tpu.memory_space<semaphore_mem>>) src(%dma_wait3A_319 : memref<8x128xf32, #tpu.memory_space<vmem>>) dst(%dma_wait3A_316 : memref<8x128xf32, #tpu.memory_space<hbm>>)
    %dma_wait3A_320 = arith.constant 0 : i32
    %dma_wait3A_321 = arith.constant 0 : i32
    %dma_wait3A_322 = arith.constant 0 : i32
    %dma_wait3A_323 = arith.constant 0 : i32
    %dma_wait3A_324 = arith.constant 0 : i32
    %dma_wait3A_325 = tpu.memref_slice %arg8[%dma_wait3A_323, %dma_wait3A_324] : memref<32x513xf32, #tpu.memory_space<vmem>> -> memref<8x128xf32, #tpu.memory_space<vmem>>
    %dma_wait3A_326 = arith.constant 0 : i32
    %dma_wait3A_327 = arith.constant 0 : i32
    %dma_wait3A_328 = tpu.memref_slice %arg4[%dma_wait3A_320, %dma_wait3A_321, %dma_wait3A_322, %dma_wait3A_326, %dma_wait3A_327] : memref<50x4x128x8x128xf32, #tpu.memory_space<hbm>> -> memref<1x1x1x8x128xf32, #tpu.memory_space<hbm>>
    %dma_wait3A_329 = tpu.memref_squeeze %dma_wait3A_328 : memref<1x1x1x8x128xf32, #tpu.memory_space<hbm>> -> memref<8x128xf32, #tpu.memory_space<hbm>>
    %dma_wait3A_330 = arith.constant 0 : i32
    %dma_wait3A_331 = arith.constant 0 : i32
    %dma_wait3A_332 = tpu.memref_slice %arg4[%dma_wait3A_320, %dma_wait3A_321, %dma_wait3A_322, %dma_wait3A_330, %dma_wait3A_331] : memref<50x4x128x8x128xf32, #tpu.memory_space<hbm>> -> memref<1x1x1x8x128xf32, #tpu.memory_space<hbm>>
    %dma_wait3A_333 = tpu.memref_squeeze %dma_wait3A_332 : memref<1x1x1x8x128xf32, #tpu.memory_space<hbm>> -> memref<8x128xf32, #tpu.memory_space<hbm>>
    %dma_wait3A_334 = arith.constant 0 : i32
    %dma_wait3A_335 = arith.constant 0 : i32
    %dma_wait3A_336 = tpu.memref_slice %arg8[%dma_wait3A_334, %dma_wait3A_335] : memref<32x513xf32, #tpu.memory_space<vmem>> -> memref<8x128xf32, #tpu.memory_space<vmem>>
    tpu.wait_dma2 semaphore(%arg11 : memref<!tpu.dma_semaphore, #tpu.memory_space<semaphore_mem>>) src(%dma_wait3A_336 : memref<8x128xf32, #tpu.memory_space<vmem>>) dst(%dma_wait3A_333 : memref<8x128xf32, #tpu.memory_space<hbm>>)
    %dma_wait3A_337 = arith.constant 0 : i32
    %dma_wait3A_338 = arith.constant 0 : i32
    %dma_wait3A_339 = arith.constant 0 : i32
    %dma_wait3A_340 = arith.constant 0 : i32
    %dma_wait3A_341 = arith.constant 0 : i32
    %dma_wait3A_342 = tpu.memref_slice %arg8[%dma_wait3A_340, %dma_wait3A_341] : memref<32x513xf32, #tpu.memory_space<vmem>> -> memref<8x128xf32, #tpu.memory_space<vmem>>
    %dma_wait3A_343 = arith.constant 0 : i32
    %dma_wait3A_344 = arith.constant 0 : i32
    %dma_wait3A_345 = tpu.memref_slice %arg4[%dma_wait3A_337, %dma_wait3A_338, %dma_wait3A_339, %dma_wait3A_343, %dma_wait3A_344] : memref<50x4x128x8x128xf32, #tpu.memory_space<hbm>> -> memref<1x1x1x8x128xf32, #tpu.memory_space<hbm>>
    %dma_wait3A_346 = tpu.memref_squeeze %dma_wait3A_345 : memref<1x1x1x8x128xf32, #tpu.memory_space<hbm>> -> memref<8x128xf32, #tpu.memory_space<hbm>>
    %dma_wait3A_347 = arith.constant 0 : i32
    %dma_wait3A_348 = arith.constant 0 : i32
    %dma_wait3A_349 = tpu.memref_slice %arg4[%dma_wait3A_337, %dma_wait3A_338, %dma_wait3A_339, %dma_wait3A_347, %dma_wait3A_348] : memref<50x4x128x8x128xf32, #tpu.memory_space<hbm>> -> memref<1x1x1x8x128xf32, #tpu.memory_space<hbm>>
    %dma_wait3A_350 = tpu.memref_squeeze %dma_wait3A_349 : memref<1x1x1x8x128xf32, #tpu.memory_space<hbm>> -> memref<8x128xf32, #tpu.memory_space<hbm>>
    %dma_wait3A_351 = arith.constant 0 : i32
    %dma_wait3A_352 = arith.constant 0 : i32
    %dma_wait3A_353 = tpu.memref_slice %arg8[%dma_wait3A_351, %dma_wait3A_352] : memref<32x513xf32, #tpu.memory_space<vmem>> -> memref<8x128xf32, #tpu.memory_space<vmem>>
    tpu.wait_dma2 semaphore(%arg11 : memref<!tpu.dma_semaphore, #tpu.memory_space<semaphore_mem>>) src(%dma_wait3A_353 : memref<8x128xf32, #tpu.memory_space<vmem>>) dst(%dma_wait3A_350 : memref<8x128xf32, #tpu.memory_space<hbm>>)
    %dma_wait3A_354 = arith.constant 0 : i32
    %dma_wait3A_355 = arith.constant 0 : i32
    %dma_wait3A_356 = arith.constant 0 : i32
    %dma_wait3A_357 = arith.constant 0 : i32
    %dma_wait3A_358 = arith.constant 0 : i32
    %dma_wait3A_359 = tpu.memref_slice %arg8[%dma_wait3A_357, %dma_wait3A_358] : memref<32x513xf32, #tpu.memory_space<vmem>> -> memref<8x128xf32, #tpu.memory_space<vmem>>
    %dma_wait3A_360 = arith.constant 0 : i32
    %dma_wait3A_361 = arith.constant 0 : i32
    %dma_wait3A_362 = tpu.memref_slice %arg4[%dma_wait3A_354, %dma_wait3A_355, %dma_wait3A_356, %dma_wait3A_360, %dma_wait3A_361] : memref<50x4x128x8x128xf32, #tpu.memory_space<hbm>> -> memref<1x1x1x8x128xf32, #tpu.memory_space<hbm>>
    %dma_wait3A_363 = tpu.memref_squeeze %dma_wait3A_362 : memref<1x1x1x8x128xf32, #tpu.memory_space<hbm>> -> memref<8x128xf32, #tpu.memory_space<hbm>>
    %dma_wait3A_364 = arith.constant 0 : i32
    %dma_wait3A_365 = arith.constant 0 : i32
    %dma_wait3A_366 = tpu.memref_slice %arg4[%dma_wait3A_354, %dma_wait3A_355, %dma_wait3A_356, %dma_wait3A_364, %dma_wait3A_365] : memref<50x4x128x8x128xf32, #tpu.memory_space<hbm>> -> memref<1x1x1x8x128xf32, #tpu.memory_space<hbm>>
    %dma_wait3A_367 = tpu.memref_squeeze %dma_wait3A_366 : memref<1x1x1x8x128xf32, #tpu.memory_space<hbm>> -> memref<8x128xf32, #tpu.memory_space<hbm>>
    %dma_wait3A_368 = arith.constant 0 : i32
    %dma_wait3A_369 = arith.constant 0 : i32
    %dma_wait3A_370 = tpu.memref_slice %arg8[%dma_wait3A_368, %dma_wait3A_369] : memref<32x513xf32, #tpu.memory_space<vmem>> -> memref<8x128xf32, #tpu.memory_space<vmem>>
    tpu.wait_dma2 semaphore(%arg11 : memref<!tpu.dma_semaphore, #tpu.memory_space<semaphore_mem>>) src(%dma_wait3A_370 : memref<8x128xf32, #tpu.memory_space<vmem>>) dst(%dma_wait3A_367 : memref<8x128xf32, #tpu.memory_space<hbm>>)
    %dma_wait3A_371 = arith.constant 0 : i32
    %dma_wait3A_372 = arith.constant 0 : i32
    %dma_wait3A_373 = arith.constant 0 : i32
    %dma_wait3A_374 = arith.constant 0 : i32
    %dma_wait3A_375 = arith.constant 0 : i32
    %dma_wait3A_376 = tpu.memref_slice %arg8[%dma_wait3A_374, %dma_wait3A_375] : memref<32x513xf32, #tpu.memory_space<vmem>> -> memref<8x128xf32, #tpu.memory_space<vmem>>
    %dma_wait3A_377 = arith.constant 0 : i32
    %dma_wait3A_378 = arith.constant 0 : i32
    %dma_wait3A_379 = tpu.memref_slice %arg4[%dma_wait3A_371, %dma_wait3A_372, %dma_wait3A_373, %dma_wait3A_377, %dma_wait3A_378] : memref<50x4x128x8x128xf32, #tpu.memory_space<hbm>> -> memref<1x1x1x8x128xf32, #tpu.memory_space<hbm>>
    %dma_wait3A_380 = tpu.memref_squeeze %dma_wait3A_379 : memref<1x1x1x8x128xf32, #tpu.memory_space<hbm>> -> memref<8x128xf32, #tpu.memory_space<hbm>>
    %dma_wait3A_381 = arith.constant 0 : i32
    %dma_wait3A_382 = arith.constant 0 : i32
    %dma_wait3A_383 = tpu.memref_slice %arg4[%dma_wait3A_371, %dma_wait3A_372, %dma_wait3A_373, %dma_wait3A_381, %dma_wait3A_382] : memref<50x4x128x8x128xf32, #tpu.memory_space<hbm>> -> memref<1x1x1x8x128xf32, #tpu.memory_space<hbm>>
    %dma_wait3A_384 = tpu.memref_squeeze %dma_wait3A_383 : memref<1x1x1x8x128xf32, #tpu.memory_space<hbm>> -> memref<8x128xf32, #tpu.memory_space<hbm>>
    %dma_wait3A_385 = arith.constant 0 : i32
    %dma_wait3A_386 = arith.constant 0 : i32
    %dma_wait3A_387 = tpu.memref_slice %arg8[%dma_wait3A_385, %dma_wait3A_386] : memref<32x513xf32, #tpu.memory_space<vmem>> -> memref<8x128xf32, #tpu.memory_space<vmem>>
    tpu.wait_dma2 semaphore(%arg11 : memref<!tpu.dma_semaphore, #tpu.memory_space<semaphore_mem>>) src(%dma_wait3A_387 : memref<8x128xf32, #tpu.memory_space<vmem>>) dst(%dma_wait3A_384 : memref<8x128xf32, #tpu.memory_space<hbm>>)
    %dma_wait3A_388 = arith.constant 0 : i32
    %dma_wait3A_389 = arith.constant 0 : i32
    %dma_wait3A_390 = arith.constant 0 : i32
    %dma_wait3A_391 = arith.constant 0 : i32
    %dma_wait3A_392 = arith.constant 0 : i32
    %dma_wait3A_393 = tpu.memref_slice %arg8[%dma_wait3A_391, %dma_wait3A_392] : memref<32x513xf32, #tpu.memory_space<vmem>> -> memref<8x128xf32, #tpu.memory_space<vmem>>
    %dma_wait3A_394 = arith.constant 0 : i32
    %dma_wait3A_395 = arith.constant 0 : i32
    %dma_wait3A_396 = tpu.memref_slice %arg4[%dma_wait3A_388, %dma_wait3A_389, %dma_wait3A_390, %dma_wait3A_394, %dma_wait3A_395] : memref<50x4x128x8x128xf32, #tpu.memory_space<hbm>> -> memref<1x1x1x8x128xf32, #tpu.memory_space<hbm>>
    %dma_wait3A_397 = tpu.memref_squeeze %dma_wait3A_396 : memref<1x1x1x8x128xf32, #tpu.memory_space<hbm>> -> memref<8x128xf32, #tpu.memory_space<hbm>>
    %dma_wait3A_398 = arith.constant 0 : i32
    %dma_wait3A_399 = arith.constant 0 : i32
    %dma_wait3A_400 = tpu.memref_slice %arg4[%dma_wait3A_388, %dma_wait3A_389, %dma_wait3A_390, %dma_wait3A_398, %dma_wait3A_399] : memref<50x4x128x8x128xf32, #tpu.memory_space<hbm>> -> memref<1x1x1x8x128xf32, #tpu.memory_space<hbm>>
    %dma_wait3A_401 = tpu.memref_squeeze %dma_wait3A_400 : memref<1x1x1x8x128xf32, #tpu.memory_space<hbm>> -> memref<8x128xf32, #tpu.memory_space<hbm>>
    %dma_wait3A_402 = arith.constant 0 : i32
    %dma_wait3A_403 = arith.constant 0 : i32
    %dma_wait3A_404 = tpu.memref_slice %arg8[%dma_wait3A_402, %dma_wait3A_403] : memref<32x513xf32, #tpu.memory_space<vmem>> -> memref<8x128xf32, #tpu.memory_space<vmem>>
    tpu.wait_dma2 semaphore(%arg11 : memref<!tpu.dma_semaphore, #tpu.memory_space<semaphore_mem>>) src(%dma_wait3A_404 : memref<8x128xf32, #tpu.memory_space<vmem>>) dst(%dma_wait3A_401 : memref<8x128xf32, #tpu.memory_space<hbm>>)
    %dma_wait3A_405 = arith.constant 0 : i32
    %dma_wait3A_406 = arith.constant 0 : i32
    %dma_wait3A_407 = arith.constant 0 : i32
    %dma_wait3A_408 = arith.constant 0 : i32
    %dma_wait3A_409 = arith.constant 0 : i32
    %dma_wait3A_410 = tpu.memref_slice %arg8[%dma_wait3A_408, %dma_wait3A_409] : memref<32x513xf32, #tpu.memory_space<vmem>> -> memref<8x128xf32, #tpu.memory_space<vmem>>
    %dma_wait3A_411 = arith.constant 0 : i32
    %dma_wait3A_412 = arith.constant 0 : i32
    %dma_wait3A_413 = tpu.memref_slice %arg4[%dma_wait3A_405, %dma_wait3A_406, %dma_wait3A_407, %dma_wait3A_411, %dma_wait3A_412] : memref<50x4x128x8x128xf32, #tpu.memory_space<hbm>> -> memref<1x1x1x8x128xf32, #tpu.memory_space<hbm>>
    %dma_wait3A_414 = tpu.memref_squeeze %dma_wait3A_413 : memref<1x1x1x8x128xf32, #tpu.memory_space<hbm>> -> memref<8x128xf32, #tpu.memory_space<hbm>>
    %dma_wait3A_415 = arith.constant 0 : i32
    %dma_wait3A_416 = arith.constant 0 : i32
    %dma_wait3A_417 = tpu.memref_slice %arg4[%dma_wait3A_405, %dma_wait3A_406, %dma_wait3A_407, %dma_wait3A_415, %dma_wait3A_416] : memref<50x4x128x8x128xf32, #tpu.memory_space<hbm>> -> memref<1x1x1x8x128xf32, #tpu.memory_space<hbm>>
    %dma_wait3A_418 = tpu.memref_squeeze %dma_wait3A_417 : memref<1x1x1x8x128xf32, #tpu.memory_space<hbm>> -> memref<8x128xf32, #tpu.memory_space<hbm>>
    %dma_wait3A_419 = arith.constant 0 : i32
    %dma_wait3A_420 = arith.constant 0 : i32
    %dma_wait3A_421 = tpu.memref_slice %arg8[%dma_wait3A_419, %dma_wait3A_420] : memref<32x513xf32, #tpu.memory_space<vmem>> -> memref<8x128xf32, #tpu.memory_space<vmem>>
    tpu.wait_dma2 semaphore(%arg11 : memref<!tpu.dma_semaphore, #tpu.memory_space<semaphore_mem>>) src(%dma_wait3A_421 : memref<8x128xf32, #tpu.memory_space<vmem>>) dst(%dma_wait3A_418 : memref<8x128xf32, #tpu.memory_space<hbm>>)
    %dma_wait3A_422 = arith.constant 0 : i32
    %dma_wait3A_423 = arith.constant 0 : i32
    %dma_wait3A_424 = arith.constant 0 : i32
    %dma_wait3A_425 = arith.constant 0 : i32
    %dma_wait3A_426 = arith.constant 0 : i32
    %dma_wait3A_427 = tpu.memref_slice %arg8[%dma_wait3A_425, %dma_wait3A_426] : memref<32x513xf32, #tpu.memory_space<vmem>> -> memref<8x128xf32, #tpu.memory_space<vmem>>
    %dma_wait3A_428 = arith.constant 0 : i32
    %dma_wait3A_429 = arith.constant 0 : i32
    %dma_wait3A_430 = tpu.memref_slice %arg4[%dma_wait3A_422, %dma_wait3A_423, %dma_wait3A_424, %dma_wait3A_428, %dma_wait3A_429] : memref<50x4x128x8x128xf32, #tpu.memory_space<hbm>> -> memref<1x1x1x8x128xf32, #tpu.memory_space<hbm>>
    %dma_wait3A_431 = tpu.memref_squeeze %dma_wait3A_430 : memref<1x1x1x8x128xf32, #tpu.memory_space<hbm>> -> memref<8x128xf32, #tpu.memory_space<hbm>>
    %dma_wait3A_432 = arith.constant 0 : i32
    %dma_wait3A_433 = arith.constant 0 : i32
    %dma_wait3A_434 = tpu.memref_slice %arg4[%dma_wait3A_422, %dma_wait3A_423, %dma_wait3A_424, %dma_wait3A_432, %dma_wait3A_433] : memref<50x4x128x8x128xf32, #tpu.memory_space<hbm>> -> memref<1x1x1x8x128xf32, #tpu.memory_space<hbm>>
    %dma_wait3A_435 = tpu.memref_squeeze %dma_wait3A_434 : memref<1x1x1x8x128xf32, #tpu.memory_space<hbm>> -> memref<8x128xf32, #tpu.memory_space<hbm>>
    %dma_wait3A_436 = arith.constant 0 : i32
    %dma_wait3A_437 = arith.constant 0 : i32
    %dma_wait3A_438 = tpu.memref_slice %arg8[%dma_wait3A_436, %dma_wait3A_437] : memref<32x513xf32, #tpu.memory_space<vmem>> -> memref<8x128xf32, #tpu.memory_space<vmem>>
    tpu.wait_dma2 semaphore(%arg11 : memref<!tpu.dma_semaphore, #tpu.memory_space<semaphore_mem>>) src(%dma_wait3A_438 : memref<8x128xf32, #tpu.memory_space<vmem>>) dst(%dma_wait3A_435 : memref<8x128xf32, #tpu.memory_space<hbm>>)
    %dma_wait3A_439 = arith.constant 0 : i32
    %dma_wait3A_440 = arith.constant 0 : i32
    %dma_wait3A_441 = arith.constant 0 : i32
    %dma_wait3A_442 = arith.constant 0 : i32
    %dma_wait3A_443 = arith.constant 0 : i32
    %dma_wait3A_444 = tpu.memref_slice %arg8[%dma_wait3A_442, %dma_wait3A_443] : memref<32x513xf32, #tpu.memory_space<vmem>> -> memref<8x128xf32, #tpu.memory_space<vmem>>
    %dma_wait3A_445 = arith.constant 0 : i32
    %dma_wait3A_446 = arith.constant 0 : i32
    %dma_wait3A_447 = tpu.memref_slice %arg4[%dma_wait3A_439, %dma_wait3A_440, %dma_wait3A_441, %dma_wait3A_445, %dma_wait3A_446] : memref<50x4x128x8x128xf32, #tpu.memory_space<hbm>> -> memref<1x1x1x8x128xf32, #tpu.memory_space<hbm>>
    %dma_wait3A_448 = tpu.memref_squeeze %dma_wait3A_447 : memref<1x1x1x8x128xf32, #tpu.memory_space<hbm>> -> memref<8x128xf32, #tpu.memory_space<hbm>>
    %dma_wait3A_449 = arith.constant 0 : i32
    %dma_wait3A_450 = arith.constant 0 : i32
    %dma_wait3A_451 = tpu.memref_slice %arg4[%dma_wait3A_439, %dma_wait3A_440, %dma_wait3A_441, %dma_wait3A_449, %dma_wait3A_450] : memref<50x4x128x8x128xf32, #tpu.memory_space<hbm>> -> memref<1x1x1x8x128xf32, #tpu.memory_space<hbm>>
    %dma_wait3A_452 = tpu.memref_squeeze %dma_wait3A_451 : memref<1x1x1x8x128xf32, #tpu.memory_space<hbm>> -> memref<8x128xf32, #tpu.memory_space<hbm>>
    %dma_wait3A_453 = arith.constant 0 : i32
    %dma_wait3A_454 = arith.constant 0 : i32
    %dma_wait3A_455 = tpu.memref_slice %arg8[%dma_wait3A_453, %dma_wait3A_454] : memref<32x513xf32, #tpu.memory_space<vmem>> -> memref<8x128xf32, #tpu.memory_space<vmem>>
    tpu.wait_dma2 semaphore(%arg11 : memref<!tpu.dma_semaphore, #tpu.memory_space<semaphore_mem>>) src(%dma_wait3A_455 : memref<8x128xf32, #tpu.memory_space<vmem>>) dst(%dma_wait3A_452 : memref<8x128xf32, #tpu.memory_space<hbm>>)
    %dma_wait3A_456 = arith.constant 0 : i32
    %dma_wait3A_457 = arith.constant 0 : i32
    %dma_wait3A_458 = arith.constant 0 : i32
    %dma_wait3A_459 = arith.constant 0 : i32
    %dma_wait3A_460 = arith.constant 0 : i32
    %dma_wait3A_461 = tpu.memref_slice %arg8[%dma_wait3A_459, %dma_wait3A_460] : memref<32x513xf32, #tpu.memory_space<vmem>> -> memref<8x128xf32, #tpu.memory_space<vmem>>
    %dma_wait3A_462 = arith.constant 0 : i32
    %dma_wait3A_463 = arith.constant 0 : i32
    %dma_wait3A_464 = tpu.memref_slice %arg4[%dma_wait3A_456, %dma_wait3A_457, %dma_wait3A_458, %dma_wait3A_462, %dma_wait3A_463] : memref<50x4x128x8x128xf32, #tpu.memory_space<hbm>> -> memref<1x1x1x8x128xf32, #tpu.memory_space<hbm>>
    %dma_wait3A_465 = tpu.memref_squeeze %dma_wait3A_464 : memref<1x1x1x8x128xf32, #tpu.memory_space<hbm>> -> memref<8x128xf32, #tpu.memory_space<hbm>>
    %dma_wait3A_466 = arith.constant 0 : i32
    %dma_wait3A_467 = arith.constant 0 : i32
    %dma_wait3A_468 = tpu.memref_slice %arg4[%dma_wait3A_456, %dma_wait3A_457, %dma_wait3A_458, %dma_wait3A_466, %dma_wait3A_467] : memref<50x4x128x8x128xf32, #tpu.memory_space<hbm>> -> memref<1x1x1x8x128xf32, #tpu.memory_space<hbm>>
    %dma_wait3A_469 = tpu.memref_squeeze %dma_wait3A_468 : memref<1x1x1x8x128xf32, #tpu.memory_space<hbm>> -> memref<8x128xf32, #tpu.memory_space<hbm>>
    %dma_wait3A_470 = arith.constant 0 : i32
    %dma_wait3A_471 = arith.constant 0 : i32
    %dma_wait3A_472 = tpu.memref_slice %arg8[%dma_wait3A_470, %dma_wait3A_471] : memref<32x513xf32, #tpu.memory_space<vmem>> -> memref<8x128xf32, #tpu.memory_space<vmem>>
    tpu.wait_dma2 semaphore(%arg11 : memref<!tpu.dma_semaphore, #tpu.memory_space<semaphore_mem>>) src(%dma_wait3A_472 : memref<8x128xf32, #tpu.memory_space<vmem>>) dst(%dma_wait3A_469 : memref<8x128xf32, #tpu.memory_space<hbm>>)
    %dma_wait3A_473 = arith.constant 0 : i32
    %dma_wait3A_474 = arith.constant 0 : i32
    %dma_wait3A_475 = arith.constant 0 : i32
    %dma_wait3A_476 = arith.constant 0 : i32
    %dma_wait3A_477 = arith.constant 0 : i32
    %dma_wait3A_478 = tpu.memref_slice %arg8[%dma_wait3A_476, %dma_wait3A_477] : memref<32x513xf32, #tpu.memory_space<vmem>> -> memref<8x128xf32, #tpu.memory_space<vmem>>
    %dma_wait3A_479 = arith.constant 0 : i32
    %dma_wait3A_480 = arith.constant 0 : i32
    %dma_wait3A_481 = tpu.memref_slice %arg4[%dma_wait3A_473, %dma_wait3A_474, %dma_wait3A_475, %dma_wait3A_479, %dma_wait3A_480] : memref<50x4x128x8x128xf32, #tpu.memory_space<hbm>> -> memref<1x1x1x8x128xf32, #tpu.memory_space<hbm>>
    %dma_wait3A_482 = tpu.memref_squeeze %dma_wait3A_481 : memref<1x1x1x8x128xf32, #tpu.memory_space<hbm>> -> memref<8x128xf32, #tpu.memory_space<hbm>>
    %dma_wait3A_483 = arith.constant 0 : i32
    %dma_wait3A_484 = arith.constant 0 : i32
    %dma_wait3A_485 = tpu.memref_slice %arg4[%dma_wait3A_473, %dma_wait3A_474, %dma_wait3A_475, %dma_wait3A_483, %dma_wait3A_484] : memref<50x4x128x8x128xf32, #tpu.memory_space<hbm>> -> memref<1x1x1x8x128xf32, #tpu.memory_space<hbm>>
    %dma_wait3A_486 = tpu.memref_squeeze %dma_wait3A_485 : memref<1x1x1x8x128xf32, #tpu.memory_space<hbm>> -> memref<8x128xf32, #tpu.memory_space<hbm>>
    %dma_wait3A_487 = arith.constant 0 : i32
    %dma_wait3A_488 = arith.constant 0 : i32
    %dma_wait3A_489 = tpu.memref_slice %arg8[%dma_wait3A_487, %dma_wait3A_488] : memref<32x513xf32, #tpu.memory_space<vmem>> -> memref<8x128xf32, #tpu.memory_space<vmem>>
    tpu.wait_dma2 semaphore(%arg11 : memref<!tpu.dma_semaphore, #tpu.memory_space<semaphore_mem>>) src(%dma_wait3A_489 : memref<8x128xf32, #tpu.memory_space<vmem>>) dst(%dma_wait3A_486 : memref<8x128xf32, #tpu.memory_space<hbm>>)
    %dma_wait3A_490 = arith.constant 0 : i32
    %dma_wait3A_491 = arith.constant 0 : i32
    %dma_wait3A_492 = arith.constant 0 : i32
    %dma_wait3A_493 = arith.constant 0 : i32
    %dma_wait3A_494 = arith.constant 0 : i32
    %dma_wait3A_495 = tpu.memref_slice %arg8[%dma_wait3A_493, %dma_wait3A_494] : memref<32x513xf32, #tpu.memory_space<vmem>> -> memref<8x128xf32, #tpu.memory_space<vmem>>
    %dma_wait3A_496 = arith.constant 0 : i32
    %dma_wait3A_497 = arith.constant 0 : i32
    %dma_wait3A_498 = tpu.memref_slice %arg4[%dma_wait3A_490, %dma_wait3A_491, %dma_wait3A_492, %dma_wait3A_496, %dma_wait3A_497] : memref<50x4x128x8x128xf32, #tpu.memory_space<hbm>> -> memref<1x1x1x8x128xf32, #tpu.memory_space<hbm>>
    %dma_wait3A_499 = tpu.memref_squeeze %dma_wait3A_498 : memref<1x1x1x8x128xf32, #tpu.memory_space<hbm>> -> memref<8x128xf32, #tpu.memory_space<hbm>>
    %dma_wait3A_500 = arith.constant 0 : i32
    %dma_wait3A_501 = arith.constant 0 : i32
    %dma_wait3A_502 = tpu.memref_slice %arg4[%dma_wait3A_490, %dma_wait3A_491, %dma_wait3A_492, %dma_wait3A_500, %dma_wait3A_501] : memref<50x4x128x8x128xf32, #tpu.memory_space<hbm>> -> memref<1x1x1x8x128xf32, #tpu.memory_space<hbm>>
    %dma_wait3A_503 = tpu.memref_squeeze %dma_wait3A_502 : memref<1x1x1x8x128xf32, #tpu.memory_space<hbm>> -> memref<8x128xf32, #tpu.memory_space<hbm>>
    %dma_wait3A_504 = arith.constant 0 : i32
    %dma_wait3A_505 = arith.constant 0 : i32
    %dma_wait3A_506 = tpu.memref_slice %arg8[%dma_wait3A_504, %dma_wait3A_505] : memref<32x513xf32, #tpu.memory_space<vmem>> -> memref<8x128xf32, #tpu.memory_space<vmem>>
    tpu.wait_dma2 semaphore(%arg11 : memref<!tpu.dma_semaphore, #tpu.memory_space<semaphore_mem>>) src(%dma_wait3A_506 : memref<8x128xf32, #tpu.memory_space<vmem>>) dst(%dma_wait3A_503 : memref<8x128xf32, #tpu.memory_space<hbm>>)
    %dma_wait3A_507 = arith.constant 0 : i32
    %dma_wait3A_508 = arith.constant 0 : i32
    %dma_wait3A_509 = arith.constant 0 : i32
    %dma_wait3A_510 = arith.constant 0 : i32
    %dma_wait3A_511 = arith.constant 0 : i32
    %dma_wait3A_512 = tpu.memref_slice %arg8[%dma_wait3A_510, %dma_wait3A_511] : memref<32x513xf32, #tpu.memory_space<vmem>> -> memref<8x128xf32, #tpu.memory_space<vmem>>
    %dma_wait3A_513 = arith.constant 0 : i32
    %dma_wait3A_514 = arith.constant 0 : i32
    %dma_wait3A_515 = tpu.memref_slice %arg4[%dma_wait3A_507, %dma_wait3A_508, %dma_wait3A_509, %dma_wait3A_513, %dma_wait3A_514] : memref<50x4x128x8x128xf32, #tpu.memory_space<hbm>> -> memref<1x1x1x8x128xf32, #tpu.memory_space<hbm>>
    %dma_wait3A_516 = tpu.memref_squeeze %dma_wait3A_515 : memref<1x1x1x8x128xf32, #tpu.memory_space<hbm>> -> memref<8x128xf32, #tpu.memory_space<hbm>>
    %dma_wait3A_517 = arith.constant 0 : i32
    %dma_wait3A_518 = arith.constant 0 : i32
    %dma_wait3A_519 = tpu.memref_slice %arg4[%dma_wait3A_507, %dma_wait3A_508, %dma_wait3A_509, %dma_wait3A_517, %dma_wait3A_518] : memref<50x4x128x8x128xf32, #tpu.memory_space<hbm>> -> memref<1x1x1x8x128xf32, #tpu.memory_space<hbm>>
    %dma_wait3A_520 = tpu.memref_squeeze %dma_wait3A_519 : memref<1x1x1x8x128xf32, #tpu.memory_space<hbm>> -> memref<8x128xf32, #tpu.memory_space<hbm>>
    %dma_wait3A_521 = arith.constant 0 : i32
    %dma_wait3A_522 = arith.constant 0 : i32
    %dma_wait3A_523 = tpu.memref_slice %arg8[%dma_wait3A_521, %dma_wait3A_522] : memref<32x513xf32, #tpu.memory_space<vmem>> -> memref<8x128xf32, #tpu.memory_space<vmem>>
    tpu.wait_dma2 semaphore(%arg11 : memref<!tpu.dma_semaphore, #tpu.memory_space<semaphore_mem>>) src(%dma_wait3A_523 : memref<8x128xf32, #tpu.memory_space<vmem>>) dst(%dma_wait3A_520 : memref<8x128xf32, #tpu.memory_space<hbm>>)
    %dma_wait3A_524 = arith.constant 0 : i32
    %dma_wait3A_525 = arith.constant 0 : i32
    %dma_wait3A_526 = arith.constant 0 : i32
    %dma_wait3A_527 = arith.constant 0 : i32
    %dma_wait3A_528 = arith.constant 0 : i32
    %dma_wait3A_529 = tpu.memref_slice %arg8[%dma_wait3A_527, %dma_wait3A_528] : memref<32x513xf32, #tpu.memory_space<vmem>> -> memref<8x128xf32, #tpu.memory_space<vmem>>
    %dma_wait3A_530 = arith.constant 0 : i32
    %dma_wait3A_531 = arith.constant 0 : i32
    %dma_wait3A_532 = tpu.memref_slice %arg4[%dma_wait3A_524, %dma_wait3A_525, %dma_wait3A_526, %dma_wait3A_530, %dma_wait3A_531] : memref<50x4x128x8x128xf32, #tpu.memory_space<hbm>> -> memref<1x1x1x8x128xf32, #tpu.memory_space<hbm>>
    %dma_wait3A_533 = tpu.memref_squeeze %dma_wait3A_532 : memref<1x1x1x8x128xf32, #tpu.memory_space<hbm>> -> memref<8x128xf32, #tpu.memory_space<hbm>>
    %dma_wait3A_534 = arith.constant 0 : i32
    %dma_wait3A_535 = arith.constant 0 : i32
    %dma_wait3A_536 = tpu.memref_slice %arg4[%dma_wait3A_524, %dma_wait3A_525, %dma_wait3A_526, %dma_wait3A_534, %dma_wait3A_535] : memref<50x4x128x8x128xf32, #tpu.memory_space<hbm>> -> memref<1x1x1x8x128xf32, #tpu.memory_space<hbm>>
    %dma_wait3A_537 = tpu.memref_squeeze %dma_wait3A_536 : memref<1x1x1x8x128xf32, #tpu.memory_space<hbm>> -> memref<8x128xf32, #tpu.memory_space<hbm>>
    %dma_wait3A_538 = arith.constant 0 : i32
    %dma_wait3A_539 = arith.constant 0 : i32
    %dma_wait3A_540 = tpu.memref_slice %arg8[%dma_wait3A_538, %dma_wait3A_539] : memref<32x513xf32, #tpu.memory_space<vmem>> -> memref<8x128xf32, #tpu.memory_space<vmem>>
    tpu.wait_dma2 semaphore(%arg11 : memref<!tpu.dma_semaphore, #tpu.memory_space<semaphore_mem>>) src(%dma_wait3A_540 : memref<8x128xf32, #tpu.memory_space<vmem>>) dst(%dma_wait3A_537 : memref<8x128xf32, #tpu.memory_space<hbm>>)
    %dma_wait3A_541 = arith.constant 0 : i32
    %dma_wait3A_542 = arith.constant 0 : i32
    %dma_wait3A_543 = arith.constant 0 : i32
    %dma_wait3A_544 = arith.constant 0 : i32
    %dma_wait3A_545 = arith.constant 0 : i32
    %dma_wait3A_546 = tpu.memref_slice %arg8[%dma_wait3A_544, %dma_wait3A_545] : memref<32x513xf32, #tpu.memory_space<vmem>> -> memref<8x128xf32, #tpu.memory_space<vmem>>
    %dma_wait3A_547 = arith.constant 0 : i32
    %dma_wait3A_548 = arith.constant 0 : i32
    %dma_wait3A_549 = tpu.memref_slice %arg4[%dma_wait3A_541, %dma_wait3A_542, %dma_wait3A_543, %dma_wait3A_547, %dma_wait3A_548] : memref<50x4x128x8x128xf32, #tpu.memory_space<hbm>> -> memref<1x1x1x8x128xf32, #tpu.memory_space<hbm>>
    %dma_wait3A_550 = tpu.memref_squeeze %dma_wait3A_549 : memref<1x1x1x8x128xf32, #tpu.memory_space<hbm>> -> memref<8x128xf32, #tpu.memory_space<hbm>>
    %dma_wait3A_551 = arith.constant 0 : i32
    %dma_wait3A_552 = arith.constant 0 : i32
    %dma_wait3A_553 = tpu.memref_slice %arg4[%dma_wait3A_541, %dma_wait3A_542, %dma_wait3A_543, %dma_wait3A_551, %dma_wait3A_552] : memref<50x4x128x8x128xf32, #tpu.memory_space<hbm>> -> memref<1x1x1x8x128xf32, #tpu.memory_space<hbm>>
    %dma_wait3A_554 = tpu.memref_squeeze %dma_wait3A_553 : memref<1x1x1x8x128xf32, #tpu.memory_space<hbm>> -> memref<8x128xf32, #tpu.memory_space<hbm>>
    %dma_wait3A_555 = arith.constant 0 : i32
    %dma_wait3A_556 = arith.constant 0 : i32
    %dma_wait3A_557 = tpu.memref_slice %arg8[%dma_wait3A_555, %dma_wait3A_556] : memref<32x513xf32, #tpu.memory_space<vmem>> -> memref<8x128xf32, #tpu.memory_space<vmem>>
    tpu.wait_dma2 semaphore(%arg11 : memref<!tpu.dma_semaphore, #tpu.memory_space<semaphore_mem>>) src(%dma_wait3A_557 : memref<8x128xf32, #tpu.memory_space<vmem>>) dst(%dma_wait3A_554 : memref<8x128xf32, #tpu.memory_space<hbm>>)
    return
  }
}

</mosaic_0001>

<sc_bundles>
// kernel: kernel.3.cloned.1.call-start
scs
__scs_entry_jumppad:
0x0: {  	(pc) =	sbr.rel $0x88, $3  }
0x1: {  	(tag) =	ssettag $0x0;
	lr =	simm.s32 $0x1  }
0x2: {  	[smem:$0x3F9F] =	sst lr;
	_ =	strace $0xD0000000  }
0x3: {  	_ = 	snop  }
0x4: {  	_ = 	snop  }
0x5: {  	_ = 	snop  }
0x6: {  	_ = 	snop  }
0x7: {  	_ = 	snop  }
__scs_overlays_trampoline_lowered:
0x8: {  	[smem:$0x3FAE] =	sst s0  }
0x9: {  	[smem:$0x3FAF] =	sst s1  }
0xa: {  	[smem:$0x3FB0] =	sst s2  }
0xb: {  	[smem:$0x3FB1] =	sst s3  }
0xc: {  	[smem:$0x3FB2] =	sst s4  }
0xd: {  	[smem:$0x3FB3] =	sst s5  }
0xe: {  	[smem:$0x3FB4] =	sst s6  }
0xf: {  	[smem:$0x3FB5] =	sst s7  }
0x10: {  	[smem:$0x3FB6] =	sst s8  }
0x11: {  	[smem:$0x3FB7] =	sst s9;
	s0 =	simm.s32 @!p0 $0x0  }
0x12: {  	s1 =	sld [smem:$0x3F9D];
	s0 =	simm.s32 @p0 $0x1  }
0x13: {  	[smem:$0x3FB8] =	sst s0;
	s0 =	simm.s32 @!p1 $0x0  }
0x14: {  	s2 =	sld [smem:$0x3F9C];
	s0 =	simm.s32 @p1 $0x1  }
0x15: {  	[smem:$0x3FB9] =	sst s0;
	s0 =	simm.s32 @!p2 $0x0  }
0x16: {  	s3 =	sld [smem:$0x3FDB];
	s0 =	simm.s32 @p2 $0x1  }
0x17: {  	s4 =	simm.s32 $0x1BF5;
	[smem:$0x3FBB] =	sst s0  }
0x18: {  	s0 =	sld [smem:$0x3F9E];
	_ =	swait.ge [sflag:s4], $0x0  }
0x19: {  	s7 =	sld [smem:$0x3F9F]  }
0x1a: {  	s8 =	sadd.s32 $0xFFFFE003, lr  }
0x1b: {  	s9 =	sadd.s32 $0xFFFFFEF7, lr;
	s5 =	simm.s32 $0xFFFFFFFF;
	p2 =	slt.u32 s8, $0xFFFFF086  }
0x1c: {  	p1 =	slt.u32 s9, $0xF7A;
	s5 =	simm.s32 @!p2 $0x0  }
0x1d: {  	s5 =	simm.s32 @p1 $0x1;
	p0 =	seq.s32 s7, s2  }
0x1e: {  	s7 =	smul.u32 @!p0 $0xF7A, s2;
	p2 =	seq.s32 @!p0 s5, $0x0  }
0x1f: {  	s9 =	smul.u32 $0xF7A, s1;
	s8 =	simm.s32 @!p0 $0x1BF5;
	p2 =	por !p2, p0  }
0x20: {  	[sflag:s8] =	ssyncset.s32 @!p0 $0xFFFFF086;
	s6 =	sadd.s32 @!p0 s3, s7;
	s7 =	simm.s32 @!p0 $0x108  }
0x21: {  	s3 =	sadd.s32 s3, s9;
	s6 =	sadd.s32 @!p0 $0x88, s6;
	s7 =	simm.s32 @p2 $0x1082  }
0x22: {  	[simem:s7], [sflag:s8] =	dma.local @!p0 [hbm:s6], $0xF7A  }
0x23: {  	s9 =	sor.u32 $0xD0000000, s2;
	s6 =	simm.s32 $0x108;
	_ =	swait.ge @!p0 [sflag:s8], $0x0  }
0x24: {  	s3 =	sadd.s32 $0x88, s3;
	s6 =	simm.s32 @!p1 $0x1082;
	[sflag:s4] =	ssyncset.s32 $0xFFFFF086  }
0x25: {  	[simem:s6], [sflag:s4] =	dma.local [hbm:s3], $0xF7A  }
0x26: {  	[smem:$0x3F9F] =	sst s1;
	(tag) =	ssettag s2;
	_ =	strace s9  }
0x27: {  	s1 =	sld [smem:$0x3FAF]  }
0x28: {  	s2 =	sld [smem:$0x3FB0]  }
0x29: {  	s4 =	sld [smem:$0x3FB2]  }
0x2a: {  	p0 =	seq.s32 s5, $0x0;
	s5 =	sld [smem:$0x3FB3]  }
0x2b: {  	s6 =	sld [smem:$0x3FB4]  }
0x2c: {  	s7 =	sld [smem:$0x3FB5]  }
0x2d: {  	s3 =	simm.s32 $0x108;
	s8 =	sld [smem:$0x3FB6]  }
0x2e: {  	s3 =	simm.s32 @!p0 $0x1082;
	s9 =	sld [smem:$0x3FB7]  }
0x2f: {  	lr =	sadd.s32 s0, s3;
	s0 =	sld [smem:$0x3FAE]  }
0x30: {  	s3 =	sld [smem:$0x3FB1]  }
0x31: {  	[smem:$0x3FBA] =	sst s10  }
0x32: {  	s10 =	sld [smem:$0x3FB8];
	_ =	sdelay $0x3  }
0x33: {  	p0 =	seq.s32 s10, $0x1;
	s10 =	sld [smem:$0x3FBA];
	_ =	sdelay $0x3  }
0x34: {  	[smem:$0x3FBA] =	sst s10  }
0x35: {  	s10 =	sld [smem:$0x3FB9];
	_ =	sdelay $0x3  }
0x36: {  	p1 =	seq.s32 s10, $0x1;
	s10 =	sld [smem:$0x3FBA];
	_ =	sdelay $0x3  }
0x37: {  	[smem:$0x3FBA] =	sst s10  }
0x38: {  	s10 =	sld [smem:$0x3FBB]  }
0x39: {  	_ = 	snop;
	(pc) =	sbr.ind lr, $3  }
0x3a: {  	_ = 	snop  }
0x3b: {  	_ = 	snop  }
0x3c: {  	p2 =	seq.s32 s10, $0x1;
	s10 =	sld [smem:$0x3FBA]  }
0x3d: {  	_ =	shalt  }
0x3e: {  	_ =	shalt  }
0x3f: {  	_ =	shalt  }
0x40: {  	_ =	shalt  }
0x41: {  	_ =	shalt  }
0x42: {  	_ =	shalt  }
0x43: {  	_ =	shalt  }
0x44: {  	_ =	shalt  }
0x45: {  	_ =	shalt  }
0x46: {  	_ =	shalt  }
0x47: {  	_ =	shalt  }
0x48: {  	_ =	shalt  }
0x49: {  	_ =	shalt  }
0x4a: {  	_ =	shalt  }
0x4b: {  	_ =	shalt  }
0x4c: {  	_ =	shalt  }
0x4d: {  	_ =	shalt  }
0x4e: {  	_ =	shalt  }
0x4f: {  	_ =	shalt  }
0x50: {  	_ =	shalt  }
0x51: {  	_ =	shalt  }
0x52: {  	_ =	shalt  }
0x53: {  	_ =	shalt  }
0x54: {  	_ =	shalt  }
0x55: {  	_ =	shalt  }
0x56: {  	_ =	shalt  }
0x57: {  	_ =	shalt  }
0x58: {  	_ =	shalt  }
0x59: {  	_ =	shalt  }
0x5a: {  	_ =	shalt  }
0x5b: {  	_ =	shalt  }
0x5c: {  	_ =	shalt  }
0x5d: {  	_ =	shalt  }
0x5e: {  	_ =	shalt  }
0x5f: {  	_ =	shalt  }
0x60: {  	_ =	shalt  }
0x61: {  	_ =	shalt  }
0x62: {  	_ =	shalt  }
0x63: {  	_ =	shalt  }
0x64: {  	_ =	shalt  }
0x65: {  	_ =	shalt  }
0x66: {  	_ =	shalt  }
0x67: {  	_ =	shalt  }
0x68: {  	_ =	shalt  }
0x69: {  	_ =	shalt  }
0x6a: {  	_ =	shalt  }
0x6b: {  	_ =	shalt  }
0x6c: {  	_ =	shalt  }
0x6d: {  	_ =	shalt  }
0x6e: {  	_ =	shalt  }
0x6f: {  	_ =	shalt  }
0x70: {  	_ =	shalt  }
0x71: {  	_ =	shalt  }
0x72: {  	_ =	shalt  }
0x73: {  	_ =	shalt  }
0x74: {  	_ =	shalt  }
0x75: {  	_ =	shalt  }
0x76: {  	_ =	shalt  }
0x77: {  	_ =	shalt  }
0x78: {  	_ =	shalt  }
0x79: {  	_ =	shalt  }
0x7a: {  	_ =	shalt  }
0x7b: {  	_ =	shalt  }
0x7c: {  	_ =	shalt  }
0x7d: {  	_ =	shalt  }
0x7e: {  	_ =	shalt  }
0x7f: {  	_ =	shalt  }
0x80: {  	_ =	shalt  }
0x81: {  	_ =	shalt  }
0x82: {  	_ =	shalt  }
0x83: {  	_ =	shalt  }
0x84: {  	_ =	shalt  }
0x85: {  	_ =	shalt  }
0x86: {  	_ =	shalt  }
0x87: {  	_ =	shalt  }
.Lfunc_end0:
.L_simem_size_0:
called_computation_lowered:
.L_overlay_start_0:
0x88: {  	s2 =	sld [smem:$0x3FD9]  }
0x89: {  	s3 =	sld [smem:$0x3FFE];
	_ =	sdelay $0x1  }
0x8a: {  	s1 =	srdreg.scid  }
0x8b: {  	s0 =	sand.u32 $0x1, s1  }
0x8c: {  	s17 =	sshll.u32 s0, $0xA;
	s2 =	sadd.s32 s3, s2  }
0x8d: {  	s2 =	sadd.s32 s2, s17  }
0x8e: {  	[smem:$0x3FC6] =	sst s2  }
0x8f: {  	_ = 	snop  }
0x90: {  	s2 =	sld [smem:$0x3FD0];
	(tm) =	ssettm $0x1  }
0x91: {  	s18 =	sld [smem:$0x3FFB];
	_ =	sdelay $0x3  }
0x92: {  	_ =	strace s18  }
0x93: {  	s3 =	sld [smem:$0x3FFC];
	_ =	sdelay $0x3  }
0x94: {  	_ =	strace s3  }
0x95: {  	s3 =	sld [smem:$0x3FFD];
	_ =	sdelay $0x3  }
0x96: {  	_ =	strace s3  }
0x97: {  	_ =	strace $0x8FFFFFFF  }
0x98: {  	s19 =	sld [smem:$0x3FDB];
	_ =	sdelay $0x1  }
0x99: {  	s4 =	simm.s32 $_scs_section_size  }
0x9a: {  	s5 =	simm.s32 $_size__tile_overlayer_lowered;
	s6 =	simm.s32 $_tile_overlayer_lowered  }
0x9b: {  	s22 =	simm.s32 $0x1BFF;
	s21 =	sshll.u32 s6, $0x1;
	s3 =	sadd.s32 s4, s19  }
0x9c: {  	s7 =	simm.s32 $0x0;
	s20 =	sshll.u32 s5, $0x1;
	s5 =	sadd.s32 s21, s3  }
0x9d: {  	[timem:s7], [sflag:s22] =	dma.local [hbm:s5], s20  }
0x9e: {  	_ =	swait.ge [sflag:s22], s20  }
0x9f: {  	s4 =	ssub.s32 $0x0, s20;
	[sflag:s22] =	ssyncset.done $0x0  }
0xa0: {  	[sflag:s22] =	ssyncadd.s32 s4;
	_ =	sdelay $0x1  }
0xa1: {  	s23 =	simm.s32 $0x1B8B  }
0xa2: {  	_ =	swait.ge [sflag:s23], $0x1  }
0xa3: {  	[sflag:s23] =	ssyncset.done $0x0  }
0xa4: {  	s25 =	simm.s32 $0x1B8E;
	s24 =	sld [smem:$0x3FFE];
	[sflag:s23] =	ssyncadd.s32 $0xFFFFFFFF  }
0xa5: {  	s26 =	simm.s32 $execute0_lowered;
	[smem:$0x3FD2] =	sst s25  }
0xa6: {  	s5 =	sshll.u32 s26, $0x1;
	_ =	strace $0x80000046;
	[dreg:$0x1] =	wrdreg $0xFFFFFFFF  }
0xa7: {  	s28 =	simm.s32 $_size_execute0_lowered;
	s3 =	sadd.s32 s3, s5;
	[dreg:$0x0] =	wrdreg $0x0  }
0xa8: {  	s5 =	sshll.u32 s28, $0x1;
	[dreg:$0x2] =	wrdreg s3  }
0xa9: {  	[dreg:$0x3] =	wrdreg s5  }
0xaa: {  	[dreg:$0x4] =	wrdreg $0xC0  }
0xab: {  	_ =	task [dreg:s7], $0x5FFFF  }
0xac: {  	[dreg:$0x1] =	wrdreg $0xFFFFFFFF  }
0xad: {  	[dreg:$0x0] =	wrdreg $0x60  }
0xae: {  	[dreg:$0x2] =	wrdreg s24  }
0xaf: {  	[dreg:$0x3] =	wrdreg s2  }
0xb0: {  	[dreg:$0x4] =	wrdreg $0x9  }
0xb1: {  	_ =	task.clear_ibuf [dreg:s7], $0x5FFFF;
	_ =	strace $0x90000046  }
0xb2: {  	s29 =	simm.s32 $0x9;
	_ =	strace $0x80000048  }
0xb3: {  	_ =	swait.ge [sflag:s29], $0x1  }
0xb4: {  	[sflag:s29] =	ssyncadd.s32 $0xFFFFFFFF  }
0xb5: {  	_ =	strace $0x90000048  }
0xb6: {  	_ =	sfence  }
0xb7: {  	s30 =	sld [smem:$0x0];
	_ =	sdelay $0x2  }
0xb8: {  	s31 =	sshll.u32 s1, $0xD;
	s1 =	sshrl.u32 s1, $0x2  }
0xb9: {  	s3 =	sand.u32 $0x4000, s31;
	s1 =	sadd.s32 s1, s30  }
0xba: {  	s0 =	sor.u32 s3, s0;
	s1 =	sshll.u32 s1, $0x11  }
0xbb: {  	s0 =	sor.u32 s1, s0  }
0xbc: {  	s0 =	sadd.s32 $0x8F2B, s0  }
0xbd: {  	[sflag:s0] =	ssyncadd.remote.s32 $0x1  }
0xbe: {  	_ =	sfence.sel $0xFFFF  }
0xbf: {  	[dreg:$0x0] =	wrdreg $0xFFFFFFFF;
	(pc) =	sbr.abs _section_cstart, $3  }
0xc0: {  	[dreg:$0x1] =	wrdreg $0xFFFFFFFF  }
0xc1: {  	_ =	task.clear_ibuf [dreg:s7], $0x2FFFF;
	_ =	strace $0x9FFFFFFF  }
0xc2: {  	(tm) =	ssettm $0x7FFFFFFF  }
0xc3: {  	_ =	shalt  }
tec
execute0_lowered:
.L_overlay_start_1:
0x0: {  	(tag) =	ssettag $0x1  }
0x1: {  	s0 =	rddreg [dreg:$0x0];
	s1 =	srdreg.scid  }
0x2: {  	s3 =	stileid.u32;
	s2 =	rddreg [dreg:$0x1]  }
0x3: {  	s17 =	simm.s32 $0x1;
	s19 =	simm.s32 $0xE400;
	s13 =	simm.s32 $0x12500  }
0x4: {  	s29 =	simm.s32 $0x15740;
	s30 =	simm.s32 $0x15948;
	s31 =	simm.s32 $0x15B50  }
0x5: {  	s16 =	simm.s32 $0x16168;
	s14 =	simm.s32 $0x16578;
	s18 =	simm.s32 $0x2  }
0x6: {  	s20 =	simm.s32 $0x0;
	s1 =	sand.u32 $0x1, s1;
	s4 =	sshll.u32 s3, $0x1  }
0x7: {  	s3 =	simm.s32 $0x0;
	s10 =	sadd.s32 $0x4000, s2;
	s11 =	sadd.s32 $0x8000, s2  }
0x8: {  	s12 =	sadd.s32 $0xC000, s2;
	s5 =	sor.u32 s1, s4;
	s1 =	ssub.s32 $0x2, s1  }
0x9: {  	[smem:$0x7FF] =	sst s3;
	s6 =	smul.u32 $0xC80, s5;
	s26 =	sshrl.u32 s1, $0x1  }
0xa: {  	s4 =	sadd.s32 $0xF42A00, s0;
	_ =	strace $0x80000047;
	s1 =	ssub.s32 s1, s26  }
0xb: {  	v0 =	vlaneseq.u32;
	s0 =	sadd.s32 s6, s0;
	s6 =	sshll.u32 s5, $0xC;
	s28 =	smax.u32 s1, $0x1  }
0xc: {  	v0 =	vmul.u32 $0x208, v0;
	s1 =	simm.s32 $0x15D58;
	s5 =	simm.s32 $0x16370;
	s0 =	sadd.s32 $0x600, s0  }
0xd: {  	s7 =	sor.u32 $0x400, s6;
	s8 =	sor.u32 $0x800, s6;
	[dreg:$0x4] =	wrdreg s28  }
0xe: {  	v1 =	vadd.s32 $0x2080, v0;
	s9 =	sor.u32 $0xC00, s6;
	[dreg:$0x3] =	wrdreg s0;
	s0 =	simm.s32 $0x15F60  }
.LBB2_1:
0xf: {  	[dreg:$0x5] =	wrdreg s20  }
0x10: {  	s15 =	rddreg [dreg:$0x3];
	s25 =	simm.s32 $0x3  }
0x11: {  	[tilespmem:s3], [sflag:$0x3] =	stream.linear.gather [hbm4b:s15+s3], $0x6400, $0x38;
	[tilespmem:$0x16600] =	vst v63  }
0x12: {  	_ =	swait.ge [sflag:s25], $0x6400  }
0x13: {  	s26 =	simm.s32 $0x200;
	[sflag:s25] =	ssyncset.done $0x0  }
0x14: {  	s28 =	simm.s32 $0x6400;
	s15 =	simm.s32 $0x0;
	[sflag:s25] =	ssyncadd.s32 $0xFFFF9C00  }
0x15: {  	[tilespmem:s28], [sflag:$0x1] =	stream.indirect.gather [hbm4b:s4+s26], $0x20, s3, s26, $0xb8;
	[tilespmem:$0x16600] =	vst v63  }
.LBB2_2:
0x16: {  	_ =	swait.ge [sflag:s17], $0x4000;
	s20 =	sshllo.u32 s15, $0x1;
	s22 =	simm.s32 $0x200  }
0x17: {  	s23 =	simm.s32 $0xA400;
	[sflag:s17] =	ssyncset.done $0x0;
	s21 =	sshll.u32 s20, $0x9  }
0x18: {  	p0 =	seq.s32 s15, $0x0;
	[sflag:s17] =	ssyncadd.s32 $0xFFFFC000;
	s21 =	sand.u32 $0x3FFFFE00, s21  }
0x19: {  	[tilespmem:s23], [sflag:$0x1] =	stream.indirect.gather [hbm4b:s4+s22], $0x20, s21, s22, $0xb8;
	[tilespmem:$0x16600] =	vst v63  }
0x1a: {  	s21 =	simm.s32 @!p0 $0x2  }
0x1b: {  	_ =	swait.ge @!p0 [sflag:s21], $0x400  }
0x1c: {  	[sflag:s21] =	ssyncset.done @!p0 $0x0  }
0x1d: {  	[sflag:s21] =	ssyncadd.s32 @!p0 $0xFFFFFC00  }
0x1e: {  	_ =	swait.ge @!p0 [sflag:s21], $0x400  }
0x1f: {  	[sflag:s21] =	ssyncset.done @!p0 $0x0  }
0x20: {  	[sflag:s21] =	ssyncadd.s32 @!p0 $0xFFFFFC00  }
0x21: {  	_ =	swait.ge @!p0 [sflag:s21], $0x400  }
0x22: {  	[sflag:s21] =	ssyncset.done @!p0 $0x0  }
0x23: {  	[sflag:s21] =	ssyncadd.s32 @!p0 $0xFFFFFC00  }
0x24: {  	_ =	swait.ge @!p0 [sflag:s21], $0x400  }
0x25: {  	[sflag:s21] =	ssyncset.done @!p0 $0x0  }
0x26: {  	[sflag:s21] =	ssyncadd.s32 @!p0 $0xFFFFFC00  }
0x27: {  	_ =	swait.ge @!p0 [sflag:s21], $0x400  }
0x28: {  	[sflag:s21] =	ssyncset.done @!p0 $0x0  }
0x29: {  	[sflag:s21] =	ssyncadd.s32 @!p0 $0xFFFFFC00  }
0x2a: {  	_ =	swait.ge @!p0 [sflag:s21], $0x400  }
0x2b: {  	[sflag:s21] =	ssyncset.done @!p0 $0x0  }
0x2c: {  	[sflag:s21] =	ssyncadd.s32 @!p0 $0xFFFFFC00  }
0x2d: {  	_ =	swait.ge @!p0 [sflag:s21], $0x400  }
0x2e: {  	[sflag:s21] =	ssyncset.done @!p0 $0x0  }
0x2f: {  	[sflag:s21] =	ssyncadd.s32 @!p0 $0xFFFFFC00  }
0x30: {  	_ =	swait.ge @!p0 [sflag:s21], $0x400  }
0x31: {  	[sflag:s21] =	ssyncset.done @!p0 $0x0  }
0x32: {  	[sflag:s21] =	ssyncadd.s32 @!p0 $0xFFFFFC00  }
0x33: {  	_ =	swait.ge @!p0 [sflag:s21], $0x400  }
0x34: {  	[sflag:s21] =	ssyncset.done @!p0 $0x0  }
0x35: {  	[sflag:s21] =	ssyncadd.s32 @!p0 $0xFFFFFC00  }
0x36: {  	_ =	swait.ge @!p0 [sflag:s21], $0x400  }
0x37: {  	[sflag:s21] =	ssyncset.done @!p0 $0x0  }
0x38: {  	[sflag:s21] =	ssyncadd.s32 @!p0 $0xFFFFFC00  }
0x39: {  	_ =	swait.ge @!p0 [sflag:s21], $0x400  }
0x3a: {  	[sflag:s21] =	ssyncset.done @!p0 $0x0  }
0x3b: {  	[sflag:s21] =	ssyncadd.s32 @!p0 $0xFFFFFC00  }
0x3c: {  	_ =	swait.ge @!p0 [sflag:s21], $0x400  }
0x3d: {  	[sflag:s21] =	ssyncset.done @!p0 $0x0  }
0x3e: {  	[sflag:s21] =	ssyncadd.s32 @!p0 $0xFFFFFC00  }
0x3f: {  	_ =	swait.ge @!p0 [sflag:s21], $0x400  }
0x40: {  	[sflag:s21] =	ssyncset.done @!p0 $0x0  }
0x41: {  	[sflag:s21] =	ssyncadd.s32 @!p0 $0xFFFFFC00  }
0x42: {  	_ =	swait.ge @!p0 [sflag:s21], $0x400  }
0x43: {  	[sflag:s21] =	ssyncset.done @!p0 $0x0  }
0x44: {  	[sflag:s21] =	ssyncadd.s32 @!p0 $0xFFFFFC00  }
0x45: {  	_ =	swait.ge @!p0 [sflag:s21], $0x400  }
0x46: {  	[sflag:s21] =	ssyncset.done @!p0 $0x0  }
0x47: {  	[sflag:s21] =	ssyncadd.s32 @!p0 $0xFFFFFC00  }
0x48: {  	s24 =	simm.s32 $0x0;
	_ =	swait.ge @!p0 [sflag:s21], $0x400  }
0x49: {  	v2 =	vmov s24;
	[sflag:s21] =	ssyncset.done @!p0 $0x0  }
0x4a: {  	v2 =	vand.u32 $0x1FC, v2;
	[sflag:s21] =	ssyncadd.s32 @!p0 $0xFFFFFC00;
	s21 =	simm.s32 $0x6440  }
0x4b: {  	v4 =	vadd.s32 v0, v2;
	v3 =	vld [tilespmem:s21+$0xFFFFFFC0]  }
0x4c: {  	v2 =	vadd.s32 v1, v2;
	v5 =	vld [tilespmem:s21+$0xFFFFFFD0];
	_ =	sdelay $0x2  }
0x4d: {  	s25 =	simm.s32 $0x1  }
0x4e: {  	[tilespmem:v4+s19+$0x0] =	vst.idx.msk $0xffff, v3;
	v3 =	vmov s25  }
0x4f: {  	[tilespmem:v2+s19+$0x0] =	vst.idx.msk $0xffff, v5;
	v2 =	vand.u32 $0x1FD, v3  }
0x50: {  	v3 =	vld [tilespmem:s21+$0xFFFFFFE0];
	v4 =	vadd.s32 v0, v2  }
0x51: {  	v5 =	vld [tilespmem:s21+$0xFFFFFFF0];
	v2 =	vadd.s32 v1, v2;
	_ =	sdelay $0x2  }
0x52: {  	s26 =	simm.s32 $0x2  }
0x53: {  	[tilespmem:v4+s19+$0x0] =	vst.idx.msk $0xffff, v3;
	v3 =	vmov s26  }
0x54: {  	[tilespmem:v2+s19+$0x0] =	vst.idx.msk $0xffff, v5;
	v2 =	vand.u32 $0x1FE, v3  }
0x55: {  	v3 =	vld [tilespmem:s21+$0x0];
	v4 =	vadd.s32 v0, v2  }
0x56: {  	v5 =	vld [tilespmem:s21+$0x10];
	v2 =	vadd.s32 v1, v2;
	_ =	sdelay $0x2  }
0x57: {  	s28 =	simm.s32 $0x3  }
0x58: {  	[tilespmem:v4+s19+$0x0] =	vst.idx.msk $0xffff, v3;
	v3 =	vmov s28  }
0x59: {  	[tilespmem:v2+s19+$0x0] =	vst.idx.msk $0xffff, v5;
	v3 =	vand.u32 $0x1FF, v3  }
0x5a: {  	v5 =	vld [tilespmem:s21+$0x20];
	v6 =	vadd.s32 v0, v3;
	_ =	sdelay $0x1  }
0x5b: {  	v2 =	vld [tilespmem:s21+$0x30];
	v3 =	vadd.s32 v1, v3;
	_ =	sdelay $0x1  }
0x5c: {  	s22 =	simm.s32 $0x4  }
0x5d: {  	s23 =	simm.s32 $0x8;
	v4 =	vmov s22;
	[tilespmem:v6+s19+$0x0] =	vst.idx.msk $0xffff, v5  }
.LBB2_3:
0x5e: {  	p0 =	sne.s32 s23, $0x1FC  }
0x5f: {  	v4 =	vand.u32 $0x1FC, v4;
	[tilespmem:v3+s19+$0x0] =	vst.idx.msk $0xffff, v2;
	s21 =	sadd.s32 $0x80, s21;
	s24 =	smov.u32 s23;
	s23 =	sadd.s32 $0x4, s23  }
0x60: {  	v2 =	vld [tilespmem:s21+$0xFFFFFFC0];
	v3 =	vadd.s32 v0, v4  }
0x61: {  	v4 =	vadd.s32 v1, v4;
	v5 =	vld [tilespmem:s21+$0xFFFFFFD0];
	_ =	sdelay $0x2  }
0x62: {  	s25 =	sadd.s32 $0x1, s22  }
0x63: {  	[tilespmem:v3+s19+$0x0] =	vst.idx.msk $0xffff, v2;
	v2 =	vmov s25  }
0x64: {  	[tilespmem:v4+s19+$0x0] =	vst.idx.msk $0xffff, v5;
	v2 =	vand.u32 $0x1FD, v2  }
0x65: {  	v3 =	vld [tilespmem:s21+$0xFFFFFFE0];
	v4 =	vadd.s32 v0, v2  }
0x66: {  	v2 =	vadd.s32 v1, v2;
	v5 =	vld [tilespmem:s21+$0xFFFFFFF0];
	_ =	sdelay $0x2  }
0x67: {  	s25 =	sadd.s32 $0x2, s22  }
0x68: {  	[tilespmem:v4+s19+$0x0] =	vst.idx.msk $0xffff, v3;
	v3 =	vmov s25  }
0x69: {  	[tilespmem:v2+s19+$0x0] =	vst.idx.msk $0xffff, v5;
	v2 =	vand.u32 $0x1FE, v3  }
0x6a: {  	v3 =	vld [tilespmem:s21+$0x0];
	v4 =	vadd.s32 v0, v2  }
0x6b: {  	v2 =	vadd.s32 v1, v2;
	v5 =	vld [tilespmem:s21+$0x10];
	_ =	sdelay $0x2  }
0x6c: {  	s25 =	sadd.s32 $0x3, s22;
	s22 =	smov.u32 s24  }
0x6d: {  	[tilespmem:v4+s19+$0x0] =	vst.idx.msk $0xffff, v3;
	v3 =	vmov s25  }
0x6e: {  	[tilespmem:v2+s19+$0x0] =	vst.idx.msk $0xffff, v5;
	v3 =	vand.u32 $0x1FF, v3  }
0x6f: {  	v5 =	vld [tilespmem:s21+$0x20];
	v6 =	vadd.s32 v0, v3  }
.Ltmp0:
0x70: {  	v3 =	vadd.s32 v1, v3;
	v2 =	vld [tilespmem:s21+$0x30];
	(pc) =	sbr.rel @p0 .LBB2_3-.Ltmp0, $2  }
0x71: {  	_ =	sdelay $0x2  }
0x72: {  	v4 =	vmov s22;
	[tilespmem:v6+s19+$0x0] =	vst.idx.msk $0xffff, v5  }
0x73: {  	_ =	sdelay $0x3  }
0x74: {  	v4 =	vand.u32 $0x1FC, v4;
	[tilespmem:v3+s19+$0x0] =	vst.idx.msk $0xffff, v2;
	s21 =	sadd.s32 $0x80, s21  }
0x75: {  	v2 =	vld [tilespmem:s21+$0xFFFFFFC0];
	v3 =	vadd.s32 v0, v4  }
0x76: {  	v5 =	vld [tilespmem:s21+$0xFFFFFFD0];
	v4 =	vadd.s32 v1, v4;
	_ =	sdelay $0x2  }
0x77: {  	s23 =	sadd.s32 $0x1, s22  }
0x78: {  	[tilespmem:v3+s19+$0x0] =	vst.idx.msk $0xffff, v2;
	v2 =	vmov s23  }
0x79: {  	[tilespmem:v4+s19+$0x0] =	vst.idx.msk $0xffff, v5;
	v2 =	vand.u32 $0x1FD, v2  }
0x7a: {  	v3 =	vld [tilespmem:s21+$0xFFFFFFE0];
	v4 =	vadd.s32 v0, v2  }
0x7b: {  	v5 =	vld [tilespmem:s21+$0xFFFFFFF0];
	v2 =	vadd.s32 v1, v2;
	_ =	sdelay $0x2  }
0x7c: {  	s24 =	sadd.s32 $0x2, s22  }
0x7d: {  	[tilespmem:v4+s19+$0x0] =	vst.idx.msk $0xffff, v3;
	v3 =	vmov s24  }
0x7e: {  	[tilespmem:v2+s19+$0x0] =	vst.idx.msk $0xffff, v5;
	v2 =	vand.u32 $0x1FE, v3  }
0x7f: {  	v3 =	vld [tilespmem:s21+$0x0];
	v4 =	vadd.s32 v0, v2  }
0x80: {  	v5 =	vld [tilespmem:s21+$0x10];
	v2 =	vadd.s32 v1, v2;
	_ =	sdelay $0x2  }
0x81: {  	s25 =	sadd.s32 $0x3, s22  }
0x82: {  	[tilespmem:v4+s19+$0x0] =	vst.idx.msk $0xffff, v3;
	v3 =	vmov s25  }
0x83: {  	[tilespmem:v2+s19+$0x0] =	vst.idx.msk $0xffff, v5;
	v2 =	vand.u32 $0x1FF, v3  }
0x84: {  	v3 =	vld [tilespmem:s21+$0x20];
	v4 =	vadd.s32 v0, v2  }
0x85: {  	v5 =	vld [tilespmem:s21+$0x30];
	v2 =	vadd.s32 v1, v2;
	_ =	sdelay $0x1  }
0x86: {  	s23 =	sshll.u32 s15, $0x14  }
0x87: {  	s26 =	sor.u32 s6, s23  }
0x88: {  	s24 =	sshrl.u32 s26, $0x3;
	[tilespmem:v4+s19+$0x0] =	vst.idx.msk $0xffff, v3  }
0x89: {  	s21 =	sadd.s32 s2, s24;
	[tilespmem:v2+s19+$0x0] =	vst.idx.msk $0xffff, v5  }
0x8a: {  	[hbm4b:s21+s3] =	stream.linear.scatter [tilespmem:s19], [sflag:$0x2], $0x80, $0x38;
	[tilespmem:$0x16600] =	vst v63  }
0x8b: {  	s25 =	simm.s32 $0xE608;
	s28 =	sadd.s32 $0x10, s21  }
0x8c: {  	[hbm4b:s28+s3] =	stream.linear.scatter [tilespmem:s25], [sflag:$0x2], $0x80, $0x38;
	[tilespmem:$0x16600] =	vst v63  }
0x8d: {  	s26 =	sadd.s32 $0x20, s21;
	s28 =	simm.s32 $0xE810  }
0x8e: {  	[hbm4b:s26+s3] =	stream.linear.scatter [tilespmem:s28], [sflag:$0x2], $0x80, $0x38;
	[tilespmem:$0x16600] =	vst v63  }
0x8f: {  	s26 =	sadd.s32 $0x30, s21;
	s28 =	simm.s32 $0xEA18  }
0x90: {  	[hbm4b:s26+s3] =	stream.linear.scatter [tilespmem:s28], [sflag:$0x2], $0x80, $0x38;
	[tilespmem:$0x16600] =	vst v63  }
0x91: {  	s26 =	sadd.s32 $0x40, s21;
	s28 =	simm.s32 $0xEC20  }
0x92: {  	[hbm4b:s26+s3] =	stream.linear.scatter [tilespmem:s28], [sflag:$0x2], $0x80, $0x38;
	[tilespmem:$0x16600] =	vst v63  }
0x93: {  	s26 =	sadd.s32 $0x50, s21;
	s28 =	simm.s32 $0xEE28  }
0x94: {  	[hbm4b:s26+s3] =	stream.linear.scatter [tilespmem:s28], [sflag:$0x2], $0x80, $0x38;
	[tilespmem:$0x16600] =	vst v63  }
0x95: {  	s25 =	sadd.s32 $0x60, s21;
	s26 =	simm.s32 $0xF030  }
0x96: {  	[hbm4b:s25+s3] =	stream.linear.scatter [tilespmem:s26], [sflag:$0x2], $0x80, $0x38;
	[tilespmem:$0x16600] =	vst v63  }
0x97: {  	s22 =	sor.u32 s7, s23;
	s21 =	sadd.s32 $0x70, s21;
	s28 =	simm.s32 $0xF238  }
0x98: {  	[hbm4b:s21+s3] =	stream.linear.scatter [tilespmem:s28], [sflag:$0x2], $0x80, $0x38;
	[tilespmem:$0x16600] =	vst v63  }
0x99: {  	s21 =	sshrl.u32 s22, $0x3  }
0x9a: {  	s25 =	simm.s32 $0xE480;
	s21 =	sadd.s32 s2, s21  }
0x9b: {  	[hbm4b:s21+s3] =	stream.linear.scatter [tilespmem:s25], [sflag:$0x2], $0x80, $0x38;
	[tilespmem:$0x16600] =	vst v63  }
0x9c: {  	s28 =	simm.s32 $0xE688;
	s26 =	sadd.s32 $0x10, s21  }
0x9d: {  	[hbm4b:s26+s3] =	stream.linear.scatter [tilespmem:s28], [sflag:$0x2], $0x80, $0x38;
	[tilespmem:$0x16600] =	vst v63  }
0x9e: {  	s26 =	sadd.s32 $0x20, s21;
	s28 =	simm.s32 $0xE890  }
0x9f: {  	[hbm4b:s26+s3] =	stream.linear.scatter [tilespmem:s28], [sflag:$0x2], $0x80, $0x38;
	[tilespmem:$0x16600] =	vst v63  }
0xa0: {  	s26 =	sadd.s32 $0x30, s21;
	s28 =	simm.s32 $0xEA98  }
0xa1: {  	[hbm4b:s26+s3] =	stream.linear.scatter [tilespmem:s28], [sflag:$0x2], $0x80, $0x38;
	[tilespmem:$0x16600] =	vst v63  }
0xa2: {  	s26 =	sadd.s32 $0x40, s21;
	s28 =	simm.s32 $0xECA0  }
0xa3: {  	[hbm4b:s26+s3] =	stream.linear.scatter [tilespmem:s28], [sflag:$0x2], $0x80, $0x38;
	[tilespmem:$0x16600] =	vst v63  }
0xa4: {  	s26 =	sadd.s32 $0x50, s21;
	s28 =	simm.s32 $0xEEA8  }
0xa5: {  	[hbm4b:s26+s3] =	stream.linear.scatter [tilespmem:s28], [sflag:$0x2], $0x80, $0x38;
	[tilespmem:$0x16600] =	vst v63  }
0xa6: {  	s25 =	sor.u32 s8, s23;
	s26 =	sadd.s32 $0x60, s21;
	s28 =	simm.s32 $0xF0B0  }
0xa7: {  	[hbm4b:s26+s3] =	stream.linear.scatter [tilespmem:s28], [sflag:$0x2], $0x80, $0x38;
	[tilespmem:$0x16600] =	vst v63  }
0xa8: {  	s22 =	sshrl.u32 s25, $0x3;
	s26 =	sadd.s32 $0x70, s21;
	s28 =	simm.s32 $0xF2B8  }
0xa9: {  	[hbm4b:s26+s3] =	stream.linear.scatter [tilespmem:s28], [sflag:$0x2], $0x80, $0x38;
	[tilespmem:$0x16600] =	vst v63  }
0xaa: {  	s22 =	sadd.s32 s2, s22;
	s26 =	simm.s32 $0xE500  }
0xab: {  	[hbm4b:s22+s3] =	stream.linear.scatter [tilespmem:s26], [sflag:$0x2], $0x80, $0x38;
	[tilespmem:$0x16600] =	vst v63  }
0xac: {  	s28 =	sadd.s32 $0x10, s22;
	s26 =	simm.s32 $0xE708  }
0xad: {  	[hbm4b:s28+s3] =	stream.linear.scatter [tilespmem:s26], [sflag:$0x2], $0x80, $0x38;
	[tilespmem:$0x16600] =	vst v63  }
0xae: {  	s26 =	sadd.s32 $0x20, s22;
	s28 =	simm.s32 $0xE910  }
0xaf: {  	[hbm4b:s26+s3] =	stream.linear.scatter [tilespmem:s28], [sflag:$0x2], $0x80, $0x38;
	[tilespmem:$0x16600] =	vst v63  }
0xb0: {  	s26 =	sadd.s32 $0x30, s22;
	s28 =	simm.s32 $0xEB18  }
0xb1: {  	[hbm4b:s26+s3] =	stream.linear.scatter [tilespmem:s28], [sflag:$0x2], $0x80, $0x38;
	[tilespmem:$0x16600] =	vst v63  }
0xb2: {  	s26 =	sadd.s32 $0x40, s22;
	s28 =	simm.s32 $0xED20  }
0xb3: {  	[hbm4b:s26+s3] =	stream.linear.scatter [tilespmem:s28], [sflag:$0x2], $0x80, $0x38;
	[tilespmem:$0x16600] =	vst v63  }
0xb4: {  	s26 =	sadd.s32 $0x50, s22;
	s28 =	simm.s32 $0xEF28  }
0xb5: {  	[hbm4b:s26+s3] =	stream.linear.scatter [tilespmem:s28], [sflag:$0x2], $0x80, $0x38;
	[tilespmem:$0x16600] =	vst v63  }
0xb6: {  	s23 =	sor.u32 s9, s23;
	s26 =	sadd.s32 $0x60, s22;
	s28 =	simm.s32 $0xF130  }
0xb7: {  	[hbm4b:s26+s3] =	stream.linear.scatter [tilespmem:s28], [sflag:$0x2], $0x80, $0x38;
	[tilespmem:$0x16600] =	vst v63  }
0xb8: {  	s23 =	sshrl.u32 s23, $0x3;
	s26 =	sadd.s32 $0x70, s22;
	s28 =	simm.s32 $0xF338  }
0xb9: {  	[hbm4b:s26+s3] =	stream.linear.scatter [tilespmem:s28], [sflag:$0x2], $0x80, $0x38;
	[tilespmem:$0x16600] =	vst v63  }
0xba: {  	s23 =	sadd.s32 s2, s23;
	s28 =	simm.s32 $0xE580  }
0xbb: {  	[hbm4b:s23+s3] =	stream.linear.scatter [tilespmem:s28], [sflag:$0x2], $0x80, $0x38;
	[tilespmem:$0x16600] =	vst v63  }
0xbc: {  	s26 =	sadd.s32 $0x10, s23;
	s28 =	simm.s32 $0xE788  }
0xbd: {  	[hbm4b:s26+s3] =	stream.linear.scatter [tilespmem:s28], [sflag:$0x2], $0x80, $0x38;
	[tilespmem:$0x16600] =	vst v63  }
0xbe: {  	s26 =	sadd.s32 $0x20, s23;
	s28 =	simm.s32 $0xE990  }
0xbf: {  	[hbm4b:s26+s3] =	stream.linear.scatter [tilespmem:s28], [sflag:$0x2], $0x80, $0x38;
	[tilespmem:$0x16600] =	vst v63  }
0xc0: {  	s26 =	sadd.s32 $0x30, s23;
	s28 =	simm.s32 $0xEB98  }
0xc1: {  	[hbm4b:s26+s3] =	stream.linear.scatter [tilespmem:s28], [sflag:$0x2], $0x80, $0x38;
	[tilespmem:$0x16600] =	vst v63  }
0xc2: {  	s26 =	sadd.s32 $0x40, s23;
	s28 =	simm.s32 $0xEDA0  }
0xc3: {  	[hbm4b:s26+s3] =	stream.linear.scatter [tilespmem:s28], [sflag:$0x2], $0x80, $0x38;
	[tilespmem:$0x16600] =	vst v63  }
0xc4: {  	s26 =	sadd.s32 $0x50, s23;
	s28 =	simm.s32 $0xEFA8  }
0xc5: {  	[hbm4b:s26+s3] =	stream.linear.scatter [tilespmem:s28], [sflag:$0x2], $0x80, $0x38;
	[tilespmem:$0x16600] =	vst v63  }
0xc6: {  	s26 =	sadd.s32 $0x60, s23;
	s28 =	simm.s32 $0xF1B0  }
0xc7: {  	[hbm4b:s26+s3] =	stream.linear.scatter [tilespmem:s28], [sflag:$0x2], $0x80, $0x38;
	[tilespmem:$0x16600] =	vst v63  }
0xc8: {  	s26 =	sadd.s32 $0x70, s23;
	s28 =	simm.s32 $0xF3B8  }
0xc9: {  	[hbm4b:s26+s3] =	stream.linear.scatter [tilespmem:s28], [sflag:$0x2], $0x80, $0x38;
	[tilespmem:$0x16600] =	vst v63  }
0xca: {  	s25 =	sadd.s32 s24, s10;
	s28 =	simm.s32 $0xF440  }
0xcb: {  	[hbm4b:s25+s3] =	stream.linear.scatter [tilespmem:s28], [sflag:$0x2], $0x80, $0x38;
	[tilespmem:$0x16600] =	vst v63  }
0xcc: {  	s26 =	sadd.s32 $0x10, s25;
	s28 =	simm.s32 $0xF648  }
0xcd: {  	[hbm4b:s26+s3] =	stream.linear.scatter [tilespmem:s28], [sflag:$0x2], $0x80, $0x38;
	[tilespmem:$0x16600] =	vst v63  }
0xce: {  	s26 =	sadd.s32 $0x20, s25;
	s28 =	simm.s32 $0xF850  }
0xcf: {  	[hbm4b:s26+s3] =	stream.linear.scatter [tilespmem:s28], [sflag:$0x2], $0x80, $0x38;
	[tilespmem:$0x16600] =	vst v63  }
0xd0: {  	s26 =	sadd.s32 $0x30, s25;
	s28 =	simm.s32 $0xFA58  }
0xd1: {  	[hbm4b:s26+s3] =	stream.linear.scatter [tilespmem:s28], [sflag:$0x2], $0x80, $0x38;
	[tilespmem:$0x16600] =	vst v63  }
0xd2: {  	s26 =	sadd.s32 $0x40, s25;
	s28 =	simm.s32 $0xFC60  }
0xd3: {  	[hbm4b:s26+s3] =	stream.linear.scatter [tilespmem:s28], [sflag:$0x2], $0x80, $0x38;
	[tilespmem:$0x16600] =	vst v63  }
0xd4: {  	s26 =	sadd.s32 $0x50, s25;
	s28 =	simm.s32 $0xFE68  }
0xd5: {  	[hbm4b:s26+s3] =	stream.linear.scatter [tilespmem:s28], [sflag:$0x2], $0x80, $0x38;
	[tilespmem:$0x16600] =	vst v63  }
0xd6: {  	s26 =	sadd.s32 $0x60, s25;
	s28 =	simm.s32 $0x10070  }
0xd7: {  	[hbm4b:s26+s3] =	stream.linear.scatter [tilespmem:s28], [sflag:$0x2], $0x80, $0x38;
	[tilespmem:$0x16600] =	vst v63  }
0xd8: {  	s25 =	sadd.s32 $0x70, s25;
	s28 =	simm.s32 $0x10278  }
0xd9: {  	[hbm4b:s25+s3] =	stream.linear.scatter [tilespmem:s28], [sflag:$0x2], $0x80, $0x38;
	[tilespmem:$0x16600] =	vst v63  }
0xda: {  	s26 =	sadd.s32 $0x4000, s21;
	s28 =	simm.s32 $0xF4C0  }
0xdb: {  	[hbm4b:s26+s3] =	stream.linear.scatter [tilespmem:s28], [sflag:$0x2], $0x80, $0x38;
	[tilespmem:$0x16600] =	vst v63  }
0xdc: {  	s26 =	sadd.s32 $0x4010, s21;
	s28 =	simm.s32 $0xF6C8  }
0xdd: {  	[hbm4b:s26+s3] =	stream.linear.scatter [tilespmem:s28], [sflag:$0x2], $0x80, $0x38;
	[tilespmem:$0x16600] =	vst v63  }
0xde: {  	s26 =	sadd.s32 $0x4020, s21;
	s28 =	simm.s32 $0xF8D0  }
0xdf: {  	[hbm4b:s26+s3] =	stream.linear.scatter [tilespmem:s28], [sflag:$0x2], $0x80, $0x38;
	[tilespmem:$0x16600] =	vst v63  }
0xe0: {  	s26 =	sadd.s32 $0x4030, s21;
	s28 =	simm.s32 $0xFAD8  }
0xe1: {  	[hbm4b:s26+s3] =	stream.linear.scatter [tilespmem:s28], [sflag:$0x2], $0x80, $0x38;
	[tilespmem:$0x16600] =	vst v63  }
0xe2: {  	s26 =	sadd.s32 $0x4040, s21;
	s28 =	simm.s32 $0xFCE0  }
0xe3: {  	[hbm4b:s26+s3] =	stream.linear.scatter [tilespmem:s28], [sflag:$0x2], $0x80, $0x38;
	[tilespmem:$0x16600] =	vst v63  }
0xe4: {  	s26 =	sadd.s32 $0x4050, s21;
	s28 =	simm.s32 $0xFEE8  }
0xe5: {  	[hbm4b:s26+s3] =	stream.linear.scatter [tilespmem:s28], [sflag:$0x2], $0x80, $0x38;
	[tilespmem:$0x16600] =	vst v63  }
0xe6: {  	s26 =	sadd.s32 $0x4060, s21;
	s28 =	simm.s32 $0x100F0  }
0xe7: {  	[hbm4b:s26+s3] =	stream.linear.scatter [tilespmem:s28], [sflag:$0x2], $0x80, $0x38;
	[tilespmem:$0x16600] =	vst v63  }
0xe8: {  	s26 =	sadd.s32 $0x4070, s21;
	s28 =	simm.s32 $0x102F8  }
0xe9: {  	[hbm4b:s26+s3] =	stream.linear.scatter [tilespmem:s28], [sflag:$0x2], $0x80, $0x38;
	[tilespmem:$0x16600] =	vst v63  }
0xea: {  	s26 =	sadd.s32 $0x4000, s22;
	s28 =	simm.s32 $0xF540  }
0xeb: {  	[hbm4b:s26+s3] =	stream.linear.scatter [tilespmem:s28], [sflag:$0x2], $0x80, $0x38;
	[tilespmem:$0x16600] =	vst v63  }
0xec: {  	s26 =	sadd.s32 $0x4010, s22;
	s28 =	simm.s32 $0xF748  }
0xed: {  	[hbm4b:s26+s3] =	stream.linear.scatter [tilespmem:s28], [sflag:$0x2], $0x80, $0x38;
	[tilespmem:$0x16600] =	vst v63  }
0xee: {  	s26 =	sadd.s32 $0x4020, s22;
	s28 =	simm.s32 $0xF950  }
0xef: {  	[hbm4b:s26+s3] =	stream.linear.scatter [tilespmem:s28], [sflag:$0x2], $0x80, $0x38;
	[tilespmem:$0x16600] =	vst v63  }
0xf0: {  	s26 =	sadd.s32 $0x4030, s22;
	s28 =	simm.s32 $0xFB58  }
0xf1: {  	[hbm4b:s26+s3] =	stream.linear.scatter [tilespmem:s28], [sflag:$0x2], $0x80, $0x38;
	[tilespmem:$0x16600] =	vst v63  }
0xf2: {  	s26 =	sadd.s32 $0x4040, s22;
	s28 =	simm.s32 $0xFD60  }
0xf3: {  	[hbm4b:s26+s3] =	stream.linear.scatter [tilespmem:s28], [sflag:$0x2], $0x80, $0x38;
	[tilespmem:$0x16600] =	vst v63  }
0xf4: {  	s26 =	sadd.s32 $0x4050, s22;
	s28 =	simm.s32 $0xFF68  }
0xf5: {  	[hbm4b:s26+s3] =	stream.linear.scatter [tilespmem:s28], [sflag:$0x2], $0x80, $0x38;
	[tilespmem:$0x16600] =	vst v63  }
0xf6: {  	s26 =	sadd.s32 $0x4060, s22;
	s28 =	simm.s32 $0x10170  }
0xf7: {  	[hbm4b:s26+s3] =	stream.linear.scatter [tilespmem:s28], [sflag:$0x2], $0x80, $0x38;
	[tilespmem:$0x16600] =	vst v63  }
0xf8: {  	s26 =	sadd.s32 $0x4070, s22;
	s28 =	simm.s32 $0x10378  }
0xf9: {  	[hbm4b:s26+s3] =	stream.linear.scatter [tilespmem:s28], [sflag:$0x2], $0x80, $0x38;
	[tilespmem:$0x16600] =	vst v63  }
0xfa: {  	s26 =	sadd.s32 $0x4000, s23;
	s28 =	simm.s32 $0xF5C0  }
0xfb: {  	[hbm4b:s26+s3] =	stream.linear.scatter [tilespmem:s28], [sflag:$0x2], $0x80, $0x38;
	[tilespmem:$0x16600] =	vst v63  }
0xfc: {  	s26 =	sadd.s32 $0x4010, s23;
	s28 =	simm.s32 $0xF7C8  }
0xfd: {  	[hbm4b:s26+s3] =	stream.linear.scatter [tilespmem:s28], [sflag:$0x2], $0x80, $0x38;
	[tilespmem:$0x16600] =	vst v63  }
0xfe: {  	s26 =	sadd.s32 $0x4020, s23;
	s28 =	simm.s32 $0xF9D0  }
0xff: {  	[hbm4b:s26+s3] =	stream.linear.scatter [tilespmem:s28], [sflag:$0x2], $0x80, $0x38;
	[tilespmem:$0x16600] =	vst v63  }
0x100: {  	s26 =	sadd.s32 $0x4030, s23;
	s28 =	simm.s32 $0xFBD8  }
0x101: {  	[hbm4b:s26+s3] =	stream.linear.scatter [tilespmem:s28], [sflag:$0x2], $0x80, $0x38;
	[tilespmem:$0x16600] =	vst v63  }
0x102: {  	s26 =	sadd.s32 $0x4040, s23;
	s28 =	simm.s32 $0xFDE0  }
0x103: {  	[hbm4b:s26+s3] =	stream.linear.scatter [tilespmem:s28], [sflag:$0x2], $0x80, $0x38;
	[tilespmem:$0x16600] =	vst v63  }
0x104: {  	s26 =	sadd.s32 $0x4050, s23;
	s28 =	simm.s32 $0xFFE8  }
0x105: {  	[hbm4b:s26+s3] =	stream.linear.scatter [tilespmem:s28], [sflag:$0x2], $0x80, $0x38;
	[tilespmem:$0x16600] =	vst v63  }
0x106: {  	s26 =	sadd.s32 $0x4060, s23;
	s28 =	simm.s32 $0x101F0  }
0x107: {  	[hbm4b:s26+s3] =	stream.linear.scatter [tilespmem:s28], [sflag:$0x2], $0x80, $0x38;
	[tilespmem:$0x16600] =	vst v63  }
0x108: {  	s26 =	sadd.s32 $0x4070, s23;
	s28 =	simm.s32 $0x103F8  }
0x109: {  	[hbm4b:s26+s3] =	stream.linear.scatter [tilespmem:s28], [sflag:$0x2], $0x80, $0x38;
	[tilespmem:$0x16600] =	vst v63  }
0x10a: {  	s25 =	sadd.s32 s24, s11;
	s28 =	simm.s32 $0x10480  }
0x10b: {  	[hbm4b:s25+s3] =	stream.linear.scatter [tilespmem:s28], [sflag:$0x2], $0x80, $0x38;
	[tilespmem:$0x16600] =	vst v63  }
0x10c: {  	s26 =	sadd.s32 $0x10, s25;
	s28 =	simm.s32 $0x10688  }
0x10d: {  	[hbm4b:s26+s3] =	stream.linear.scatter [tilespmem:s28], [sflag:$0x2], $0x80, $0x38;
	[tilespmem:$0x16600] =	vst v63  }
0x10e: {  	s26 =	sadd.s32 $0x20, s25;
	s28 =	simm.s32 $0x10890  }
0x10f: {  	[hbm4b:s26+s3] =	stream.linear.scatter [tilespmem:s28], [sflag:$0x2], $0x80, $0x38;
	[tilespmem:$0x16600] =	vst v63  }
0x110: {  	s26 =	sadd.s32 $0x30, s25;
	s28 =	simm.s32 $0x10A98  }
0x111: {  	[hbm4b:s26+s3] =	stream.linear.scatter [tilespmem:s28], [sflag:$0x2], $0x80, $0x38;
	[tilespmem:$0x16600] =	vst v63  }
0x112: {  	s26 =	sadd.s32 $0x40, s25;
	s28 =	simm.s32 $0x10CA0  }
0x113: {  	[hbm4b:s26+s3] =	stream.linear.scatter [tilespmem:s28], [sflag:$0x2], $0x80, $0x38;
	[tilespmem:$0x16600] =	vst v63  }
0x114: {  	s26 =	sadd.s32 $0x50, s25;
	s28 =	simm.s32 $0x10EA8  }
0x115: {  	[hbm4b:s26+s3] =	stream.linear.scatter [tilespmem:s28], [sflag:$0x2], $0x80, $0x38;
	[tilespmem:$0x16600] =	vst v63  }
0x116: {  	s26 =	sadd.s32 $0x60, s25;
	s28 =	simm.s32 $0x110B0  }
0x117: {  	[hbm4b:s26+s3] =	stream.linear.scatter [tilespmem:s28], [sflag:$0x2], $0x80, $0x38;
	[tilespmem:$0x16600] =	vst v63  }
0x118: {  	s25 =	sadd.s32 $0x70, s25;
	s28 =	simm.s32 $0x112B8  }
0x119: {  	[hbm4b:s25+s3] =	stream.linear.scatter [tilespmem:s28], [sflag:$0x2], $0x80, $0x38;
	[tilespmem:$0x16600] =	vst v63  }
0x11a: {  	s26 =	sadd.s32 $0x8000, s21;
	s28 =	simm.s32 $0x10500  }
0x11b: {  	[hbm4b:s26+s3] =	stream.linear.scatter [tilespmem:s28], [sflag:$0x2], $0x80, $0x38;
	[tilespmem:$0x16600] =	vst v63  }
0x11c: {  	s26 =	sadd.s32 $0x8010, s21;
	s28 =	simm.s32 $0x10708  }
0x11d: {  	[hbm4b:s26+s3] =	stream.linear.scatter [tilespmem:s28], [sflag:$0x2], $0x80, $0x38;
	[tilespmem:$0x16600] =	vst v63  }
0x11e: {  	s26 =	sadd.s32 $0x8020, s21;
	s28 =	simm.s32 $0x10910  }
0x11f: {  	[hbm4b:s26+s3] =	stream.linear.scatter [tilespmem:s28], [sflag:$0x2], $0x80, $0x38;
	[tilespmem:$0x16600] =	vst v63  }
0x120: {  	s26 =	sadd.s32 $0x8030, s21;
	s28 =	simm.s32 $0x10B18  }
0x121: {  	[hbm4b:s26+s3] =	stream.linear.scatter [tilespmem:s28], [sflag:$0x2], $0x80, $0x38;
	[tilespmem:$0x16600] =	vst v63  }
0x122: {  	s26 =	sadd.s32 $0x8040, s21;
	s28 =	simm.s32 $0x10D20  }
0x123: {  	[hbm4b:s26+s3] =	stream.linear.scatter [tilespmem:s28], [sflag:$0x2], $0x80, $0x38;
	[tilespmem:$0x16600] =	vst v63  }
0x124: {  	s26 =	sadd.s32 $0x8050, s21;
	s28 =	simm.s32 $0x10F28  }
0x125: {  	[hbm4b:s26+s3] =	stream.linear.scatter [tilespmem:s28], [sflag:$0x2], $0x80, $0x38;
	[tilespmem:$0x16600] =	vst v63  }
0x126: {  	s26 =	sadd.s32 $0x8060, s21;
	s28 =	simm.s32 $0x11130  }
0x127: {  	[hbm4b:s26+s3] =	stream.linear.scatter [tilespmem:s28], [sflag:$0x2], $0x80, $0x38;
	[tilespmem:$0x16600] =	vst v63  }
0x128: {  	s26 =	sadd.s32 $0x8070, s21;
	s28 =	simm.s32 $0x11338  }
0x129: {  	[hbm4b:s26+s3] =	stream.linear.scatter [tilespmem:s28], [sflag:$0x2], $0x80, $0x38;
	[tilespmem:$0x16600] =	vst v63  }
0x12a: {  	s26 =	sadd.s32 $0x8000, s22;
	s28 =	simm.s32 $0x10580  }
0x12b: {  	[hbm4b:s26+s3] =	stream.linear.scatter [tilespmem:s28], [sflag:$0x2], $0x80, $0x38;
	[tilespmem:$0x16600] =	vst v63  }
0x12c: {  	s26 =	sadd.s32 $0x8010, s22;
	s28 =	simm.s32 $0x10788  }
0x12d: {  	[hbm4b:s26+s3] =	stream.linear.scatter [tilespmem:s28], [sflag:$0x2], $0x80, $0x38;
	[tilespmem:$0x16600] =	vst v63  }
0x12e: {  	s26 =	sadd.s32 $0x8020, s22;
	s28 =	simm.s32 $0x10990  }
0x12f: {  	[hbm4b:s26+s3] =	stream.linear.scatter [tilespmem:s28], [sflag:$0x2], $0x80, $0x38;
	[tilespmem:$0x16600] =	vst v63  }
0x130: {  	s26 =	sadd.s32 $0x8030, s22;
	s28 =	simm.s32 $0x10B98  }
0x131: {  	[hbm4b:s26+s3] =	stream.linear.scatter [tilespmem:s28], [sflag:$0x2], $0x80, $0x38;
	[tilespmem:$0x16600] =	vst v63  }
0x132: {  	s26 =	sadd.s32 $0x8040, s22;
	s28 =	simm.s32 $0x10DA0  }
0x133: {  	[hbm4b:s26+s3] =	stream.linear.scatter [tilespmem:s28], [sflag:$0x2], $0x80, $0x38;
	[tilespmem:$0x16600] =	vst v63  }
0x134: {  	s26 =	sadd.s32 $0x8050, s22;
	s28 =	simm.s32 $0x10FA8  }
0x135: {  	[hbm4b:s26+s3] =	stream.linear.scatter [tilespmem:s28], [sflag:$0x2], $0x80, $0x38;
	[tilespmem:$0x16600] =	vst v63  }
0x136: {  	s26 =	sadd.s32 $0x8060, s22;
	s28 =	simm.s32 $0x111B0  }
0x137: {  	[hbm4b:s26+s3] =	stream.linear.scatter [tilespmem:s28], [sflag:$0x2], $0x80, $0x38;
	[tilespmem:$0x16600] =	vst v63  }
0x138: {  	s26 =	sadd.s32 $0x8070, s22;
	s28 =	simm.s32 $0x113B8  }
0x139: {  	[hbm4b:s26+s3] =	stream.linear.scatter [tilespmem:s28], [sflag:$0x2], $0x80, $0x38;
	[tilespmem:$0x16600] =	vst v63  }
0x13a: {  	s26 =	sadd.s32 $0x8000, s23;
	s28 =	simm.s32 $0x10600  }
0x13b: {  	[hbm4b:s26+s3] =	stream.linear.scatter [tilespmem:s28], [sflag:$0x2], $0x80, $0x38;
	[tilespmem:$0x16600] =	vst v63  }
0x13c: {  	s26 =	sadd.s32 $0x8010, s23;
	s28 =	simm.s32 $0x10808  }
0x13d: {  	[hbm4b:s26+s3] =	stream.linear.scatter [tilespmem:s28], [sflag:$0x2], $0x80, $0x38;
	[tilespmem:$0x16600] =	vst v63  }
0x13e: {  	s26 =	sadd.s32 $0x8020, s23;
	s28 =	simm.s32 $0x10A10  }
0x13f: {  	[hbm4b:s26+s3] =	stream.linear.scatter [tilespmem:s28], [sflag:$0x2], $0x80, $0x38;
	[tilespmem:$0x16600] =	vst v63  }
0x140: {  	s26 =	sadd.s32 $0x8030, s23;
	s28 =	simm.s32 $0x10C18  }
0x141: {  	[hbm4b:s26+s3] =	stream.linear.scatter [tilespmem:s28], [sflag:$0x2], $0x80, $0x38;
	[tilespmem:$0x16600] =	vst v63  }
0x142: {  	s26 =	sadd.s32 $0x8040, s23;
	s28 =	simm.s32 $0x10E20  }
0x143: {  	[hbm4b:s26+s3] =	stream.linear.scatter [tilespmem:s28], [sflag:$0x2], $0x80, $0x38;
	[tilespmem:$0x16600] =	vst v63  }
0x144: {  	s26 =	sadd.s32 $0x8050, s23;
	s28 =	simm.s32 $0x11028  }
0x145: {  	[hbm4b:s26+s3] =	stream.linear.scatter [tilespmem:s28], [sflag:$0x2], $0x80, $0x38;
	[tilespmem:$0x16600] =	vst v63  }
0x146: {  	s26 =	sadd.s32 $0x8060, s23;
	s28 =	simm.s32 $0x11230  }
0x147: {  	[hbm4b:s26+s3] =	stream.linear.scatter [tilespmem:s28], [sflag:$0x2], $0x80, $0x38;
	[tilespmem:$0x16600] =	vst v63  }
0x148: {  	s26 =	sadd.s32 $0x8070, s23;
	s28 =	simm.s32 $0x11438  }
0x149: {  	[hbm4b:s26+s3] =	stream.linear.scatter [tilespmem:s28], [sflag:$0x2], $0x80, $0x38;
	[tilespmem:$0x16600] =	vst v63  }
0x14a: {  	s24 =	sadd.s32 s24, s12;
	s28 =	simm.s32 $0x114C0  }
0x14b: {  	[hbm4b:s24+s3] =	stream.linear.scatter [tilespmem:s28], [sflag:$0x2], $0x80, $0x38;
	[tilespmem:$0x16600] =	vst v63  }
0x14c: {  	s26 =	sadd.s32 $0x10, s24;
	s28 =	simm.s32 $0x116C8  }
0x14d: {  	[hbm4b:s26+s3] =	stream.linear.scatter [tilespmem:s28], [sflag:$0x2], $0x80, $0x38;
	[tilespmem:$0x16600] =	vst v63  }
0x14e: {  	s26 =	sadd.s32 $0x20, s24;
	s28 =	simm.s32 $0x118D0  }
0x14f: {  	[hbm4b:s26+s3] =	stream.linear.scatter [tilespmem:s28], [sflag:$0x2], $0x80, $0x38;
	[tilespmem:$0x16600] =	vst v63  }
0x150: {  	s26 =	sadd.s32 $0x30, s24;
	s28 =	simm.s32 $0x11AD8  }
0x151: {  	[hbm4b:s26+s3] =	stream.linear.scatter [tilespmem:s28], [sflag:$0x2], $0x80, $0x38;
	[tilespmem:$0x16600] =	vst v63  }
0x152: {  	s26 =	sadd.s32 $0x40, s24;
	s28 =	simm.s32 $0x11CE0  }
0x153: {  	[hbm4b:s26+s3] =	stream.linear.scatter [tilespmem:s28], [sflag:$0x2], $0x80, $0x38;
	[tilespmem:$0x16600] =	vst v63  }
0x154: {  	s26 =	sadd.s32 $0x50, s24;
	s28 =	simm.s32 $0x11EE8  }
0x155: {  	[hbm4b:s26+s3] =	stream.linear.scatter [tilespmem:s28], [sflag:$0x2], $0x80, $0x38;
	[tilespmem:$0x16600] =	vst v63  }
0x156: {  	s26 =	sadd.s32 $0x60, s24;
	s28 =	simm.s32 $0x120F0  }
0x157: {  	[hbm4b:s26+s3] =	stream.linear.scatter [tilespmem:s28], [sflag:$0x2], $0x80, $0x38;
	[tilespmem:$0x16600] =	vst v63  }
0x158: {  	s24 =	sadd.s32 $0x70, s24;
	s28 =	simm.s32 $0x122F8  }
0x159: {  	[hbm4b:s24+s3] =	stream.linear.scatter [tilespmem:s28], [sflag:$0x2], $0x80, $0x38;
	[tilespmem:$0x16600] =	vst v63  }
0x15a: {  	s26 =	sadd.s32 $0xC000, s21;
	s28 =	simm.s32 $0x11540  }
0x15b: {  	[hbm4b:s26+s3] =	stream.linear.scatter [tilespmem:s28], [sflag:$0x2], $0x80, $0x38;
	[tilespmem:$0x16600] =	vst v63  }
0x15c: {  	s26 =	sadd.s32 $0xC010, s21;
	s28 =	simm.s32 $0x11748  }
0x15d: {  	[hbm4b:s26+s3] =	stream.linear.scatter [tilespmem:s28], [sflag:$0x2], $0x80, $0x38;
	[tilespmem:$0x16600] =	vst v63  }
0x15e: {  	s26 =	sadd.s32 $0xC020, s21;
	s28 =	simm.s32 $0x11950  }
0x15f: {  	[hbm4b:s26+s3] =	stream.linear.scatter [tilespmem:s28], [sflag:$0x2], $0x80, $0x38;
	[tilespmem:$0x16600] =	vst v63  }
0x160: {  	s26 =	sadd.s32 $0xC030, s21;
	s28 =	simm.s32 $0x11B58  }
0x161: {  	[hbm4b:s26+s3] =	stream.linear.scatter [tilespmem:s28], [sflag:$0x2], $0x80, $0x38;
	[tilespmem:$0x16600] =	vst v63  }
0x162: {  	s26 =	sadd.s32 $0xC040, s21;
	s28 =	simm.s32 $0x11D60  }
0x163: {  	[hbm4b:s26+s3] =	stream.linear.scatter [tilespmem:s28], [sflag:$0x2], $0x80, $0x38;
	[tilespmem:$0x16600] =	vst v63  }
0x164: {  	s26 =	sadd.s32 $0xC050, s21;
	s28 =	simm.s32 $0x11F68  }
0x165: {  	[hbm4b:s26+s3] =	stream.linear.scatter [tilespmem:s28], [sflag:$0x2], $0x80, $0x38;
	[tilespmem:$0x16600] =	vst v63  }
0x166: {  	s26 =	sadd.s32 $0xC060, s21;
	s28 =	simm.s32 $0x12170  }
0x167: {  	[hbm4b:s26+s3] =	stream.linear.scatter [tilespmem:s28], [sflag:$0x2], $0x80, $0x38;
	[tilespmem:$0x16600] =	vst v63  }
0x168: {  	s25 =	simm.s32 $0x12378;
	s21 =	sadd.s32 $0xC070, s21  }
0x169: {  	[hbm4b:s21+s3] =	stream.linear.scatter [tilespmem:s25], [sflag:$0x2], $0x80, $0x38;
	[tilespmem:$0x16600] =	vst v63  }
0x16a: {  	s26 =	sadd.s32 $0xC000, s22;
	s28 =	simm.s32 $0x115C0  }
0x16b: {  	[hbm4b:s26+s3] =	stream.linear.scatter [tilespmem:s28], [sflag:$0x2], $0x80, $0x38;
	[tilespmem:$0x16600] =	vst v63  }
0x16c: {  	s24 =	sadd.s32 $0xC010, s22;
	s25 =	simm.s32 $0x117C8  }
0x16d: {  	[hbm4b:s24+s3] =	stream.linear.scatter [tilespmem:s25], [sflag:$0x2], $0x80, $0x38;
	[tilespmem:$0x16600] =	vst v63  }
0x16e: {  	s26 =	sadd.s32 $0xC020, s22;
	s28 =	simm.s32 $0x119D0  }
0x16f: {  	[hbm4b:s26+s3] =	stream.linear.scatter [tilespmem:s28], [sflag:$0x2], $0x80, $0x38;
	[tilespmem:$0x16600] =	vst v63  }
0x170: {  	s24 =	sadd.s32 $0xC030, s22;
	s25 =	simm.s32 $0x11BD8  }
0x171: {  	[hbm4b:s24+s3] =	stream.linear.scatter [tilespmem:s25], [sflag:$0x2], $0x80, $0x38;
	[tilespmem:$0x16600] =	vst v63  }
0x172: {  	s26 =	sadd.s32 $0xC040, s22;
	s28 =	simm.s32 $0x11DE0  }
0x173: {  	[hbm4b:s26+s3] =	stream.linear.scatter [tilespmem:s28], [sflag:$0x2], $0x80, $0x38;
	[tilespmem:$0x16600] =	vst v63  }
0x174: {  	s24 =	sadd.s32 $0xC050, s22;
	s25 =	simm.s32 $0x11FE8  }
0x175: {  	[hbm4b:s24+s3] =	stream.linear.scatter [tilespmem:s25], [sflag:$0x2], $0x80, $0x38;
	[tilespmem:$0x16600] =	vst v63  }
0x176: {  	s26 =	sadd.s32 $0xC060, s22;
	s28 =	simm.s32 $0x121F0  }
0x177: {  	[hbm4b:s26+s3] =	stream.linear.scatter [tilespmem:s28], [sflag:$0x2], $0x80, $0x38;
	[tilespmem:$0x16600] =	vst v63  }
0x178: {  	s24 =	sadd.s32 $0xC070, s22;
	s25 =	simm.s32 $0x123F8  }
0x179: {  	[hbm4b:s24+s3] =	stream.linear.scatter [tilespmem:s25], [sflag:$0x2], $0x80, $0x38;
	[tilespmem:$0x16600] =	vst v63  }
0x17a: {  	s26 =	sadd.s32 $0xC000, s23;
	s28 =	simm.s32 $0x11640  }
0x17b: {  	[hbm4b:s26+s3] =	stream.linear.scatter [tilespmem:s28], [sflag:$0x2], $0x80, $0x38;
	[tilespmem:$0x16600] =	vst v63  }
0x17c: {  	s24 =	sadd.s32 $0xC010, s23;
	s25 =	simm.s32 $0x11848  }
0x17d: {  	[hbm4b:s24+s3] =	stream.linear.scatter [tilespmem:s25], [sflag:$0x2], $0x80, $0x38;
	[tilespmem:$0x16600] =	vst v63  }
0x17e: {  	s26 =	sadd.s32 $0xC020, s23;
	s28 =	simm.s32 $0x11A50  }
0x17f: {  	[hbm4b:s26+s3] =	stream.linear.scatter [tilespmem:s28], [sflag:$0x2], $0x80, $0x38;
	[tilespmem:$0x16600] =	vst v63  }
0x180: {  	s24 =	sadd.s32 $0xC030, s23;
	s25 =	simm.s32 $0x11C58  }
0x181: {  	[hbm4b:s24+s3] =	stream.linear.scatter [tilespmem:s25], [sflag:$0x2], $0x80, $0x38;
	[tilespmem:$0x16600] =	vst v63  }
0x182: {  	s26 =	sadd.s32 $0xC040, s23;
	s28 =	simm.s32 $0x11E60  }
0x183: {  	[hbm4b:s26+s3] =	stream.linear.scatter [tilespmem:s28], [sflag:$0x2], $0x80, $0x38;
	[tilespmem:$0x16600] =	vst v63  }
0x184: {  	s24 =	sadd.s32 $0xC050, s23;
	s25 =	simm.s32 $0x12068  }
0x185: {  	[hbm4b:s24+s3] =	stream.linear.scatter [tilespmem:s25], [sflag:$0x2], $0x80, $0x38;
	[tilespmem:$0x16600] =	vst v63  }
0x186: {  	p0 =	seq.s32 s15, $0x18;
	s26 =	sadd.s32 $0xC060, s23;
	s28 =	simm.s32 $0x12270  }
0x187: {  	[hbm4b:s26+s3] =	stream.linear.scatter [tilespmem:s28], [sflag:$0x2], $0x80, $0x38;
	[tilespmem:$0x16600] =	vst v63  }
0x188: {  	s21 =	sshll.u32 @!p0 s15, $0xA;
	s22 =	sadd.s32 $0xC070, s23;
	s23 =	simm.s32 $0x12478  }
0x189: {  	[hbm4b:s22+s3] =	stream.linear.scatter [tilespmem:s23], [sflag:$0x2], $0x80, $0x38;
	[tilespmem:$0x16600] =	vst v63  }
0x18a: {  	s21 =	sand.u32 @!p0 $0x3FFFFC00, s21;
	_ =	swait.ge [sflag:s17], $0x4000  }
0x18b: {  	p1 =	seq.s32 @!p0 s15, $0x0;
	s21 =	sadd.s32 @!p0 $0x400, s21;
	[sflag:s17] =	ssyncset.done $0x0  }
0x18c: {  	s22 =	simm.s32 @!p0 $0x200;
	s23 =	simm.s32 @!p0 $0x6400;
	[sflag:s17] =	ssyncadd.s32 $0xFFFFC000  }
0x18d: {  	[tilespmem:s23], [sflag:$0x1] =	stream.indirect.gather @!p0 [hbm4b:s4+s22], $0x20, s21, s22, $0xb8;
	[tilespmem:$0x16600] =	vst v63  }
0x18e: {  	p0 =	por p0, !p1  }
0x18f: {  	_ =	swait.ge @p0 [sflag:s18], $0x400  }
0x190: {  	[sflag:s18] =	ssyncset.done @p0 $0x0  }
0x191: {  	[sflag:s18] =	ssyncadd.s32 @p0 $0xFFFFFC00  }
0x192: {  	_ =	swait.ge @p0 [sflag:s18], $0x400  }
0x193: {  	[sflag:s18] =	ssyncset.done @p0 $0x0  }
0x194: {  	[sflag:s18] =	ssyncadd.s32 @p0 $0xFFFFFC00  }
0x195: {  	_ =	swait.ge @p0 [sflag:s18], $0x400  }
0x196: {  	[sflag:s18] =	ssyncset.done @p0 $0x0  }
0x197: {  	[sflag:s18] =	ssyncadd.s32 @p0 $0xFFFFFC00  }
0x198: {  	_ =	swait.ge @p0 [sflag:s18], $0x400  }
0x199: {  	[sflag:s18] =	ssyncset.done @p0 $0x0  }
0x19a: {  	[sflag:s18] =	ssyncadd.s32 @p0 $0xFFFFFC00  }
0x19b: {  	_ =	swait.ge @p0 [sflag:s18], $0x400  }
0x19c: {  	[sflag:s18] =	ssyncset.done @p0 $0x0  }
0x19d: {  	[sflag:s18] =	ssyncadd.s32 @p0 $0xFFFFFC00  }
0x19e: {  	_ =	swait.ge @p0 [sflag:s18], $0x400  }
0x19f: {  	[sflag:s18] =	ssyncset.done @p0 $0x0  }
0x1a0: {  	[sflag:s18] =	ssyncadd.s32 @p0 $0xFFFFFC00  }
0x1a1: {  	_ =	swait.ge @p0 [sflag:s18], $0x400  }
0x1a2: {  	[sflag:s18] =	ssyncset.done @p0 $0x0  }
0x1a3: {  	[sflag:s18] =	ssyncadd.s32 @p0 $0xFFFFFC00  }
0x1a4: {  	_ =	swait.ge @p0 [sflag:s18], $0x400  }
0x1a5: {  	[sflag:s18] =	ssyncset.done @p0 $0x0  }
0x1a6: {  	[sflag:s18] =	ssyncadd.s32 @p0 $0xFFFFFC00  }
0x1a7: {  	_ =	swait.ge @p0 [sflag:s18], $0x400  }
0x1a8: {  	[sflag:s18] =	ssyncset.done @p0 $0x0  }
0x1a9: {  	[sflag:s18] =	ssyncadd.s32 @p0 $0xFFFFFC00  }
0x1aa: {  	_ =	swait.ge @p0 [sflag:s18], $0x400  }
0x1ab: {  	[sflag:s18] =	ssyncset.done @p0 $0x0  }
0x1ac: {  	[sflag:s18] =	ssyncadd.s32 @p0 $0xFFFFFC00  }
0x1ad: {  	_ =	swait.ge @p0 [sflag:s18], $0x400  }
0x1ae: {  	[sflag:s18] =	ssyncset.done @p0 $0x0  }
0x1af: {  	[sflag:s18] =	ssyncadd.s32 @p0 $0xFFFFFC00  }
0x1b0: {  	_ =	swait.ge @p0 [sflag:s18], $0x400  }
0x1b1: {  	[sflag:s18] =	ssyncset.done @p0 $0x0  }
0x1b2: {  	[sflag:s18] =	ssyncadd.s32 @p0 $0xFFFFFC00  }
0x1b3: {  	_ =	swait.ge @p0 [sflag:s18], $0x400  }
0x1b4: {  	[sflag:s18] =	ssyncset.done @p0 $0x0  }
0x1b5: {  	[sflag:s18] =	ssyncadd.s32 @p0 $0xFFFFFC00  }
0x1b6: {  	_ =	swait.ge @p0 [sflag:s18], $0x400  }
0x1b7: {  	[sflag:s18] =	ssyncset.done @p0 $0x0  }
0x1b8: {  	[sflag:s18] =	ssyncadd.s32 @p0 $0xFFFFFC00  }
0x1b9: {  	_ =	swait.ge @p0 [sflag:s18], $0x400  }
0x1ba: {  	[sflag:s18] =	ssyncset.done @p0 $0x0  }
0x1bb: {  	[sflag:s18] =	ssyncadd.s32 @p0 $0xFFFFFC00  }
0x1bc: {  	s24 =	simm.s32 $0x0;
	_ =	swait.ge @p0 [sflag:s18], $0x400  }
0x1bd: {  	v2 =	vmov s24;
	[sflag:s18] =	ssyncset.done @p0 $0x0  }
0x1be: {  	v2 =	vand.u32 $0x1FC, v2;
	s21 =	simm.s32 $0xA440;
	[sflag:s18] =	ssyncadd.s32 @p0 $0xFFFFFC00  }
0x1bf: {  	v4 =	vadd.s32 v0, v2;
	v3 =	vld [tilespmem:s21+$0xFFFFFFC0]  }
0x1c0: {  	v2 =	vadd.s32 v1, v2;
	v5 =	vld [tilespmem:s21+$0xFFFFFFD0];
	_ =	sdelay $0x2  }
0x1c1: {  	s25 =	simm.s32 $0x1  }
0x1c2: {  	[tilespmem:v4+s13+$0x0] =	vst.idx.msk $0xffff, v3;
	v3 =	vmov s25  }
0x1c3: {  	[tilespmem:v2+s13+$0x0] =	vst.idx.msk $0xffff, v5;
	v2 =	vand.u32 $0x1FD, v3  }
0x1c4: {  	v3 =	vld [tilespmem:s21+$0xFFFFFFE0];
	v4 =	vadd.s32 v0, v2  }
0x1c5: {  	v5 =	vld [tilespmem:s21+$0xFFFFFFF0];
	v2 =	vadd.s32 v1, v2;
	_ =	sdelay $0x2  }
0x1c6: {  	s26 =	simm.s32 $0x2  }
0x1c7: {  	[tilespmem:v4+s13+$0x0] =	vst.idx.msk $0xffff, v3;
	v3 =	vmov s26  }
0x1c8: {  	[tilespmem:v2+s13+$0x0] =	vst.idx.msk $0xffff, v5;
	v2 =	vand.u32 $0x1FE, v3  }
0x1c9: {  	v3 =	vld [tilespmem:s21+$0x0];
	v4 =	vadd.s32 v0, v2  }
0x1ca: {  	v5 =	vld [tilespmem:s21+$0x10];
	v2 =	vadd.s32 v1, v2;
	_ =	sdelay $0x2  }
0x1cb: {  	s28 =	simm.s32 $0x3  }
0x1cc: {  	[tilespmem:v4+s13+$0x0] =	vst.idx.msk $0xffff, v3;
	v3 =	vmov s28  }
0x1cd: {  	[tilespmem:v2+s13+$0x0] =	vst.idx.msk $0xffff, v5;
	v3 =	vand.u32 $0x1FF, v3  }
0x1ce: {  	v5 =	vld [tilespmem:s21+$0x20];
	v6 =	vadd.s32 v0, v3;
	_ =	sdelay $0x1  }
0x1cf: {  	v2 =	vld [tilespmem:s21+$0x30];
	v3 =	vadd.s32 v1, v3;
	_ =	sdelay $0x1  }
0x1d0: {  	s22 =	simm.s32 $0x4  }
0x1d1: {  	s23 =	simm.s32 $0x8;
	v4 =	vmov s22;
	[tilespmem:v6+s13+$0x0] =	vst.idx.msk $0xffff, v5  }
.LBB2_5:
0x1d2: {  	p0 =	sne.s32 s23, $0x1FC  }
0x1d3: {  	v4 =	vand.u32 $0x1FC, v4;
	[tilespmem:v3+s13+$0x0] =	vst.idx.msk $0xffff, v2;
	s21 =	sadd.s32 $0x80, s21;
	s24 =	smov.u32 s23;
	s23 =	sadd.s32 $0x4, s23  }
0x1d4: {  	v2 =	vld [tilespmem:s21+$0xFFFFFFC0];
	v3 =	vadd.s32 v0, v4  }
0x1d5: {  	v4 =	vadd.s32 v1, v4;
	v5 =	vld [tilespmem:s21+$0xFFFFFFD0];
	_ =	sdelay $0x2  }
0x1d6: {  	s25 =	sadd.s32 $0x1, s22  }
0x1d7: {  	[tilespmem:v3+s13+$0x0] =	vst.idx.msk $0xffff, v2;
	v2 =	vmov s25  }
0x1d8: {  	[tilespmem:v4+s13+$0x0] =	vst.idx.msk $0xffff, v5;
	v2 =	vand.u32 $0x1FD, v2  }
0x1d9: {  	v3 =	vld [tilespmem:s21+$0xFFFFFFE0];
	v4 =	vadd.s32 v0, v2  }
0x1da: {  	v2 =	vadd.s32 v1, v2;
	v5 =	vld [tilespmem:s21+$0xFFFFFFF0];
	_ =	sdelay $0x2  }
0x1db: {  	s25 =	sadd.s32 $0x2, s22  }
0x1dc: {  	[tilespmem:v4+s13+$0x0] =	vst.idx.msk $0xffff, v3;
	v3 =	vmov s25  }
0x1dd: {  	[tilespmem:v2+s13+$0x0] =	vst.idx.msk $0xffff, v5;
	v2 =	vand.u32 $0x1FE, v3  }
0x1de: {  	v3 =	vld [tilespmem:s21+$0x0];
	v4 =	vadd.s32 v0, v2  }
0x1df: {  	v2 =	vadd.s32 v1, v2;
	v5 =	vld [tilespmem:s21+$0x10];
	_ =	sdelay $0x2  }
0x1e0: {  	s25 =	sadd.s32 $0x3, s22;
	s22 =	smov.u32 s24  }
0x1e1: {  	[tilespmem:v4+s13+$0x0] =	vst.idx.msk $0xffff, v3;
	v3 =	vmov s25  }
0x1e2: {  	[tilespmem:v2+s13+$0x0] =	vst.idx.msk $0xffff, v5;
	v3 =	vand.u32 $0x1FF, v3  }
0x1e3: {  	v5 =	vld [tilespmem:s21+$0x20];
	v6 =	vadd.s32 v0, v3  }
.Ltmp1:
0x1e4: {  	v3 =	vadd.s32 v1, v3;
	v2 =	vld [tilespmem:s21+$0x30];
	(pc) =	sbr.rel @p0 .LBB2_5-.Ltmp1, $2  }
0x1e5: {  	_ =	sdelay $0x2  }
0x1e6: {  	v4 =	vmov s22;
	[tilespmem:v6+s13+$0x0] =	vst.idx.msk $0xffff, v5  }
0x1e7: {  	_ =	sdelay $0x3  }
0x1e8: {  	v4 =	vand.u32 $0x1FC, v4;
	[tilespmem:v3+s13+$0x0] =	vst.idx.msk $0xffff, v2;
	s21 =	sadd.s32 $0x80, s21  }
0x1e9: {  	v2 =	vld [tilespmem:s21+$0xFFFFFFC0];
	v3 =	vadd.s32 v0, v4  }
0x1ea: {  	v5 =	vld [tilespmem:s21+$0xFFFFFFD0];
	v4 =	vadd.s32 v1, v4;
	_ =	sdelay $0x2  }
0x1eb: {  	s23 =	sadd.s32 $0x1, s22  }
0x1ec: {  	[tilespmem:v3+s13+$0x0] =	vst.idx.msk $0xffff, v2;
	v2 =	vmov s23  }
0x1ed: {  	[tilespmem:v4+s13+$0x0] =	vst.idx.msk $0xffff, v5;
	v2 =	vand.u32 $0x1FD, v2  }
0x1ee: {  	v3 =	vld [tilespmem:s21+$0xFFFFFFE0];
	v61 =	vadd.s32 v0, v2  }
0x1ef: {  	v5 =	vld [tilespmem:s21+$0xFFFFFFF0];
	v2 =	vadd.s32 v1, v2;
	_ =	sdelay $0x2  }
0x1f0: {  	s25 =	sadd.s32 $0x2, s22  }
0x1f1: {  	[tilespmem:v61+s13+$0x0] =	vst.idx.msk $0xffff, v3;
	v3 =	vmov s25  }
0x1f2: {  	[tilespmem:v2+s13+$0x0] =	vst.idx.msk $0xffff, v5;
	v2 =	vand.u32 $0x1FE, v3  }
0x1f3: {  	v3 =	vld [tilespmem:s21+$0x0];
	v62 =	vadd.s32 v0, v2  }
0x1f4: {  	v5 =	vld [tilespmem:s21+$0x10];
	v2 =	vadd.s32 v1, v2;
	_ =	sdelay $0x2  }
0x1f5: {  	s26 =	sadd.s32 $0x3, s22  }
0x1f6: {  	[tilespmem:v62+s13+$0x0] =	vst.idx.msk $0xffff, v3;
	v3 =	vmov s26  }
0x1f7: {  	[tilespmem:v2+s13+$0x0] =	vst.idx.msk $0xffff, v5;
	v2 =	vand.u32 $0x1FF, v3  }
0x1f8: {  	v3 =	vld [tilespmem:s21+$0x20];
	v63 =	vadd.s32 v0, v2  }
0x1f9: {  	v5 =	vld [tilespmem:s21+$0x30];
	v2 =	vadd.s32 v1, v2;
	_ =	sdelay $0x1  }
0x1fa: {  	s22 =	sshll.u32 s20, $0x13  }
0x1fb: {  	s20 =	sor.u32 s6, s22  }
0x1fc: {  	s23 =	sshrl.u32 s20, $0x3;
	[tilespmem:v63+s13+$0x0] =	vst.idx.msk $0xffff, v3  }
0x1fd: {  	s20 =	sadd.s32 s2, s23;
	[tilespmem:v2+s13+$0x0] =	vst.idx.msk $0xffff, v5  }
0x1fe: {  	[hbm4b:s20+s3] =	stream.linear.scatter [tilespmem:s13], [sflag:$0x2], $0x80, $0x38;
	[tilespmem:$0x16600] =	vst v63  }
0x1ff: {  	s24 =	simm.s32 $0x12708;
	s28 =	sadd.s32 $0x10, s20  }
0x200: {  	[hbm4b:s28+s3] =	stream.linear.scatter [tilespmem:s24], [sflag:$0x2], $0x80, $0x38;
	[tilespmem:$0x16600] =	vst v63  }
0x201: {  	s25 =	simm.s32 $0x12910;
	s24 =	sadd.s32 $0x20, s20  }
0x202: {  	[hbm4b:s24+s3] =	stream.linear.scatter [tilespmem:s25], [sflag:$0x2], $0x80, $0x38;
	[tilespmem:$0x16600] =	vst v63  }
0x203: {  	s26 =	sadd.s32 $0x30, s20;
	s28 =	simm.s32 $0x12B18  }
0x204: {  	[hbm4b:s26+s3] =	stream.linear.scatter [tilespmem:s28], [sflag:$0x2], $0x80, $0x38;
	[tilespmem:$0x16600] =	vst v63  }
0x205: {  	s24 =	sadd.s32 $0x40, s20;
	s25 =	simm.s32 $0x12D20  }
0x206: {  	[hbm4b:s24+s3] =	stream.linear.scatter [tilespmem:s25], [sflag:$0x2], $0x80, $0x38;
	[tilespmem:$0x16600] =	vst v63  }
0x207: {  	s26 =	sadd.s32 $0x50, s20;
	s28 =	simm.s32 $0x12F28  }
0x208: {  	[hbm4b:s26+s3] =	stream.linear.scatter [tilespmem:s28], [sflag:$0x2], $0x80, $0x38;
	[tilespmem:$0x16600] =	vst v63  }
0x209: {  	s25 =	sadd.s32 $0x60, s20;
	s26 =	simm.s32 $0x13130  }
0x20a: {  	[hbm4b:s25+s3] =	stream.linear.scatter [tilespmem:s26], [sflag:$0x2], $0x80, $0x38;
	[tilespmem:$0x16600] =	vst v63  }
0x20b: {  	s20 =	sadd.s32 $0x70, s20;
	s24 =	sor.u32 s7, s22;
	s28 =	simm.s32 $0x13338  }
0x20c: {  	[hbm4b:s20+s3] =	stream.linear.scatter [tilespmem:s28], [sflag:$0x2], $0x80, $0x38;
	[tilespmem:$0x16600] =	vst v63  }
0x20d: {  	s20 =	sshrl.u32 s24, $0x3  }
0x20e: {  	s25 =	simm.s32 $0x12580;
	s20 =	sadd.s32 s2, s20  }
0x20f: {  	[hbm4b:s20+s3] =	stream.linear.scatter [tilespmem:s25], [sflag:$0x2], $0x80, $0x38;
	[tilespmem:$0x16600] =	vst v63  }
0x210: {  	s28 =	simm.s32 $0x12788;
	s26 =	sadd.s32 $0x10, s20  }
0x211: {  	[hbm4b:s26+s3] =	stream.linear.scatter [tilespmem:s28], [sflag:$0x2], $0x80, $0x38;
	[tilespmem:$0x16600] =	vst v63  }
0x212: {  	s24 =	sadd.s32 $0x20, s20;
	s25 =	simm.s32 $0x12990  }
0x213: {  	[hbm4b:s24+s3] =	stream.linear.scatter [tilespmem:s25], [sflag:$0x2], $0x80, $0x38;
	[tilespmem:$0x16600] =	vst v63  }
0x214: {  	s26 =	sadd.s32 $0x30, s20;
	s28 =	simm.s32 $0x12B98  }
0x215: {  	[hbm4b:s26+s3] =	stream.linear.scatter [tilespmem:s28], [sflag:$0x2], $0x80, $0x38;
	[tilespmem:$0x16600] =	vst v63  }
0x216: {  	s24 =	sadd.s32 $0x40, s20;
	s25 =	simm.s32 $0x12DA0  }
0x217: {  	[hbm4b:s24+s3] =	stream.linear.scatter [tilespmem:s25], [sflag:$0x2], $0x80, $0x38;
	[tilespmem:$0x16600] =	vst v63  }
0x218: {  	s26 =	sadd.s32 $0x50, s20;
	s28 =	simm.s32 $0x12FA8  }
0x219: {  	[hbm4b:s26+s3] =	stream.linear.scatter [tilespmem:s28], [sflag:$0x2], $0x80, $0x38;
	[tilespmem:$0x16600] =	vst v63  }
0x21a: {  	s24 =	sadd.s32 $0x60, s20;
	s25 =	simm.s32 $0x131B0  }
0x21b: {  	[hbm4b:s24+s3] =	stream.linear.scatter [tilespmem:s25], [sflag:$0x2], $0x80, $0x38;
	[tilespmem:$0x16600] =	vst v63  }
0x21c: {  	s25 =	sor.u32 s8, s22  }
0x21d: {  	s26 =	sadd.s32 $0x70, s20;
	s28 =	simm.s32 $0x133B8;
	s21 =	sshrl.u32 s25, $0x3  }
0x21e: {  	[hbm4b:s26+s3] =	stream.linear.scatter [tilespmem:s28], [sflag:$0x2], $0x80, $0x38;
	[tilespmem:$0x16600] =	vst v63  }
0x21f: {  	s21 =	sadd.s32 s2, s21;
	s26 =	simm.s32 $0x12600  }
0x220: {  	[hbm4b:s21+s3] =	stream.linear.scatter [tilespmem:s26], [sflag:$0x2], $0x80, $0x38;
	[tilespmem:$0x16600] =	vst v63  }
0x221: {  	s25 =	simm.s32 $0x12808;
	s28 =	sadd.s32 $0x10, s21  }
0x222: {  	[hbm4b:s28+s3] =	stream.linear.scatter [tilespmem:s25], [sflag:$0x2], $0x80, $0x38;
	[tilespmem:$0x16600] =	vst v63  }
0x223: {  	s26 =	sadd.s32 $0x20, s21;
	s28 =	simm.s32 $0x12A10  }
0x224: {  	[hbm4b:s26+s3] =	stream.linear.scatter [tilespmem:s28], [sflag:$0x2], $0x80, $0x38;
	[tilespmem:$0x16600] =	vst v63  }
0x225: {  	s26 =	sadd.s32 $0x30, s21;
	s28 =	simm.s32 $0x12C18  }
0x226: {  	[hbm4b:s26+s3] =	stream.linear.scatter [tilespmem:s28], [sflag:$0x2], $0x80, $0x38;
	[tilespmem:$0x16600] =	vst v63  }
0x227: {  	s26 =	sadd.s32 $0x40, s21;
	s28 =	simm.s32 $0x12E20  }
0x228: {  	[hbm4b:s26+s3] =	stream.linear.scatter [tilespmem:s28], [sflag:$0x2], $0x80, $0x38;
	[tilespmem:$0x16600] =	vst v63  }
0x229: {  	s26 =	sadd.s32 $0x50, s21;
	s28 =	simm.s32 $0x13028  }
0x22a: {  	[hbm4b:s26+s3] =	stream.linear.scatter [tilespmem:s28], [sflag:$0x2], $0x80, $0x38;
	[tilespmem:$0x16600] =	vst v63  }
0x22b: {  	s22 =	sor.u32 s9, s22;
	s26 =	sadd.s32 $0x60, s21;
	s28 =	simm.s32 $0x13230  }
0x22c: {  	[hbm4b:s26+s3] =	stream.linear.scatter [tilespmem:s28], [sflag:$0x2], $0x80, $0x38;
	[tilespmem:$0x16600] =	vst v63  }
0x22d: {  	s22 =	sshrl.u32 s22, $0x3;
	s26 =	sadd.s32 $0x70, s21;
	s28 =	simm.s32 $0x13438  }
0x22e: {  	[hbm4b:s26+s3] =	stream.linear.scatter [tilespmem:s28], [sflag:$0x2], $0x80, $0x38;
	[tilespmem:$0x16600] =	vst v63  }
0x22f: {  	s22 =	sadd.s32 s2, s22;
	s25 =	simm.s32 $0x12680  }
0x230: {  	[hbm4b:s22+s3] =	stream.linear.scatter [tilespmem:s25], [sflag:$0x2], $0x80, $0x38;
	[tilespmem:$0x16600] =	vst v63  }
0x231: {  	s26 =	sadd.s32 $0x10, s22;
	s28 =	simm.s32 $0x12888  }
0x232: {  	[hbm4b:s26+s3] =	stream.linear.scatter [tilespmem:s28], [sflag:$0x2], $0x80, $0x38;
	[tilespmem:$0x16600] =	vst v63  }
0x233: {  	s26 =	sadd.s32 $0x20, s22;
	s28 =	simm.s32 $0x12A90  }
0x234: {  	[hbm4b:s26+s3] =	stream.linear.scatter [tilespmem:s28], [sflag:$0x2], $0x80, $0x38;
	[tilespmem:$0x16600] =	vst v63  }
0x235: {  	s26 =	sadd.s32 $0x30, s22;
	s28 =	simm.s32 $0x12C98  }
0x236: {  	[hbm4b:s26+s3] =	stream.linear.scatter [tilespmem:s28], [sflag:$0x2], $0x80, $0x38;
	[tilespmem:$0x16600] =	vst v63  }
0x237: {  	s26 =	sadd.s32 $0x40, s22;
	s28 =	simm.s32 $0x12EA0  }
0x238: {  	[hbm4b:s26+s3] =	stream.linear.scatter [tilespmem:s28], [sflag:$0x2], $0x80, $0x38;
	[tilespmem:$0x16600] =	vst v63  }
0x239: {  	s26 =	sadd.s32 $0x50, s22;
	s28 =	simm.s32 $0x130A8  }
0x23a: {  	[hbm4b:s26+s3] =	stream.linear.scatter [tilespmem:s28], [sflag:$0x2], $0x80, $0x38;
	[tilespmem:$0x16600] =	vst v63  }
0x23b: {  	s26 =	sadd.s32 $0x60, s22;
	s28 =	simm.s32 $0x132B0  }
0x23c: {  	[hbm4b:s26+s3] =	stream.linear.scatter [tilespmem:s28], [sflag:$0x2], $0x80, $0x38;
	[tilespmem:$0x16600] =	vst v63  }
0x23d: {  	s26 =	sadd.s32 $0x70, s22;
	s28 =	simm.s32 $0x134B8  }
0x23e: {  	[hbm4b:s26+s3] =	stream.linear.scatter [tilespmem:s28], [sflag:$0x2], $0x80, $0x38;
	[tilespmem:$0x16600] =	vst v63  }
0x23f: {  	s24 =	sadd.s32 s23, s10;
	s26 =	simm.s32 $0x13540  }
0x240: {  	[hbm4b:s24+s3] =	stream.linear.scatter [tilespmem:s26], [sflag:$0x2], $0x80, $0x38;
	[tilespmem:$0x16600] =	vst v63  }
0x241: {  	s28 =	sadd.s32 $0x10, s24;
	s26 =	simm.s32 $0x13748  }
0x242: {  	[hbm4b:s28+s3] =	stream.linear.scatter [tilespmem:s26], [sflag:$0x2], $0x80, $0x38;
	[tilespmem:$0x16600] =	vst v63  }
0x243: {  	s26 =	sadd.s32 $0x20, s24;
	s28 =	simm.s32 $0x13950  }
0x244: {  	[hbm4b:s26+s3] =	stream.linear.scatter [tilespmem:s28], [sflag:$0x2], $0x80, $0x38;
	[tilespmem:$0x16600] =	vst v63  }
0x245: {  	s26 =	sadd.s32 $0x30, s24;
	s28 =	simm.s32 $0x13B58  }
0x246: {  	[hbm4b:s26+s3] =	stream.linear.scatter [tilespmem:s28], [sflag:$0x2], $0x80, $0x38;
	[tilespmem:$0x16600] =	vst v63  }
0x247: {  	s26 =	sadd.s32 $0x40, s24;
	s28 =	simm.s32 $0x13D60  }
0x248: {  	[hbm4b:s26+s3] =	stream.linear.scatter [tilespmem:s28], [sflag:$0x2], $0x80, $0x38;
	[tilespmem:$0x16600] =	vst v63  }
0x249: {  	s26 =	sadd.s32 $0x50, s24;
	s28 =	simm.s32 $0x13F68  }
0x24a: {  	[hbm4b:s26+s3] =	stream.linear.scatter [tilespmem:s28], [sflag:$0x2], $0x80, $0x38;
	[tilespmem:$0x16600] =	vst v63  }
0x24b: {  	s26 =	sadd.s32 $0x60, s24;
	s28 =	simm.s32 $0x14170  }
0x24c: {  	[hbm4b:s26+s3] =	stream.linear.scatter [tilespmem:s28], [sflag:$0x2], $0x80, $0x38;
	[tilespmem:$0x16600] =	vst v63  }
0x24d: {  	s24 =	sadd.s32 $0x70, s24;
	s28 =	simm.s32 $0x14378  }
0x24e: {  	[hbm4b:s24+s3] =	stream.linear.scatter [tilespmem:s28], [sflag:$0x2], $0x80, $0x38;
	[tilespmem:$0x16600] =	vst v63  }
0x24f: {  	s26 =	sadd.s32 $0x4000, s20;
	s28 =	simm.s32 $0x135C0  }
0x250: {  	[hbm4b:s26+s3] =	stream.linear.scatter [tilespmem:s28], [sflag:$0x2], $0x80, $0x38;
	[tilespmem:$0x16600] =	vst v63  }
0x251: {  	s26 =	sadd.s32 $0x4010, s20;
	s28 =	simm.s32 $0x137C8  }
0x252: {  	[hbm4b:s26+s3] =	stream.linear.scatter [tilespmem:s28], [sflag:$0x2], $0x80, $0x38;
	[tilespmem:$0x16600] =	vst v63  }
0x253: {  	s26 =	sadd.s32 $0x4020, s20;
	s28 =	simm.s32 $0x139D0  }
0x254: {  	[hbm4b:s26+s3] =	stream.linear.scatter [tilespmem:s28], [sflag:$0x2], $0x80, $0x38;
	[tilespmem:$0x16600] =	vst v63  }
0x255: {  	s26 =	sadd.s32 $0x4030, s20;
	s28 =	simm.s32 $0x13BD8  }
0x256: {  	[hbm4b:s26+s3] =	stream.linear.scatter [tilespmem:s28], [sflag:$0x2], $0x80, $0x38;
	[tilespmem:$0x16600] =	vst v63  }
0x257: {  	s26 =	sadd.s32 $0x4040, s20;
	s28 =	simm.s32 $0x13DE0  }
0x258: {  	[hbm4b:s26+s3] =	stream.linear.scatter [tilespmem:s28], [sflag:$0x2], $0x80, $0x38;
	[tilespmem:$0x16600] =	vst v63  }
0x259: {  	s26 =	sadd.s32 $0x4050, s20;
	s28 =	simm.s32 $0x13FE8  }
0x25a: {  	[hbm4b:s26+s3] =	stream.linear.scatter [tilespmem:s28], [sflag:$0x2], $0x80, $0x38;
	[tilespmem:$0x16600] =	vst v63  }
0x25b: {  	s26 =	sadd.s32 $0x4060, s20;
	s28 =	simm.s32 $0x141F0  }
0x25c: {  	[hbm4b:s26+s3] =	stream.linear.scatter [tilespmem:s28], [sflag:$0x2], $0x80, $0x38;
	[tilespmem:$0x16600] =	vst v63  }
0x25d: {  	s26 =	sadd.s32 $0x4070, s20;
	s28 =	simm.s32 $0x143F8  }
0x25e: {  	[hbm4b:s26+s3] =	stream.linear.scatter [tilespmem:s28], [sflag:$0x2], $0x80, $0x38;
	[tilespmem:$0x16600] =	vst v63  }
0x25f: {  	s26 =	sadd.s32 $0x4000, s21;
	s28 =	simm.s32 $0x13640  }
0x260: {  	[hbm4b:s26+s3] =	stream.linear.scatter [tilespmem:s28], [sflag:$0x2], $0x80, $0x38;
	[tilespmem:$0x16600] =	vst v63  }
0x261: {  	s26 =	sadd.s32 $0x4010, s21;
	s28 =	simm.s32 $0x13848  }
0x262: {  	[hbm4b:s26+s3] =	stream.linear.scatter [tilespmem:s28], [sflag:$0x2], $0x80, $0x38;
	[tilespmem:$0x16600] =	vst v63  }
0x263: {  	s26 =	sadd.s32 $0x4020, s21;
	s28 =	simm.s32 $0x13A50  }
0x264: {  	[hbm4b:s26+s3] =	stream.linear.scatter [tilespmem:s28], [sflag:$0x2], $0x80, $0x38;
	[tilespmem:$0x16600] =	vst v63  }
0x265: {  	s26 =	sadd.s32 $0x4030, s21;
	s28 =	simm.s32 $0x13C58  }
0x266: {  	[hbm4b:s26+s3] =	stream.linear.scatter [tilespmem:s28], [sflag:$0x2], $0x80, $0x38;
	[tilespmem:$0x16600] =	vst v63  }
0x267: {  	s26 =	sadd.s32 $0x4040, s21;
	s28 =	simm.s32 $0x13E60  }
0x268: {  	[hbm4b:s26+s3] =	stream.linear.scatter [tilespmem:s28], [sflag:$0x2], $0x80, $0x38;
	[tilespmem:$0x16600] =	vst v63  }
0x269: {  	s26 =	sadd.s32 $0x4050, s21;
	s28 =	simm.s32 $0x14068  }
0x26a: {  	[hbm4b:s26+s3] =	stream.linear.scatter [tilespmem:s28], [sflag:$0x2], $0x80, $0x38;
	[tilespmem:$0x16600] =	vst v63  }
0x26b: {  	s26 =	sadd.s32 $0x4060, s21;
	s28 =	simm.s32 $0x14270  }
0x26c: {  	[hbm4b:s26+s3] =	stream.linear.scatter [tilespmem:s28], [sflag:$0x2], $0x80, $0x38;
	[tilespmem:$0x16600] =	vst v63  }
0x26d: {  	s26 =	sadd.s32 $0x4070, s21;
	s28 =	simm.s32 $0x14478  }
0x26e: {  	[hbm4b:s26+s3] =	stream.linear.scatter [tilespmem:s28], [sflag:$0x2], $0x80, $0x38;
	[tilespmem:$0x16600] =	vst v63  }
0x26f: {  	s26 =	sadd.s32 $0x4000, s22;
	s28 =	simm.s32 $0x136C0  }
0x270: {  	[hbm4b:s26+s3] =	stream.linear.scatter [tilespmem:s28], [sflag:$0x2], $0x80, $0x38;
	[tilespmem:$0x16600] =	vst v63  }
0x271: {  	s26 =	sadd.s32 $0x4010, s22;
	s28 =	simm.s32 $0x138C8  }
0x272: {  	[hbm4b:s26+s3] =	stream.linear.scatter [tilespmem:s28], [sflag:$0x2], $0x80, $0x38;
	[tilespmem:$0x16600] =	vst v63  }
0x273: {  	s26 =	sadd.s32 $0x4020, s22;
	s28 =	simm.s32 $0x13AD0  }
0x274: {  	[hbm4b:s26+s3] =	stream.linear.scatter [tilespmem:s28], [sflag:$0x2], $0x80, $0x38;
	[tilespmem:$0x16600] =	vst v63  }
0x275: {  	s26 =	sadd.s32 $0x4030, s22;
	s28 =	simm.s32 $0x13CD8  }
0x276: {  	[hbm4b:s26+s3] =	stream.linear.scatter [tilespmem:s28], [sflag:$0x2], $0x80, $0x38;
	[tilespmem:$0x16600] =	vst v63  }
0x277: {  	s26 =	sadd.s32 $0x4040, s22;
	s28 =	simm.s32 $0x13EE0  }
0x278: {  	[hbm4b:s26+s3] =	stream.linear.scatter [tilespmem:s28], [sflag:$0x2], $0x80, $0x38;
	[tilespmem:$0x16600] =	vst v63  }
0x279: {  	s26 =	sadd.s32 $0x4050, s22;
	s28 =	simm.s32 $0x140E8  }
0x27a: {  	[hbm4b:s26+s3] =	stream.linear.scatter [tilespmem:s28], [sflag:$0x2], $0x80, $0x38;
	[tilespmem:$0x16600] =	vst v63  }
0x27b: {  	s26 =	sadd.s32 $0x4060, s22;
	s28 =	simm.s32 $0x142F0  }
0x27c: {  	[hbm4b:s26+s3] =	stream.linear.scatter [tilespmem:s28], [sflag:$0x2], $0x80, $0x38;
	[tilespmem:$0x16600] =	vst v63  }
0x27d: {  	s25 =	sadd.s32 $0x4070, s22;
	s26 =	simm.s32 $0x144F8  }
0x27e: {  	[hbm4b:s25+s3] =	stream.linear.scatter [tilespmem:s26], [sflag:$0x2], $0x80, $0x38;
	[tilespmem:$0x16600] =	vst v63  }
0x27f: {  	s24 =	sadd.s32 s23, s11;
	s28 =	simm.s32 $0x14580  }
0x280: {  	[hbm4b:s24+s3] =	stream.linear.scatter [tilespmem:s28], [sflag:$0x2], $0x80, $0x38;
	[tilespmem:$0x16600] =	vst v63  }
0x281: {  	s26 =	sadd.s32 $0x10, s24;
	s28 =	simm.s32 $0x14788  }
0x282: {  	[hbm4b:s26+s3] =	stream.linear.scatter [tilespmem:s28], [sflag:$0x2], $0x80, $0x38;
	[tilespmem:$0x16600] =	vst v63  }
0x283: {  	s26 =	sadd.s32 $0x20, s24;
	s28 =	simm.s32 $0x14990  }
0x284: {  	[hbm4b:s26+s3] =	stream.linear.scatter [tilespmem:s28], [sflag:$0x2], $0x80, $0x38;
	[tilespmem:$0x16600] =	vst v63  }
0x285: {  	s26 =	sadd.s32 $0x30, s24;
	s28 =	simm.s32 $0x14B98  }
0x286: {  	[hbm4b:s26+s3] =	stream.linear.scatter [tilespmem:s28], [sflag:$0x2], $0x80, $0x38;
	[tilespmem:$0x16600] =	vst v63  }
0x287: {  	s26 =	sadd.s32 $0x40, s24;
	s28 =	simm.s32 $0x14DA0  }
0x288: {  	[hbm4b:s26+s3] =	stream.linear.scatter [tilespmem:s28], [sflag:$0x2], $0x80, $0x38;
	[tilespmem:$0x16600] =	vst v63  }
0x289: {  	s26 =	sadd.s32 $0x50, s24;
	s28 =	simm.s32 $0x14FA8  }
0x28a: {  	[hbm4b:s26+s3] =	stream.linear.scatter [tilespmem:s28], [sflag:$0x2], $0x80, $0x38;
	[tilespmem:$0x16600] =	vst v63  }
0x28b: {  	s26 =	sadd.s32 $0x60, s24;
	s28 =	simm.s32 $0x151B0  }
0x28c: {  	[hbm4b:s26+s3] =	stream.linear.scatter [tilespmem:s28], [sflag:$0x2], $0x80, $0x38;
	[tilespmem:$0x16600] =	vst v63  }
0x28d: {  	s24 =	sadd.s32 $0x70, s24;
	s28 =	simm.s32 $0x153B8  }
0x28e: {  	[hbm4b:s24+s3] =	stream.linear.scatter [tilespmem:s28], [sflag:$0x2], $0x80, $0x38;
	[tilespmem:$0x16600] =	vst v63  }
0x28f: {  	s26 =	sadd.s32 $0x8000, s20;
	s28 =	simm.s32 $0x14600  }
0x290: {  	[hbm4b:s26+s3] =	stream.linear.scatter [tilespmem:s28], [sflag:$0x2], $0x80, $0x38;
	[tilespmem:$0x16600] =	vst v63  }
0x291: {  	s26 =	sadd.s32 $0x8010, s20;
	s28 =	simm.s32 $0x14808  }
0x292: {  	[hbm4b:s26+s3] =	stream.linear.scatter [tilespmem:s28], [sflag:$0x2], $0x80, $0x38;
	[tilespmem:$0x16600] =	vst v63  }
0x293: {  	s26 =	sadd.s32 $0x8020, s20;
	s28 =	simm.s32 $0x14A10  }
0x294: {  	[hbm4b:s26+s3] =	stream.linear.scatter [tilespmem:s28], [sflag:$0x2], $0x80, $0x38;
	[tilespmem:$0x16600] =	vst v63  }
0x295: {  	s26 =	sadd.s32 $0x8030, s20;
	s28 =	simm.s32 $0x14C18  }
0x296: {  	[hbm4b:s26+s3] =	stream.linear.scatter [tilespmem:s28], [sflag:$0x2], $0x80, $0x38;
	[tilespmem:$0x16600] =	vst v63  }
0x297: {  	s26 =	sadd.s32 $0x8040, s20;
	s28 =	simm.s32 $0x14E20  }
0x298: {  	[hbm4b:s26+s3] =	stream.linear.scatter [tilespmem:s28], [sflag:$0x2], $0x80, $0x38;
	[tilespmem:$0x16600] =	vst v63  }
0x299: {  	s26 =	sadd.s32 $0x8050, s20;
	s28 =	simm.s32 $0x15028  }
0x29a: {  	[hbm4b:s26+s3] =	stream.linear.scatter [tilespmem:s28], [sflag:$0x2], $0x80, $0x38;
	[tilespmem:$0x16600] =	vst v63  }
0x29b: {  	s26 =	sadd.s32 $0x8060, s20;
	s28 =	simm.s32 $0x15230  }
0x29c: {  	[hbm4b:s26+s3] =	stream.linear.scatter [tilespmem:s28], [sflag:$0x2], $0x80, $0x38;
	[tilespmem:$0x16600] =	vst v63  }
0x29d: {  	s26 =	sadd.s32 $0x8070, s20;
	s28 =	simm.s32 $0x15438  }
0x29e: {  	[hbm4b:s26+s3] =	stream.linear.scatter [tilespmem:s28], [sflag:$0x2], $0x80, $0x38;
	[tilespmem:$0x16600] =	vst v63  }
0x29f: {  	s26 =	sadd.s32 $0x8000, s21;
	s28 =	simm.s32 $0x14680  }
0x2a0: {  	[hbm4b:s26+s3] =	stream.linear.scatter [tilespmem:s28], [sflag:$0x2], $0x80, $0x38;
	[tilespmem:$0x16600] =	vst v63  }
0x2a1: {  	s26 =	sadd.s32 $0x8010, s21;
	s28 =	simm.s32 $0x14888  }
0x2a2: {  	[hbm4b:s26+s3] =	stream.linear.scatter [tilespmem:s28], [sflag:$0x2], $0x80, $0x38;
	[tilespmem:$0x16600] =	vst v63  }
0x2a3: {  	s26 =	sadd.s32 $0x8020, s21;
	s28 =	simm.s32 $0x14A90  }
0x2a4: {  	[hbm4b:s26+s3] =	stream.linear.scatter [tilespmem:s28], [sflag:$0x2], $0x80, $0x38;
	[tilespmem:$0x16600] =	vst v63  }
0x2a5: {  	s26 =	sadd.s32 $0x8030, s21;
	s28 =	simm.s32 $0x14C98  }
0x2a6: {  	[hbm4b:s26+s3] =	stream.linear.scatter [tilespmem:s28], [sflag:$0x2], $0x80, $0x38;
	[tilespmem:$0x16600] =	vst v63  }
0x2a7: {  	s26 =	sadd.s32 $0x8040, s21;
	s28 =	simm.s32 $0x14EA0  }
0x2a8: {  	[hbm4b:s26+s3] =	stream.linear.scatter [tilespmem:s28], [sflag:$0x2], $0x80, $0x38;
	[tilespmem:$0x16600] =	vst v63  }
0x2a9: {  	s26 =	sadd.s32 $0x8050, s21;
	s28 =	simm.s32 $0x150A8  }
0x2aa: {  	[hbm4b:s26+s3] =	stream.linear.scatter [tilespmem:s28], [sflag:$0x2], $0x80, $0x38;
	[tilespmem:$0x16600] =	vst v63  }
0x2ab: {  	s26 =	sadd.s32 $0x8060, s21;
	s28 =	simm.s32 $0x152B0  }
0x2ac: {  	[hbm4b:s26+s3] =	stream.linear.scatter [tilespmem:s28], [sflag:$0x2], $0x80, $0x38;
	[tilespmem:$0x16600] =	vst v63  }
0x2ad: {  	s26 =	sadd.s32 $0x8070, s21;
	s28 =	simm.s32 $0x154B8  }
0x2ae: {  	[hbm4b:s26+s3] =	stream.linear.scatter [tilespmem:s28], [sflag:$0x2], $0x80, $0x38;
	[tilespmem:$0x16600] =	vst v63  }
0x2af: {  	s26 =	sadd.s32 $0x8000, s22;
	s28 =	simm.s32 $0x14700  }
0x2b0: {  	[hbm4b:s26+s3] =	stream.linear.scatter [tilespmem:s28], [sflag:$0x2], $0x80, $0x38;
	[tilespmem:$0x16600] =	vst v63  }
0x2b1: {  	s26 =	sadd.s32 $0x8010, s22;
	s28 =	simm.s32 $0x14908  }
0x2b2: {  	[hbm4b:s26+s3] =	stream.linear.scatter [tilespmem:s28], [sflag:$0x2], $0x80, $0x38;
	[tilespmem:$0x16600] =	vst v63  }
0x2b3: {  	s26 =	sadd.s32 $0x8020, s22;
	s28 =	simm.s32 $0x14B10  }
0x2b4: {  	[hbm4b:s26+s3] =	stream.linear.scatter [tilespmem:s28], [sflag:$0x2], $0x80, $0x38;
	[tilespmem:$0x16600] =	vst v63  }
0x2b5: {  	s26 =	sadd.s32 $0x8030, s22;
	s28 =	simm.s32 $0x14D18  }
0x2b6: {  	[hbm4b:s26+s3] =	stream.linear.scatter [tilespmem:s28], [sflag:$0x2], $0x80, $0x38;
	[tilespmem:$0x16600] =	vst v63  }
0x2b7: {  	s26 =	sadd.s32 $0x8040, s22;
	s28 =	simm.s32 $0x14F20  }
0x2b8: {  	[hbm4b:s26+s3] =	stream.linear.scatter [tilespmem:s28], [sflag:$0x2], $0x80, $0x38;
	[tilespmem:$0x16600] =	vst v63  }
0x2b9: {  	s26 =	sadd.s32 $0x8050, s22;
	s28 =	simm.s32 $0x15128  }
0x2ba: {  	[hbm4b:s26+s3] =	stream.linear.scatter [tilespmem:s28], [sflag:$0x2], $0x80, $0x38;
	[tilespmem:$0x16600] =	vst v63  }
0x2bb: {  	s26 =	sadd.s32 $0x8060, s22;
	s28 =	simm.s32 $0x15330  }
0x2bc: {  	[hbm4b:s26+s3] =	stream.linear.scatter [tilespmem:s28], [sflag:$0x2], $0x80, $0x38;
	[tilespmem:$0x16600] =	vst v63  }
0x2bd: {  	s26 =	sadd.s32 $0x8070, s22;
	s28 =	simm.s32 $0x15538  }
0x2be: {  	[hbm4b:s26+s3] =	stream.linear.scatter [tilespmem:s28], [sflag:$0x2], $0x80, $0x38;
	[tilespmem:$0x16600] =	vst v63  }
0x2bf: {  	s23 =	sadd.s32 s23, s12;
	s25 =	simm.s32 $0x155C0  }
0x2c0: {  	[hbm4b:s23+s3] =	stream.linear.scatter [tilespmem:s25], [sflag:$0x2], $0x80, $0x38;
	[tilespmem:$0x16600] =	vst v63  }
0x2c1: {  	s26 =	sadd.s32 $0x10, s23;
	s28 =	simm.s32 $0x157C8  }
0x2c2: {  	[hbm4b:s26+s3] =	stream.linear.scatter [tilespmem:s28], [sflag:$0x2], $0x80, $0x38;
	[tilespmem:$0x16600] =	vst v63  }
0x2c3: {  	s26 =	sadd.s32 $0x20, s23;
	s28 =	simm.s32 $0x159D0  }
0x2c4: {  	[hbm4b:s26+s3] =	stream.linear.scatter [tilespmem:s28], [sflag:$0x2], $0x80, $0x38;
	[tilespmem:$0x16600] =	vst v63  }
0x2c5: {  	s26 =	sadd.s32 $0x30, s23;
	s28 =	simm.s32 $0x15BD8  }
0x2c6: {  	[hbm4b:s26+s3] =	stream.linear.scatter [tilespmem:s28], [sflag:$0x2], $0x80, $0x38;
	[tilespmem:$0x16600] =	vst v63  }
0x2c7: {  	s26 =	sadd.s32 $0x40, s23;
	s28 =	simm.s32 $0x15DE0  }
0x2c8: {  	[hbm4b:s26+s3] =	stream.linear.scatter [tilespmem:s28], [sflag:$0x2], $0x80, $0x38;
	[tilespmem:$0x16600] =	vst v63  }
0x2c9: {  	s26 =	sadd.s32 $0x50, s23;
	s28 =	simm.s32 $0x15FE8  }
0x2ca: {  	[hbm4b:s26+s3] =	stream.linear.scatter [tilespmem:s28], [sflag:$0x2], $0x80, $0x38;
	[tilespmem:$0x16600] =	vst v63  }
0x2cb: {  	s26 =	sadd.s32 $0x60, s23;
	s28 =	simm.s32 $0x161F0  }
0x2cc: {  	[hbm4b:s26+s3] =	stream.linear.scatter [tilespmem:s28], [sflag:$0x2], $0x80, $0x38;
	[tilespmem:$0x16600] =	vst v63  }
0x2cd: {  	s25 =	simm.s32 $0x163F8;
	s23 =	sadd.s32 $0x70, s23  }
0x2ce: {  	[hbm4b:s23+s3] =	stream.linear.scatter [tilespmem:s25], [sflag:$0x2], $0x80, $0x38;
	[tilespmem:$0x16600] =	vst v63  }
0x2cf: {  	s26 =	sadd.s32 $0xC000, s20;
	s28 =	simm.s32 $0x15640  }
0x2d0: {  	[hbm4b:s26+s3] =	stream.linear.scatter [tilespmem:s28], [sflag:$0x2], $0x80, $0x38;
	[tilespmem:$0x16600] =	vst v63  }
0x2d1: {  	s24 =	sadd.s32 $0xC010, s20;
	s25 =	simm.s32 $0x15848  }
0x2d2: {  	[hbm4b:s24+s3] =	stream.linear.scatter [tilespmem:s25], [sflag:$0x2], $0x80, $0x38;
	[tilespmem:$0x16600] =	vst v63  }
0x2d3: {  	s26 =	sadd.s32 $0xC020, s20;
	s28 =	simm.s32 $0x15A50  }
0x2d4: {  	[hbm4b:s26+s3] =	stream.linear.scatter [tilespmem:s28], [sflag:$0x2], $0x80, $0x38;
	[tilespmem:$0x16600] =	vst v63  }
0x2d5: {  	s24 =	sadd.s32 $0xC030, s20;
	s25 =	simm.s32 $0x15C58  }
0x2d6: {  	[hbm4b:s24+s3] =	stream.linear.scatter [tilespmem:s25], [sflag:$0x2], $0x80, $0x38;
	[tilespmem:$0x16600] =	vst v63  }
0x2d7: {  	s26 =	sadd.s32 $0xC040, s20;
	s28 =	simm.s32 $0x15E60  }
0x2d8: {  	[hbm4b:s26+s3] =	stream.linear.scatter [tilespmem:s28], [sflag:$0x2], $0x80, $0x38;
	[tilespmem:$0x16600] =	vst v63  }
0x2d9: {  	s24 =	sadd.s32 $0xC050, s20;
	s25 =	simm.s32 $0x16068  }
0x2da: {  	[hbm4b:s24+s3] =	stream.linear.scatter [tilespmem:s25], [sflag:$0x2], $0x80, $0x38;
	[tilespmem:$0x16600] =	vst v63  }
0x2db: {  	s26 =	sadd.s32 $0xC060, s20;
	s28 =	simm.s32 $0x16270  }
0x2dc: {  	[hbm4b:s26+s3] =	stream.linear.scatter [tilespmem:s28], [sflag:$0x2], $0x80, $0x38;
	[tilespmem:$0x16600] =	vst v63  }
0x2dd: {  	s20 =	sadd.s32 $0xC070, s20;
	s25 =	simm.s32 $0x16478  }
0x2de: {  	[hbm4b:s20+s3] =	stream.linear.scatter [tilespmem:s25], [sflag:$0x2], $0x80, $0x38;
	[tilespmem:$0x16600] =	vst v63  }
0x2df: {  	s26 =	sadd.s32 $0xC000, s21;
	s28 =	simm.s32 $0x156C0  }
0x2e0: {  	[hbm4b:s26+s3] =	stream.linear.scatter [tilespmem:s28], [sflag:$0x2], $0x80, $0x38;
	[tilespmem:$0x16600] =	vst v63  }
0x2e1: {  	s24 =	sadd.s32 $0xC010, s21;
	s25 =	simm.s32 $0x158C8  }
0x2e2: {  	[hbm4b:s24+s3] =	stream.linear.scatter [tilespmem:s25], [sflag:$0x2], $0x80, $0x38;
	[tilespmem:$0x16600] =	vst v63  }
0x2e3: {  	s26 =	sadd.s32 $0xC020, s21;
	s28 =	simm.s32 $0x15AD0  }
0x2e4: {  	[hbm4b:s26+s3] =	stream.linear.scatter [tilespmem:s28], [sflag:$0x2], $0x80, $0x38;
	[tilespmem:$0x16600] =	vst v63  }
0x2e5: {  	s24 =	sadd.s32 $0xC030, s21;
	s25 =	simm.s32 $0x15CD8  }
0x2e6: {  	[hbm4b:s24+s3] =	stream.linear.scatter [tilespmem:s25], [sflag:$0x2], $0x80, $0x38;
	[tilespmem:$0x16600] =	vst v63  }
0x2e7: {  	s26 =	sadd.s32 $0xC040, s21;
	s28 =	simm.s32 $0x15EE0  }
0x2e8: {  	[hbm4b:s26+s3] =	stream.linear.scatter [tilespmem:s28], [sflag:$0x2], $0x80, $0x38;
	[tilespmem:$0x16600] =	vst v63  }
0x2e9: {  	s24 =	sadd.s32 $0xC050, s21;
	s25 =	simm.s32 $0x160E8  }
0x2ea: {  	[hbm4b:s24+s3] =	stream.linear.scatter [tilespmem:s25], [sflag:$0x2], $0x80, $0x38;
	[tilespmem:$0x16600] =	vst v63  }
0x2eb: {  	s26 =	sadd.s32 $0xC060, s21;
	s28 =	simm.s32 $0x162F0  }
0x2ec: {  	[hbm4b:s26+s3] =	stream.linear.scatter [tilespmem:s28], [sflag:$0x2], $0x80, $0x38;
	[tilespmem:$0x16600] =	vst v63  }
0x2ed: {  	s24 =	sadd.s32 $0xC070, s21;
	s25 =	simm.s32 $0x164F8  }
0x2ee: {  	[hbm4b:s24+s3] =	stream.linear.scatter [tilespmem:s25], [sflag:$0x2], $0x80, $0x38;
	[tilespmem:$0x16600] =	vst v63  }
0x2ef: {  	s26 =	sadd.s32 $0xC000, s22  }
0x2f0: {  	[hbm4b:s26+s3] =	stream.linear.scatter [tilespmem:s29], [sflag:$0x2], $0x80, $0x38;
	[tilespmem:$0x16600] =	vst v63  }
0x2f1: {  	s28 =	sadd.s32 $0xC010, s22  }
0x2f2: {  	[hbm4b:s28+s3] =	stream.linear.scatter [tilespmem:s30], [sflag:$0x2], $0x80, $0x38;
	[tilespmem:$0x16600] =	vst v63  }
0x2f3: {  	s21 =	sadd.s32 $0xC020, s22  }
0x2f4: {  	[hbm4b:s21+s3] =	stream.linear.scatter [tilespmem:s31], [sflag:$0x2], $0x80, $0x38;
	[tilespmem:$0x16600] =	vst v63  }
0x2f5: {  	s23 =	sadd.s32 $0xC030, s22  }
0x2f6: {  	[hbm4b:s23+s3] =	stream.linear.scatter [tilespmem:s1], [sflag:$0x2], $0x80, $0x38;
	[tilespmem:$0x16600] =	vst v63  }
0x2f7: {  	s15 =	sadd.s32 $0x1, s15;
	s24 =	sadd.s32 $0xC040, s22  }
0x2f8: {  	[hbm4b:s24+s3] =	stream.linear.scatter [tilespmem:s0], [sflag:$0x2], $0x80, $0x38;
	[tilespmem:$0x16600] =	vst v63  }
0x2f9: {  	p0 =	sne.s32 s15, $0x19;
	s25 =	sadd.s32 $0xC050, s22  }
0x2fa: {  	[hbm4b:s25+s3] =	stream.linear.scatter [tilespmem:s16], [sflag:$0x2], $0x80, $0x38;
	[tilespmem:$0x16600] =	vst v63  }
.Ltmp2:
0x2fb: {  	_ = 	snop;
	(pc) =	sbr.rel @p0 .LBB2_2-.Ltmp2, $4  }
0x2fc: {  	s26 =	sadd.s32 $0xC060, s22  }
0x2fd: {  	[hbm4b:s26+s3] =	stream.linear.scatter [tilespmem:s5], [sflag:$0x2], $0x80, $0x38;
	[tilespmem:$0x16600] =	vst v63  }
0x2fe: {  	s28 =	sadd.s32 $0xC070, s22  }
0x2ff: {  	[hbm4b:s28+s3] =	stream.linear.scatter [tilespmem:s14], [sflag:$0x2], $0x80, $0x38;
	[tilespmem:$0x16600] =	vst v63  }
0x300: {  	_ =	swait.ge [sflag:s18], $0x400  }
0x301: {  	[sflag:s18] =	ssyncset.done $0x0  }
0x302: {  	[sflag:s18] =	ssyncadd.s32 $0xFFFFFC00  }
0x303: {  	_ =	swait.ge [sflag:s18], $0x400  }
0x304: {  	[sflag:s18] =	ssyncset.done $0x0  }
0x305: {  	[sflag:s18] =	ssyncadd.s32 $0xFFFFFC00  }
0x306: {  	_ =	swait.ge [sflag:s18], $0x400  }
0x307: {  	[sflag:s18] =	ssyncset.done $0x0  }
0x308: {  	[sflag:s18] =	ssyncadd.s32 $0xFFFFFC00  }
0x309: {  	_ =	swait.ge [sflag:s18], $0x400  }
0x30a: {  	[sflag:s18] =	ssyncset.done $0x0  }
0x30b: {  	[sflag:s18] =	ssyncadd.s32 $0xFFFFFC00  }
0x30c: {  	_ =	swait.ge [sflag:s18], $0x400  }
0x30d: {  	[sflag:s18] =	ssyncset.done $0x0  }
0x30e: {  	[sflag:s18] =	ssyncadd.s32 $0xFFFFFC00  }
0x30f: {  	_ =	swait.ge [sflag:s18], $0x400  }
0x310: {  	[sflag:s18] =	ssyncset.done $0x0  }
0x311: {  	[sflag:s18] =	ssyncadd.s32 $0xFFFFFC00  }
0x312: {  	_ =	swait.ge [sflag:s18], $0x400  }
0x313: {  	[sflag:s18] =	ssyncset.done $0x0  }
0x314: {  	[sflag:s18] =	ssyncadd.s32 $0xFFFFFC00  }
0x315: {  	_ =	swait.ge [sflag:s18], $0x400  }
0x316: {  	[sflag:s18] =	ssyncset.done $0x0  }
0x317: {  	[sflag:s18] =	ssyncadd.s32 $0xFFFFFC00  }
0x318: {  	_ =	swait.ge [sflag:s18], $0x400  }
0x319: {  	[sflag:s18] =	ssyncset.done $0x0  }
0x31a: {  	[sflag:s18] =	ssyncadd.s32 $0xFFFFFC00  }
0x31b: {  	_ =	swait.ge [sflag:s18], $0x400  }
0x31c: {  	[sflag:s18] =	ssyncset.done $0x0  }
0x31d: {  	[sflag:s18] =	ssyncadd.s32 $0xFFFFFC00  }
0x31e: {  	_ =	swait.ge [sflag:s18], $0x400  }
0x31f: {  	[sflag:s18] =	ssyncset.done $0x0  }
0x320: {  	[sflag:s18] =	ssyncadd.s32 $0xFFFFFC00  }
0x321: {  	_ =	swait.ge [sflag:s18], $0x400  }
0x322: {  	[sflag:s18] =	ssyncset.done $0x0  }
0x323: {  	[sflag:s18] =	ssyncadd.s32 $0xFFFFFC00  }
0x324: {  	_ =	swait.ge [sflag:s18], $0x400  }
0x325: {  	[sflag:s18] =	ssyncset.done $0x0  }
0x326: {  	[sflag:s18] =	ssyncadd.s32 $0xFFFFFC00  }
0x327: {  	_ =	swait.ge [sflag:s18], $0x400  }
0x328: {  	[sflag:s18] =	ssyncset.done $0x0  }
0x329: {  	[sflag:s18] =	ssyncadd.s32 $0xFFFFFC00  }
0x32a: {  	_ =	swait.ge [sflag:s18], $0x400  }
0x32b: {  	[sflag:s18] =	ssyncset.done $0x0  }
0x32c: {  	[sflag:s18] =	ssyncadd.s32 $0xFFFFFC00  }
0x32d: {  	_ =	swait.ge [sflag:s18], $0x400  }
0x32e: {  	[sflag:s18] =	ssyncset.done $0x0  }
0x32f: {  	[sflag:s18] =	ssyncadd.s32 $0xFFFFFC00  }
0x330: {  	_ =	swait.ge [sflag:s18], $0x400  }
0x331: {  	[sflag:s18] =	ssyncset.done $0x0  }
0x332: {  	[sflag:s18] =	ssyncadd.s32 $0xFFFFFC00  }
0x333: {  	_ =	swait.ge [sflag:s18], $0x400  }
0x334: {  	[sflag:s18] =	ssyncset.done $0x0  }
0x335: {  	[sflag:s18] =	ssyncadd.s32 $0xFFFFFC00  }
0x336: {  	_ =	swait.ge [sflag:s18], $0x400  }
0x337: {  	[sflag:s18] =	ssyncset.done $0x0  }
0x338: {  	[sflag:s18] =	ssyncadd.s32 $0xFFFFFC00  }
0x339: {  	_ =	swait.ge [sflag:s18], $0x400  }
0x33a: {  	[sflag:s18] =	ssyncset.done $0x0  }
0x33b: {  	[sflag:s18] =	ssyncadd.s32 $0xFFFFFC00  }
0x33c: {  	_ =	swait.ge [sflag:s18], $0x400  }
0x33d: {  	[sflag:s18] =	ssyncset.done $0x0  }
0x33e: {  	[sflag:s18] =	ssyncadd.s32 $0xFFFFFC00  }
0x33f: {  	_ =	swait.ge [sflag:s18], $0x400  }
0x340: {  	[sflag:s18] =	ssyncset.done $0x0  }
0x341: {  	[sflag:s18] =	ssyncadd.s32 $0xFFFFFC00  }
0x342: {  	_ =	swait.ge [sflag:s18], $0x400  }
0x343: {  	[sflag:s18] =	ssyncset.done $0x0  }
0x344: {  	[sflag:s18] =	ssyncadd.s32 $0xFFFFFC00  }
0x345: {  	_ =	swait.ge [sflag:s18], $0x400  }
0x346: {  	[sflag:s18] =	ssyncset.done $0x0  }
0x347: {  	[sflag:s18] =	ssyncadd.s32 $0xFFFFFC00  }
0x348: {  	_ =	swait.ge [sflag:s18], $0x400  }
0x349: {  	[sflag:s18] =	ssyncset.done $0x0  }
0x34a: {  	[sflag:s18] =	ssyncadd.s32 $0xFFFFFC00  }
0x34b: {  	_ =	swait.ge [sflag:s18], $0x400  }
0x34c: {  	[sflag:s18] =	ssyncset.done $0x0  }
0x34d: {  	[sflag:s18] =	ssyncadd.s32 $0xFFFFFC00  }
0x34e: {  	_ =	swait.ge [sflag:s18], $0x400  }
0x34f: {  	[sflag:s18] =	ssyncset.done $0x0  }
0x350: {  	[sflag:s18] =	ssyncadd.s32 $0xFFFFFC00  }
0x351: {  	_ =	swait.ge [sflag:s18], $0x400  }
0x352: {  	[sflag:s18] =	ssyncset.done $0x0  }
0x353: {  	[sflag:s18] =	ssyncadd.s32 $0xFFFFFC00  }
0x354: {  	_ =	swait.ge [sflag:s18], $0x400  }
0x355: {  	[sflag:s18] =	ssyncset.done $0x0  }
0x356: {  	[sflag:s18] =	ssyncadd.s32 $0xFFFFFC00  }
0x357: {  	_ =	swait.ge [sflag:s18], $0x400  }
0x358: {  	[sflag:s18] =	ssyncset.done $0x0  }
0x359: {  	[sflag:s18] =	ssyncadd.s32 $0xFFFFFC00  }
0x35a: {  	_ =	swait.ge [sflag:s18], $0x400  }
0x35b: {  	[sflag:s18] =	ssyncset.done $0x0  }
0x35c: {  	[sflag:s18] =	ssyncadd.s32 $0xFFFFFC00  }
0x35d: {  	_ =	swait.ge [sflag:s18], $0x400  }
0x35e: {  	s20 =	rddreg [dreg:$0x5]  }
0x35f: {  	s15 =	rddreg [dreg:$0x4];
	s20 =	sadd.s32 $0x1, s20  }
0x360: {  	p0 =	sne.s32 s20, s15  }
.Ltmp3:
0x361: {  	_ = 	snop;
	(pc) =	sbr.rel @p0 .LBB2_1-.Ltmp3, $3  }
0x362: {  	_ =	sdelay $0x1  }
0x363: {  	[sflag:s18] =	ssyncset.done $0x0  }
0x364: {  	[sflag:s18] =	ssyncadd.s32 $0xFFFFFC00  }
0x365: {  	_ =	sfence.sel $0x180000  }
0x366: {  	[bflag:$0x0] =	sbarrier.arrive $0xFFFF  }
0x367: {  	_ =	strace $0x90000047  }
0x368: {  	s0 =	stileid.u32;
	[bflag:$0x2] =	sbarrier.arrive $0xFFFF  }
0x369: {  	p0 =	sne.s32 s0, $0x0;
	s0 =	rddreg [dreg:$0x2]  }
0x36a: {  	s0 =	sadd.s32 @!p0 $0x100000, s0  }
0x36b: {  	[sflag:s0] =	ssyncadd.tile.s32 @!p0 $0x1;
	_ =	shalt  }
.Lfunc_end2:
_tile_overlayer_lowered:
.L_overlay_start_2:
0x36c: {  	(tag) =	ssettag $0x2  }
0x36d: {  	s0 =	rddreg [dreg:$0x0];
	s2 =	stileid.u32  }
0x36e: {  	s1 =	rddreg [dreg:$0x1];
	p0 =	sne.s32 s2, $0x0  }
0x36f: {  	s3 =	rddreg [dreg:$0x2];
	[bflag:$0x3] =	sbarrier.arrive $0xFFFF;
	s2 =	simm.s32 @!p0 $0x1C03  }
0x370: {  	[timem:s3], [sflag:s2] =	dma.local @!p0 [hbm:s0], s1  }
0x371: {  	s0 =	simm.s32 @!p0 $0x3  }
0x372: {  	_ =	swait.ge @!p0 [sflag:s0], s1  }
0x373: {  	s1 =	ssub.s32 @!p0 $0x0, s1;
	[sflag:s0] =	ssyncset.done @!p0 $0x0  }
0x374: {  	[sflag:s0] =	ssyncadd.s32 @!p0 s1  }
0x375: {  	[bflag:$0x3] =	sbarrier.arrive $0xFFFF  }
0x376: {  	_ =	shalt  }

</sc_bundles>
